<compile_context>
chip_gen: v7x
topology: tpu7x:2x2x1
jax: 0.10.2.dev20260603
libtpu: 0.0.44.dev20260713+nightly
codegen_flags: <defaults>
</compile_context>

<pallas_src>
import functools
import math

import jax
import jax.numpy as jnp
from jax import lax
from jax.experimental import pallas as pl
from jax.experimental.pallas import tpu as pltpu
from jax.experimental.pallas import tpu_sc as plsc

_TINY = 1e-13
_IDX_CHUNK = 96


def _sc_gather_rows(wpair, ids, n_ids, d):
    info = plsc.get_sparse_core_info()
    nc, ns = info.num_cores, info.num_subcores
    nw = nc * ns
    per_w = n_ids // nw
    chunks = per_w // _IDX_CHUNK
    mesh = plsc.VectorSubcoreMesh(core_axis_name="c", subcore_axis_name="s")

    @functools.partial(
        pl.kernel,
        mesh=mesh,
        out_type=jax.ShapeDtypeStruct((n_ids, 2 * d), jnp.float32),
        scratch_types=[
            pltpu.VMEM((per_w,), jnp.int32),
            pltpu.VMEM((per_w, 2 * d), jnp.float32),
            pltpu.SemaphoreType.DMA,
        ],
        compiler_params=pltpu.CompilerParams(use_tc_tiling_on_sc=True,
                                             needs_layout_passes=False),
    )
    def gather(table_hbm, idx_hbm, w_out, idx_v, rows_v, sem_w):
        cid = lax.axis_index("c")
        sid = lax.axis_index("s")
        wid = sid * nc + cid
        base = wid * per_w
        pltpu.sync_copy(idx_hbm.at[pl.ds(base, per_w)], idx_v)
        copies = []
        for c in range(chunks):
            sl = pl.ds(c * _IDX_CHUNK, _IDX_CHUNK)
            copies.append(pltpu.async_copy(
                table_hbm.at[idx_v.at[sl]], rows_v.at[sl], sem_w))
        for cp in copies:
            cp.wait()
        pltpu.sync_copy(rows_v, w_out.at[pl.ds(base, per_w)])

    return gather(wpair, ids)


def _sc_bias_flags(bias, ids, n_ids, batch, n_sampled):
    v = bias.shape[0]
    info = plsc.get_sparse_core_info()
    nc, ns = info.num_cores, info.num_subcores
    nw = nc * ns
    per_w = n_ids // nw
    chunks = per_w // _IDX_CHUNK
    tgt_per_w = batch // nw
    smp_per_s = n_sampled // ns
    nwords = ((v // 32 + ns * 8 - 1) // (ns * 8)) * (ns * 8)
    zslice = nwords // ns
    mesh = plsc.VectorSubcoreMesh(core_axis_name="c", subcore_axis_name="s")

    @functools.partial(
        pl.kernel,
        mesh=mesh,
        out_type=[
            jax.ShapeDtypeStruct((n_ids,), jnp.float32),
            jax.ShapeDtypeStruct((batch,), jnp.float32),
        ],
        scratch_types=[
            pltpu.VMEM((per_w,), jnp.int32),
            pltpu.VMEM((per_w,), jnp.float32),
            pltpu.VMEM((tgt_per_w,), jnp.int32),
            pltpu.VMEM((smp_per_s,), jnp.int32),
            pltpu.VMEM((smp_per_s,), jnp.int32),
            pltpu.VMEM((smp_per_s,), jnp.int32),
            pltpu.VMEM((tgt_per_w,), jnp.int32),
            pltpu.VMEM((tgt_per_w,), jnp.int32),
            pltpu.VMEM((tgt_per_w,), jnp.float32),
            pltpu.VMEM((zslice,), jnp.int32),
            pltpu.VMEM_SHARED((nwords,), jnp.int32),
            pltpu.SemaphoreType.DMA,
        ],
        compiler_params=pltpu.CompilerParams(use_tc_tiling_on_sc=False,
                                             needs_layout_passes=False),
    )
    def gather(bias_hbm, idx_hbm, b_out, f_out,
               idx_v, bflat_v, tgt_v, smp_v, sw_v, sv_v,
               tw_v, words_v, fl_v, z_v, bitmap, sem_b):
        cid = lax.axis_index("c")
        sid = lax.axis_index("s")
        wid = sid * nc + cid
        base = wid * per_w

        pltpu.sync_copy(idx_hbm.at[pl.ds(base, per_w)], idx_v)
        copies = []
        for c in range(chunks):
            sl = pl.ds(c * _IDX_CHUNK, _IDX_CHUNK)
            copies.append(pltpu.async_copy(
                bias_hbm.at[idx_v.at[sl]], bflat_v.at[sl], sem_b))

        for j in range(zslice // 16):
            z_v[pl.ds(j * 16, 16)] = jnp.zeros((16,), jnp.int32)
        pltpu.sync_copy(z_v, bitmap.at[pl.ds(sid * zslice, zslice)])
        plsc.subcore_barrier()
        pltpu.sync_copy(idx_hbm.at[pl.ds(batch + sid * smp_per_s,
                                         smp_per_s)], smp_v)
        one = jnp.ones((16,), jnp.int32)
        for j in range(smp_per_s // 16):
            sl = pl.ds(j * 16, 16)
            sids = smp_v[sl]
            sw_v[sl] = lax.shift_right_logical(sids, 5)
            sv_v[sl] = lax.shift_left(one, jnp.bitwise_and(sids, 31))
        pltpu.sync_copy(sv_v, bitmap.at[sw_v], add=True)
        plsc.subcore_barrier()

        pltpu.sync_copy(idx_hbm.at[pl.ds(wid * tgt_per_w, tgt_per_w)],
                        tgt_v)
        for j in range(tgt_per_w // 16):
            sl = pl.ds(j * 16, 16)
            tw_v[sl] = lax.shift_right_logical(tgt_v[sl], 5)
        pltpu.sync_copy(bitmap.at[tw_v], words_v)
        for j in range(tgt_per_w // 16):
            sl = pl.ds(j * 16, 16)
            bit = jnp.bitwise_and(tgt_v[sl], 31)
            f = jnp.bitwise_and(
                lax.shift_right_logical(words_v[sl], bit), 1)
            fl_v[sl] = f.astype(jnp.float32)
        pltpu.sync_copy(fl_v, f_out.at[pl.ds(wid * tgt_per_w, tgt_per_w)])

        for cp in copies:
            cp.wait()
        pltpu.sync_copy(bflat_v, b_out.at[pl.ds(base, per_w)])

    return gather(bias, ids)


def _tc_body(nt_ref, emb_ref, twp_ref, swp_ref, tb_ref, sb_ref, tgt_ref,
             sid_ref, fl_ref, out_ref, sws_ref, *, log_nw_p1, d):
    i = pl.program_id(0)
    nt = nt_ref[0, 0]

    emb = emb_ref[...]
    twp = twp_ref[...]
    tb = tb_ref[...]
    sb = sb_ref[...]
    tgt = tgt_ref[...]
    sid = sid_ref[...]
    fl = fl_ref[...]

    @pl.when(i == 0)
    def _():
        swp = swp_ref[...]
        sws_ref[...] = swp[:, 0:d].astype(jnp.bfloat16)

    tw = twp[:, 0:d]

    t = tgt.astype(jnp.float32)
    tp = jnp.log((t + 2.0) / (t + 1.0)) * (1.0 / log_nw_p1)
    tec = 1.0 - jnp.exp(nt * jnp.log(1.0 - tp))
    true_logits = (jnp.sum(tw * emb, axis=1, keepdims=True) + tb
                   - jnp.log(tec + _TINY))

    s = sid.astype(jnp.float32)
    sp = jnp.log((s + 2.0) / (s + 1.0)) * (1.0 / log_nw_p1)
    sec = 1.0 - jnp.exp(nt * jnp.log(1.0 - sp))
    col_adj = sb - jnp.log(sec + _TINY)
    mcol = jnp.max(col_adj)
    ecol = jnp.exp(col_adj)

    dots = lax.dot_general(emb.astype(jnp.bfloat16), sws_ref[...],
                           (((1,), (1,)), ((), ())),
                           preferred_element_type=jnp.float32)
    mdot = jnp.max(dots, axis=1, keepdims=True)
    m = jnp.maximum(mdot + mcol, true_logits)
    q = jnp.exp(dots - m) * ecol
    se = (jnp.sum(q, axis=1, keepdims=True)
          + (1.0 - fl) * jnp.exp(true_logits - m))
    lse = m + jnp.log(se)
    part = jnp.sum(lse - true_logits, axis=(0, 1), keepdims=True)

    @pl.when(i == 0)
    def _():
        out_ref[...] = jnp.zeros_like(part)

    out_ref[...] += part


def kernel(embeddings, softmax_w, softmax_b, targets, sampled_ids, num_tries):
    b, d = embeddings.shape
    v = softmax_w.shape[0]
    s = sampled_ids.shape[0]
    n_ids = b + s
    log_nw_p1 = math.log(v + 1)

    wpad = jnp.pad(softmax_w, ((0, 0), (0, d)))
    all_ids = jnp.concatenate([targets, sampled_ids]).astype(jnp.int32)
    all_wp = _sc_gather_rows(wpad, all_ids, n_ids, d)
    all_b, flags = _sc_bias_flags(softmax_b, all_ids, n_ids, b, s)

    tb = all_b[:b].reshape(b, 1)
    sb = all_b[b:].reshape(1, s)
    tgt2 = targets.reshape(b, 1)
    sid2 = sampled_ids.reshape(1, s)
    fl2 = flags.reshape(b, 1)
    nt = jnp.reshape(num_tries, (1, 1)).astype(jnp.float32)

    tile = 256
    grid = (b // tile,)
    out = pl.pallas_call(
        functools.partial(_tc_body, log_nw_p1=log_nw_p1, d=d),
        grid=grid,
        in_specs=[
            pl.BlockSpec(memory_space=pltpu.SMEM),
            pl.BlockSpec((tile, d), lambda i: (i, 0)),
            pl.BlockSpec((tile, 2 * d), lambda i: (i, 0)),
            pl.BlockSpec((s, 2 * d), lambda i: (b // s, 0)),
            pl.BlockSpec((tile, 1), lambda i: (i, 0)),
            pl.BlockSpec((1, s), lambda i: (0, 0)),
            pl.BlockSpec((tile, 1), lambda i: (i, 0)),
            pl.BlockSpec((1, s), lambda i: (0, 0)),
            pl.BlockSpec((tile, 1), lambda i: (i, 0)),
        ],
        out_specs=pl.BlockSpec((1, 1), lambda i: (0, 0)),
        out_shape=jax.ShapeDtypeStruct((1, 1), jnp.float32),
        scratch_shapes=[pltpu.VMEM((s, d), jnp.bfloat16)],
        compiler_params=pltpu.CompilerParams(
            dimension_semantics=("arbitrary",)),
    )(nt, embeddings, all_wp, all_wp, tb, sb, tgt2, sid2, fl2)
    return out[0, 0]

# --- scband reference (transcript-rebuilt; emitter-appended) ---
"""Pipeline reference for scband-sampled-softmax-loss-2310692405625 (READ-ONLY COPY).

The authoritative reference and input builder live on the scoring server;
editing this copy changes nothing except your own understanding.
"""

import jax, jax.numpy as jnp
import numpy as np

NUM_WORDS = 1000000
EMBED_DIM = 64
NUM_SAMPLES = 8192
BATCH = 16384
LOG_NW_P1 = float(np.log(NUM_WORDS + 1))
TINY = 1e-13


def _choice(num_words, num_samples, rng):
    # Faithful port of the module's log-uniform candidate sampler (numpy, setup-time only).
    num_tries = 0
    def get_buffer():
        log_samples = rng.rand(num_samples) * np.log(num_words + 1)
        samples = np.exp(log_samples).astype('int64') - 1
        return np.clip(samples, a_min=0, a_max=num_words - 1)
    sample_buffer = get_buffer()
    buffer_index = 0
    samples = set()
    while len(samples) < num_samples:
        num_tries += 1
        sample_id = int(sample_buffer[buffer_index])
        if sample_id not in samples:
            samples.add(sample_id)
        buffer_index += 1
        if buffer_index == num_samples:
            sample_buffer = get_buffer()
            buffer_index = 0
    return np.array(list(samples), dtype=np.int64), num_tries


def setup_inputs(seed: int = 0) -> dict:
    key = jax.random.key(seed)
    k1, k2, k3 = jax.random.split(key, 3)
    embeddings = jax.random.normal(k1, (BATCH, EMBED_DIM), dtype=jnp.float32)
    targets = jax.random.randint(k2, (BATCH,), 0, NUM_WORDS)
    softmax_w = jax.random.normal(k3, (NUM_WORDS, EMBED_DIM), dtype=jnp.float32) / np.sqrt(EMBED_DIM)
    softmax_b = jnp.zeros((NUM_WORDS,), dtype=jnp.float32)
    rng = np.random.RandomState(0)
    sampled_ids_np, num_tries = _choice(NUM_WORDS, NUM_SAMPLES, rng)
    return {
        'embeddings': embeddings,
        'softmax_w': softmax_w,
        'softmax_b': softmax_b,
        'targets': targets,
        'sampled_ids': jnp.asarray(sampled_ids_np),
        'num_tries': jnp.float32(num_tries),
    }


def reference(embeddings, softmax_w, softmax_b, targets, sampled_ids, num_tries):
    # _forward_train path of SampledSoftmaxLoss (dense, non-sparse branch)
    all_ids = jnp.concatenate([targets, sampled_ids], axis=0)
    all_w = jnp.take(softmax_w, all_ids, axis=0)
    all_b = jnp.take(softmax_b, all_ids, axis=0)
    batch_size = targets.shape[0]
    true_w = all_w[:batch_size, :]
    sampled_w = all_w[batch_size:, :]
    true_b = all_b[:batch_size]
    sampled_b = all_b[batch_size:]
    t = targets.astype(jnp.float32)
    target_probs = jnp.log((t + 2.0) / (t + 1.0)) / LOG_NW_P1
    target_expected_count = -1.0 * (jnp.exp(num_tries * jnp.log1p(-target_probs)) - 1.0)
    s = sampled_ids.astype(jnp.float32)
    sampled_probs = jnp.log((s + 2.0) / (s + 1.0)) / LOG_NW_P1
    sampled_expected_count = -1.0 * (jnp.exp(num_tries * jnp.log1p(-sampled_probs)) - 1.0)
    true_logits = jnp.sum(true_w * embeddings, axis=1) + true_b - jnp.log(target_expected_count + TINY)
    sampled_logits = jnp.matmul(embeddings, sampled_w.T) + sampled_b - jnp.log(sampled_expected_count + TINY)
    true_in_sample_mask = sampled_ids[None, :] == targets[:, None]
    masked_sampled_logits = jnp.where(true_in_sample_mask, -10000.0, sampled_logits)
    logits = jnp.concatenate([true_logits[:, None], masked_sampled_logits], axis=1)
    log_softmax = jax.nn.log_softmax(logits, axis=1)
    nll_loss = -1.0 * jnp.sum(log_softmax[:, 0])
    return nll_loss

if __name__ == "__main__":
    import jax
    _d = setup_inputs()
    print(jax.jit(kernel)(*tuple(_d.values())))

</pallas_src>

<mosaic_0001>
#map = affine_map<(d0, d1) -> (0)>
module attributes {stable_mosaic.version = 14 : i64} {
  func.func @gather(%arg0: i32, %arg1: i32, %arg2: memref<1000000xf32, #tpu.memory_space<hbm>>, %arg3: memref<24576xi32, #tpu.memory_space<hbm>>, %arg4: memref<24576xf32, #tpu.memory_space<hbm>>, %arg5: memref<16384xf32, #tpu.memory_space<hbm>>, %arg6: memref<768xi32, #tpu.memory_space<vmem>>, %arg7: memref<768xf32, #tpu.memory_space<vmem>>, %arg8: memref<512xi32, #tpu.memory_space<vmem>>, %arg9: memref<512xi32, #tpu.memory_space<vmem>>, %arg10: memref<512xi32, #tpu.memory_space<vmem>>, %arg11: memref<512xi32, #tpu.memory_space<vmem>>, %arg12: memref<512xi32, #tpu.memory_space<vmem>>, %arg13: memref<512xi32, #tpu.memory_space<vmem>>, %arg14: memref<512xf32, #tpu.memory_space<vmem>>, %arg15: memref<1960xi32, #tpu.memory_space<vmem>>, %arg16: memref<31360xi32, #tpu.memory_space<vmem_shared>>, %arg17: memref<!tpu.dma_semaphore, #tpu.memory_space<semaphore_mem>>) attributes {dimension_semantics = [#tpu.dimension_semantics<core_parallel>, #tpu.dimension_semantics<subcore_parallel>], iteration_bounds = array<i64: 2, 16>, scalar_prefetch = 0 : i64, scratch_operands = 12 : i64, tpu.core_type = #tpu.core_type<sc_vector_subcore>, window_params = [{transform_indices = #map}, {transform_indices = #map}, {transform_indices = #map}, {transform_indices = #map}]} {
    %mul3A = arith.constant 2 : i32
    %mul3A_0 = arith.muli %arg1, %mul3A : i32
    %add3A = arith.addi %mul3A_0, %arg0 : i32
    %mul3A_1 = arith.constant 768 : i32
    %mul3A_2 = arith.muli %add3A, %mul3A_1 : i32
    "tpu.region"() ({
      %run_scoped3A = tpu.sem_alloc : memref<!tpu.dma_semaphore, #tpu.memory_space<semaphore_mem>>
      %dma_start3A_1679 = tpu.memref_slice %arg3[%mul3A_2] : memref<24576xi32, #tpu.memory_space<hbm>> -> memref<768xi32, #tpu.memory_space<hbm>>
      %dma_start3A_1680 = tpu.memref_slice %arg3[%mul3A_2] : memref<24576xi32, #tpu.memory_space<hbm>> -> memref<768xi32, #tpu.memory_space<hbm>>
      tpu.enqueue_dma source(%dma_start3A_1680 : memref<768xi32, #tpu.memory_space<hbm>>) target(%arg6 : memref<768xi32, #tpu.memory_space<vmem>>) target_semaphore(%run_scoped3A : memref<!tpu.dma_semaphore, #tpu.memory_space<semaphore_mem>>)
      %dma_wait3A_1681 = tpu.memref_slice %arg3[%mul3A_2] : memref<24576xi32, #tpu.memory_space<hbm>> -> memref<768xi32, #tpu.memory_space<hbm>>
      %dma_wait3A_1682 = tpu.memref_slice %arg3[%mul3A_2] : memref<24576xi32, #tpu.memory_space<hbm>> -> memref<768xi32, #tpu.memory_space<hbm>>
      tpu.wait_dma2 semaphore(%run_scoped3A : memref<!tpu.dma_semaphore, #tpu.memory_space<semaphore_mem>>) src(%dma_wait3A_1682 : memref<768xi32, #tpu.memory_space<hbm>>) dst(%arg6 : memref<768xi32, #tpu.memory_space<vmem>>)
      tpu.yield
    }) : () -> ()
    %dma_start3A = arith.constant 0 : i32
    %dma_start3A_3 = tpu.memref_slice %arg7[%dma_start3A] : memref<768xf32, #tpu.memory_space<vmem>> -> memref<96xf32, #tpu.memory_space<vmem>>
    %dma_start3A_4 = arith.constant 0 : i32
    %dma_start3A_5 = tpu.memref_slice %arg6[%dma_start3A_4] : memref<768xi32, #tpu.memory_space<vmem>> -> memref<96xi32, #tpu.memory_space<vmem>>
    %dma_start3A_6 = arith.constant 0 : i32
    %dma_start3A_7 = tpu.memref_slice %arg2[%dma_start3A_6] : memref<1000000xf32, #tpu.memory_space<hbm>> -> memref<1000000xf32, #tpu.memory_space<hbm>>
    tpu.enqueue_indirect_dma source(%dma_start3A_7 : memref<1000000xf32, #tpu.memory_space<hbm>>) target(%dma_start3A_3 : memref<96xf32, #tpu.memory_space<vmem>>) offsets(%dma_start3A_5 : memref<96xi32, #tpu.memory_space<vmem>>) semaphore(%arg17 : memref<!tpu.dma_semaphore, #tpu.memory_space<semaphore_mem>>)
    %dma_start3A_8 = arith.constant 96 : i32
    %dma_start3A_9 = tpu.memref_slice %arg7[%dma_start3A_8] : memref<768xf32, #tpu.memory_space<vmem>> -> memref<96xf32, #tpu.memory_space<vmem>>
    %dma_start3A_10 = arith.constant 96 : i32
    %dma_start3A_11 = tpu.memref_slice %arg6[%dma_start3A_10] : memref<768xi32, #tpu.memory_space<vmem>> -> memref<96xi32, #tpu.memory_space<vmem>>
    %dma_start3A_12 = arith.constant 0 : i32
    %dma_start3A_13 = tpu.memref_slice %arg2[%dma_start3A_12] : memref<1000000xf32, #tpu.memory_space<hbm>> -> memref<1000000xf32, #tpu.memory_space<hbm>>
    tpu.enqueue_indirect_dma source(%dma_start3A_13 : memref<1000000xf32, #tpu.memory_space<hbm>>) target(%dma_start3A_9 : memref<96xf32, #tpu.memory_space<vmem>>) offsets(%dma_start3A_11 : memref<96xi32, #tpu.memory_space<vmem>>) semaphore(%arg17 : memref<!tpu.dma_semaphore, #tpu.memory_space<semaphore_mem>>)
    %dma_start3A_14 = arith.constant 192 : i32
    %dma_start3A_15 = tpu.memref_slice %arg7[%dma_start3A_14] : memref<768xf32, #tpu.memory_space<vmem>> -> memref<96xf32, #tpu.memory_space<vmem>>
    %dma_start3A_16 = arith.constant 192 : i32
    %dma_start3A_17 = tpu.memref_slice %arg6[%dma_start3A_16] : memref<768xi32, #tpu.memory_space<vmem>> -> memref<96xi32, #tpu.memory_space<vmem>>
    %dma_start3A_18 = arith.constant 0 : i32
    %dma_start3A_19 = tpu.memref_slice %arg2[%dma_start3A_18] : memref<1000000xf32, #tpu.memory_space<hbm>> -> memref<1000000xf32, #tpu.memory_space<hbm>>
    tpu.enqueue_indirect_dma source(%dma_start3A_19 : memref<1000000xf32, #tpu.memory_space<hbm>>) target(%dma_start3A_15 : memref<96xf32, #tpu.memory_space<vmem>>) offsets(%dma_start3A_17 : memref<96xi32, #tpu.memory_space<vmem>>) semaphore(%arg17 : memref<!tpu.dma_semaphore, #tpu.memory_space<semaphore_mem>>)
    %dma_start3A_20 = arith.constant 288 : i32
    %dma_start3A_21 = tpu.memref_slice %arg7[%dma_start3A_20] : memref<768xf32, #tpu.memory_space<vmem>> -> memref<96xf32, #tpu.memory_space<vmem>>
    %dma_start3A_22 = arith.constant 288 : i32
    %dma_start3A_23 = tpu.memref_slice %arg6[%dma_start3A_22] : memref<768xi32, #tpu.memory_space<vmem>> -> memref<96xi32, #tpu.memory_space<vmem>>
    %dma_start3A_24 = arith.constant 0 : i32
    %dma_start3A_25 = tpu.memref_slice %arg2[%dma_start3A_24] : memref<1000000xf32, #tpu.memory_space<hbm>> -> memref<1000000xf32, #tpu.memory_space<hbm>>
    tpu.enqueue_indirect_dma source(%dma_start3A_25 : memref<1000000xf32, #tpu.memory_space<hbm>>) target(%dma_start3A_21 : memref<96xf32, #tpu.memory_space<vmem>>) offsets(%dma_start3A_23 : memref<96xi32, #tpu.memory_space<vmem>>) semaphore(%arg17 : memref<!tpu.dma_semaphore, #tpu.memory_space<semaphore_mem>>)
    %dma_start3A_26 = arith.constant 384 : i32
    %dma_start3A_27 = tpu.memref_slice %arg7[%dma_start3A_26] : memref<768xf32, #tpu.memory_space<vmem>> -> memref<96xf32, #tpu.memory_space<vmem>>
    %dma_start3A_28 = arith.constant 384 : i32
    %dma_start3A_29 = tpu.memref_slice %arg6[%dma_start3A_28] : memref<768xi32, #tpu.memory_space<vmem>> -> memref<96xi32, #tpu.memory_space<vmem>>
    %dma_start3A_30 = arith.constant 0 : i32
    %dma_start3A_31 = tpu.memref_slice %arg2[%dma_start3A_30] : memref<1000000xf32, #tpu.memory_space<hbm>> -> memref<1000000xf32, #tpu.memory_space<hbm>>
    tpu.enqueue_indirect_dma source(%dma_start3A_31 : memref<1000000xf32, #tpu.memory_space<hbm>>) target(%dma_start3A_27 : memref<96xf32, #tpu.memory_space<vmem>>) offsets(%dma_start3A_29 : memref<96xi32, #tpu.memory_space<vmem>>) semaphore(%arg17 : memref<!tpu.dma_semaphore, #tpu.memory_space<semaphore_mem>>)
    %dma_start3A_32 = arith.constant 480 : i32
    %dma_start3A_33 = tpu.memref_slice %arg7[%dma_start3A_32] : memref<768xf32, #tpu.memory_space<vmem>> -> memref<96xf32, #tpu.memory_space<vmem>>
    %dma_start3A_34 = arith.constant 480 : i32
    %dma_start3A_35 = tpu.memref_slice %arg6[%dma_start3A_34] : memref<768xi32, #tpu.memory_space<vmem>> -> memref<96xi32, #tpu.memory_space<vmem>>
    %dma_start3A_36 = arith.constant 0 : i32
    %dma_start3A_37 = tpu.memref_slice %arg2[%dma_start3A_36] : memref<1000000xf32, #tpu.memory_space<hbm>> -> memref<1000000xf32, #tpu.memory_space<hbm>>
    tpu.enqueue_indirect_dma source(%dma_start3A_37 : memref<1000000xf32, #tpu.memory_space<hbm>>) target(%dma_start3A_33 : memref<96xf32, #tpu.memory_space<vmem>>) offsets(%dma_start3A_35 : memref<96xi32, #tpu.memory_space<vmem>>) semaphore(%arg17 : memref<!tpu.dma_semaphore, #tpu.memory_space<semaphore_mem>>)
    %dma_start3A_38 = arith.constant 576 : i32
    %dma_start3A_39 = tpu.memref_slice %arg7[%dma_start3A_38] : memref<768xf32, #tpu.memory_space<vmem>> -> memref<96xf32, #tpu.memory_space<vmem>>
    %dma_start3A_40 = arith.constant 576 : i32
    %dma_start3A_41 = tpu.memref_slice %arg6[%dma_start3A_40] : memref<768xi32, #tpu.memory_space<vmem>> -> memref<96xi32, #tpu.memory_space<vmem>>
    %dma_start3A_42 = arith.constant 0 : i32
    %dma_start3A_43 = tpu.memref_slice %arg2[%dma_start3A_42] : memref<1000000xf32, #tpu.memory_space<hbm>> -> memref<1000000xf32, #tpu.memory_space<hbm>>
    tpu.enqueue_indirect_dma source(%dma_start3A_43 : memref<1000000xf32, #tpu.memory_space<hbm>>) target(%dma_start3A_39 : memref<96xf32, #tpu.memory_space<vmem>>) offsets(%dma_start3A_41 : memref<96xi32, #tpu.memory_space<vmem>>) semaphore(%arg17 : memref<!tpu.dma_semaphore, #tpu.memory_space<semaphore_mem>>)
    %dma_start3A_44 = arith.constant 672 : i32
    %dma_start3A_45 = tpu.memref_slice %arg7[%dma_start3A_44] : memref<768xf32, #tpu.memory_space<vmem>> -> memref<96xf32, #tpu.memory_space<vmem>>
    %dma_start3A_46 = arith.constant 672 : i32
    %dma_start3A_47 = tpu.memref_slice %arg6[%dma_start3A_46] : memref<768xi32, #tpu.memory_space<vmem>> -> memref<96xi32, #tpu.memory_space<vmem>>
    %dma_start3A_48 = arith.constant 0 : i32
    %dma_start3A_49 = tpu.memref_slice %arg2[%dma_start3A_48] : memref<1000000xf32, #tpu.memory_space<hbm>> -> memref<1000000xf32, #tpu.memory_space<hbm>>
    tpu.enqueue_indirect_dma source(%dma_start3A_49 : memref<1000000xf32, #tpu.memory_space<hbm>>) target(%dma_start3A_45 : memref<96xf32, #tpu.memory_space<vmem>>) offsets(%dma_start3A_47 : memref<96xi32, #tpu.memory_space<vmem>>) semaphore(%arg17 : memref<!tpu.dma_semaphore, #tpu.memory_space<semaphore_mem>>)
    %broadcast_in_dim3A = arith.constant 0 : i32
    %broadcast_in_dim3A_50 = vector.broadcast %broadcast_in_dim3A : i32 to vector<16xi32>
    %swap3A = arith.constant 0 : index
    %swap3A_51 = tpu.vector_load %arg15[%swap3A] {strides = array<i32>} : memref<1960xi32, #tpu.memory_space<vmem>>, vector<16xi32>,
    tpu.vector_store %arg15[%swap3A], %broadcast_in_dim3A_50 {strides = array<i32>} : memref<1960xi32, #tpu.memory_space<vmem>>, vector<16xi32>,
    %broadcast_in_dim3A_52 = arith.constant 0 : i32
    %broadcast_in_dim3A_53 = vector.broadcast %broadcast_in_dim3A_52 : i32 to vector<16xi32>
    %swap3A_54 = arith.constant 16 : index
    %swap3A_55 = tpu.vector_load %arg15[%swap3A_54] {strides = array<i32>} : memref<1960xi32, #tpu.memory_space<vmem>>, vector<16xi32>,
    tpu.vector_store %arg15[%swap3A_54], %broadcast_in_dim3A_53 {strides = array<i32>} : memref<1960xi32, #tpu.memory_space<vmem>>, vector<16xi32>,
    %broadcast_in_dim3A_56 = arith.constant 0 : i32
    %broadcast_in_dim3A_57 = vector.broadcast %broadcast_in_dim3A_56 : i32 to vector<16xi32>
    %swap3A_58 = arith.constant 32 : index
    %swap3A_59 = tpu.vector_load %arg15[%swap3A_58] {strides = array<i32>} : memref<1960xi32, #tpu.memory_space<vmem>>, vector<16xi32>,
    tpu.vector_store %arg15[%swap3A_58], %broadcast_in_dim3A_57 {strides = array<i32>} : memref<1960xi32, #tpu.memory_space<vmem>>, vector<16xi32>,
    %broadcast_in_dim3A_60 = arith.constant 0 : i32
    %broadcast_in_dim3A_61 = vector.broadcast %broadcast_in_dim3A_60 : i32 to vector<16xi32>
    %swap3A_62 = arith.constant 48 : index
    %swap3A_63 = tpu.vector_load %arg15[%swap3A_62] {strides = array<i32>} : memref<1960xi32, #tpu.memory_space<vmem>>, vector<16xi32>,
    tpu.vector_store %arg15[%swap3A_62], %broadcast_in_dim3A_61 {strides = array<i32>} : memref<1960xi32, #tpu.memory_space<vmem>>, vector<16xi32>,
    %broadcast_in_dim3A_64 = arith.constant 0 : i32
    %broadcast_in_dim3A_65 = vector.broadcast %broadcast_in_dim3A_64 : i32 to vector<16xi32>
    %swap3A_66 = arith.constant 64 : index
    %swap3A_67 = tpu.vector_load %arg15[%swap3A_66] {strides = array<i32>} : memref<1960xi32, #tpu.memory_space<vmem>>, vector<16xi32>,
    tpu.vector_store %arg15[%swap3A_66], %broadcast_in_dim3A_65 {strides = array<i32>} : memref<1960xi32, #tpu.memory_space<vmem>>, vector<16xi32>,
    %broadcast_in_dim3A_68 = arith.constant 0 : i32
    %broadcast_in_dim3A_69 = vector.broadcast %broadcast_in_dim3A_68 : i32 to vector<16xi32>
    %swap3A_70 = arith.constant 80 : index
    %swap3A_71 = tpu.vector_load %arg15[%swap3A_70] {strides = array<i32>} : memref<1960xi32, #tpu.memory_space<vmem>>, vector<16xi32>,
    tpu.vector_store %arg15[%swap3A_70], %broadcast_in_dim3A_69 {strides = array<i32>} : memref<1960xi32, #tpu.memory_space<vmem>>, vector<16xi32>,
    %broadcast_in_dim3A_72 = arith.constant 0 : i32
    %broadcast_in_dim3A_73 = vector.broadcast %broadcast_in_dim3A_72 : i32 to vector<16xi32>
    %swap3A_74 = arith.constant 96 : index
    %swap3A_75 = tpu.vector_load %arg15[%swap3A_74] {strides = array<i32>} : memref<1960xi32, #tpu.memory_space<vmem>>, vector<16xi32>,
    tpu.vector_store %arg15[%swap3A_74], %broadcast_in_dim3A_73 {strides = array<i32>} : memref<1960xi32, #tpu.memory_space<vmem>>, vector<16xi32>,
    %broadcast_in_dim3A_76 = arith.constant 0 : i32
    %broadcast_in_dim3A_77 = vector.broadcast %broadcast_in_dim3A_76 : i32 to vector<16xi32>
    %swap3A_78 = arith.constant 112 : index
    %swap3A_79 = tpu.vector_load %arg15[%swap3A_78] {strides = array<i32>} : memref<1960xi32, #tpu.memory_space<vmem>>, vector<16xi32>,
    tpu.vector_store %arg15[%swap3A_78], %broadcast_in_dim3A_77 {strides = array<i32>} : memref<1960xi32, #tpu.memory_space<vmem>>, vector<16xi32>,
    %broadcast_in_dim3A_80 = arith.constant 0 : i32
    %broadcast_in_dim3A_81 = vector.broadcast %broadcast_in_dim3A_80 : i32 to vector<16xi32>
    %swap3A_82 = arith.constant 128 : index
    %swap3A_83 = tpu.vector_load %arg15[%swap3A_82] {strides = array<i32>} : memref<1960xi32, #tpu.memory_space<vmem>>, vector<16xi32>,
    tpu.vector_store %arg15[%swap3A_82], %broadcast_in_dim3A_81 {strides = array<i32>} : memref<1960xi32, #tpu.memory_space<vmem>>, vector<16xi32>,
    %broadcast_in_dim3A_84 = arith.constant 0 : i32
    %broadcast_in_dim3A_85 = vector.broadcast %broadcast_in_dim3A_84 : i32 to vector<16xi32>
    %swap3A_86 = arith.constant 144 : index
    %swap3A_87 = tpu.vector_load %arg15[%swap3A_86] {strides = array<i32>} : memref<1960xi32, #tpu.memory_space<vmem>>, vector<16xi32>,
    tpu.vector_store %arg15[%swap3A_86], %broadcast_in_dim3A_85 {strides = array<i32>} : memref<1960xi32, #tpu.memory_space<vmem>>, vector<16xi32>,
    %broadcast_in_dim3A_88 = arith.constant 0 : i32
    %broadcast_in_dim3A_89 = vector.broadcast %broadcast_in_dim3A_88 : i32 to vector<16xi32>
    %swap3A_90 = arith.constant 160 : index
    %swap3A_91 = tpu.vector_load %arg15[%swap3A_90] {strides = array<i32>} : memref<1960xi32, #tpu.memory_space<vmem>>, vector<16xi32>,
    tpu.vector_store %arg15[%swap3A_90], %broadcast_in_dim3A_89 {strides = array<i32>} : memref<1960xi32, #tpu.memory_space<vmem>>, vector<16xi32>,
    %broadcast_in_dim3A_92 = arith.constant 0 : i32
    %broadcast_in_dim3A_93 = vector.broadcast %broadcast_in_dim3A_92 : i32 to vector<16xi32>
    %swap3A_94 = arith.constant 176 : index
    %swap3A_95 = tpu.vector_load %arg15[%swap3A_94] {strides = array<i32>} : memref<1960xi32, #tpu.memory_space<vmem>>, vector<16xi32>,
    tpu.vector_store %arg15[%swap3A_94], %broadcast_in_dim3A_93 {strides = array<i32>} : memref<1960xi32, #tpu.memory_space<vmem>>, vector<16xi32>,
    %broadcast_in_dim3A_96 = arith.constant 0 : i32
    %broadcast_in_dim3A_97 = vector.broadcast %broadcast_in_dim3A_96 : i32 to vector<16xi32>
    %swap3A_98 = arith.constant 192 : index
    %swap3A_99 = tpu.vector_load %arg15[%swap3A_98] {strides = array<i32>} : memref<1960xi32, #tpu.memory_space<vmem>>, vector<16xi32>,
    tpu.vector_store %arg15[%swap3A_98], %broadcast_in_dim3A_97 {strides = array<i32>} : memref<1960xi32, #tpu.memory_space<vmem>>, vector<16xi32>,
    %broadcast_in_dim3A_100 = arith.constant 0 : i32
    %broadcast_in_dim3A_101 = vector.broadcast %broadcast_in_dim3A_100 : i32 to vector<16xi32>
    %swap3A_102 = arith.constant 208 : index
    %swap3A_103 = tpu.vector_load %arg15[%swap3A_102] {strides = array<i32>} : memref<1960xi32, #tpu.memory_space<vmem>>, vector<16xi32>,
    tpu.vector_store %arg15[%swap3A_102], %broadcast_in_dim3A_101 {strides = array<i32>} : memref<1960xi32, #tpu.memory_space<vmem>>, vector<16xi32>,
    %broadcast_in_dim3A_104 = arith.constant 0 : i32
    %broadcast_in_dim3A_105 = vector.broadcast %broadcast_in_dim3A_104 : i32 to vector<16xi32>
    %swap3A_106 = arith.constant 224 : index
    %swap3A_107 = tpu.vector_load %arg15[%swap3A_106] {strides = array<i32>} : memref<1960xi32, #tpu.memory_space<vmem>>, vector<16xi32>,
    tpu.vector_store %arg15[%swap3A_106], %broadcast_in_dim3A_105 {strides = array<i32>} : memref<1960xi32, #tpu.memory_space<vmem>>, vector<16xi32>,
    %broadcast_in_dim3A_108 = arith.constant 0 : i32
    %broadcast_in_dim3A_109 = vector.broadcast %broadcast_in_dim3A_108 : i32 to vector<16xi32>
    %swap3A_110 = arith.constant 240 : index
    %swap3A_111 = tpu.vector_load %arg15[%swap3A_110] {strides = array<i32>} : memref<1960xi32, #tpu.memory_space<vmem>>, vector<16xi32>,
    tpu.vector_store %arg15[%swap3A_110], %broadcast_in_dim3A_109 {strides = array<i32>} : memref<1960xi32, #tpu.memory_space<vmem>>, vector<16xi32>,
    %broadcast_in_dim3A_112 = arith.constant 0 : i32
    %broadcast_in_dim3A_113 = vector.broadcast %broadcast_in_dim3A_112 : i32 to vector<16xi32>
    %swap3A_114 = arith.constant 256 : index
    %swap3A_115 = tpu.vector_load %arg15[%swap3A_114] {strides = array<i32>} : memref<1960xi32, #tpu.memory_space<vmem>>, vector<16xi32>,
    tpu.vector_store %arg15[%swap3A_114], %broadcast_in_dim3A_113 {strides = array<i32>} : memref<1960xi32, #tpu.memory_space<vmem>>, vector<16xi32>,
    %broadcast_in_dim3A_116 = arith.constant 0 : i32
    %broadcast_in_dim3A_117 = vector.broadcast %broadcast_in_dim3A_116 : i32 to vector<16xi32>
    %swap3A_118 = arith.constant 272 : index
    %swap3A_119 = tpu.vector_load %arg15[%swap3A_118] {strides = array<i32>} : memref<1960xi32, #tpu.memory_space<vmem>>, vector<16xi32>,
    tpu.vector_store %arg15[%swap3A_118], %broadcast_in_dim3A_117 {strides = array<i32>} : memref<1960xi32, #tpu.memory_space<vmem>>, vector<16xi32>,
    %broadcast_in_dim3A_120 = arith.constant 0 : i32
    %broadcast_in_dim3A_121 = vector.broadcast %broadcast_in_dim3A_120 : i32 to vector<16xi32>
    %swap3A_122 = arith.constant 288 : index
    %swap3A_123 = tpu.vector_load %arg15[%swap3A_122] {strides = array<i32>} : memref<1960xi32, #tpu.memory_space<vmem>>, vector<16xi32>,
    tpu.vector_store %arg15[%swap3A_122], %broadcast_in_dim3A_121 {strides = array<i32>} : memref<1960xi32, #tpu.memory_space<vmem>>, vector<16xi32>,
    %broadcast_in_dim3A_124 = arith.constant 0 : i32
    %broadcast_in_dim3A_125 = vector.broadcast %broadcast_in_dim3A_124 : i32 to vector<16xi32>
    %swap3A_126 = arith.constant 304 : index
    %swap3A_127 = tpu.vector_load %arg15[%swap3A_126] {strides = array<i32>} : memref<1960xi32, #tpu.memory_space<vmem>>, vector<16xi32>,
    tpu.vector_store %arg15[%swap3A_126], %broadcast_in_dim3A_125 {strides = array<i32>} : memref<1960xi32, #tpu.memory_space<vmem>>, vector<16xi32>,
    %broadcast_in_dim3A_128 = arith.constant 0 : i32
    %broadcast_in_dim3A_129 = vector.broadcast %broadcast_in_dim3A_128 : i32 to vector<16xi32>
    %swap3A_130 = arith.constant 320 : index
    %swap3A_131 = tpu.vector_load %arg15[%swap3A_130] {strides = array<i32>} : memref<1960xi32, #tpu.memory_space<vmem>>, vector<16xi32>,
    tpu.vector_store %arg15[%swap3A_130], %broadcast_in_dim3A_129 {strides = array<i32>} : memref<1960xi32, #tpu.memory_space<vmem>>, vector<16xi32>,
    %broadcast_in_dim3A_132 = arith.constant 0 : i32
    %broadcast_in_dim3A_133 = vector.broadcast %broadcast_in_dim3A_132 : i32 to vector<16xi32>
    %swap3A_134 = arith.constant 336 : index
    %swap3A_135 = tpu.vector_load %arg15[%swap3A_134] {strides = array<i32>} : memref<1960xi32, #tpu.memory_space<vmem>>, vector<16xi32>,
    tpu.vector_store %arg15[%swap3A_134], %broadcast_in_dim3A_133 {strides = array<i32>} : memref<1960xi32, #tpu.memory_space<vmem>>, vector<16xi32>,
    %broadcast_in_dim3A_136 = arith.constant 0 : i32
    %broadcast_in_dim3A_137 = vector.broadcast %broadcast_in_dim3A_136 : i32 to vector<16xi32>
    %swap3A_138 = arith.constant 352 : index
    %swap3A_139 = tpu.vector_load %arg15[%swap3A_138] {strides = array<i32>} : memref<1960xi32, #tpu.memory_space<vmem>>, vector<16xi32>,
    tpu.vector_store %arg15[%swap3A_138], %broadcast_in_dim3A_137 {strides = array<i32>} : memref<1960xi32, #tpu.memory_space<vmem>>, vector<16xi32>,
    %broadcast_in_dim3A_140 = arith.constant 0 : i32
    %broadcast_in_dim3A_141 = vector.broadcast %broadcast_in_dim3A_140 : i32 to vector<16xi32>
    %swap3A_142 = arith.constant 368 : index
    %swap3A_143 = tpu.vector_load %arg15[%swap3A_142] {strides = array<i32>} : memref<1960xi32, #tpu.memory_space<vmem>>, vector<16xi32>,
    tpu.vector_store %arg15[%swap3A_142], %broadcast_in_dim3A_141 {strides = array<i32>} : memref<1960xi32, #tpu.memory_space<vmem>>, vector<16xi32>,
    %broadcast_in_dim3A_144 = arith.constant 0 : i32
    %broadcast_in_dim3A_145 = vector.broadcast %broadcast_in_dim3A_144 : i32 to vector<16xi32>
    %swap3A_146 = arith.constant 384 : index
    %swap3A_147 = tpu.vector_load %arg15[%swap3A_146] {strides = array<i32>} : memref<1960xi32, #tpu.memory_space<vmem>>, vector<16xi32>,
    tpu.vector_store %arg15[%swap3A_146], %broadcast_in_dim3A_145 {strides = array<i32>} : memref<1960xi32, #tpu.memory_space<vmem>>, vector<16xi32>,
    %broadcast_in_dim3A_148 = arith.constant 0 : i32
    %broadcast_in_dim3A_149 = vector.broadcast %broadcast_in_dim3A_148 : i32 to vector<16xi32>
    %swap3A_150 = arith.constant 400 : index
    %swap3A_151 = tpu.vector_load %arg15[%swap3A_150] {strides = array<i32>} : memref<1960xi32, #tpu.memory_space<vmem>>, vector<16xi32>,
    tpu.vector_store %arg15[%swap3A_150], %broadcast_in_dim3A_149 {strides = array<i32>} : memref<1960xi32, #tpu.memory_space<vmem>>, vector<16xi32>,
    %broadcast_in_dim3A_152 = arith.constant 0 : i32
    %broadcast_in_dim3A_153 = vector.broadcast %broadcast_in_dim3A_152 : i32 to vector<16xi32>
    %swap3A_154 = arith.constant 416 : index
    %swap3A_155 = tpu.vector_load %arg15[%swap3A_154] {strides = array<i32>} : memref<1960xi32, #tpu.memory_space<vmem>>, vector<16xi32>,
    tpu.vector_store %arg15[%swap3A_154], %broadcast_in_dim3A_153 {strides = array<i32>} : memref<1960xi32, #tpu.memory_space<vmem>>, vector<16xi32>,
    %broadcast_in_dim3A_156 = arith.constant 0 : i32
    %broadcast_in_dim3A_157 = vector.broadcast %broadcast_in_dim3A_156 : i32 to vector<16xi32>
    %swap3A_158 = arith.constant 432 : index
    %swap3A_159 = tpu.vector_load %arg15[%swap3A_158] {strides = array<i32>} : memref<1960xi32, #tpu.memory_space<vmem>>, vector<16xi32>,
    tpu.vector_store %arg15[%swap3A_158], %broadcast_in_dim3A_157 {strides = array<i32>} : memref<1960xi32, #tpu.memory_space<vmem>>, vector<16xi32>,
    %broadcast_in_dim3A_160 = arith.constant 0 : i32
    %broadcast_in_dim3A_161 = vector.broadcast %broadcast_in_dim3A_160 : i32 to vector<16xi32>
    %swap3A_162 = arith.constant 448 : index
    %swap3A_163 = tpu.vector_load %arg15[%swap3A_162] {strides = array<i32>} : memref<1960xi32, #tpu.memory_space<vmem>>, vector<16xi32>,
    tpu.vector_store %arg15[%swap3A_162], %broadcast_in_dim3A_161 {strides = array<i32>} : memref<1960xi32, #tpu.memory_space<vmem>>, vector<16xi32>,
    %broadcast_in_dim3A_164 = arith.constant 0 : i32
    %broadcast_in_dim3A_165 = vector.broadcast %broadcast_in_dim3A_164 : i32 to vector<16xi32>
    %swap3A_166 = arith.constant 464 : index
    %swap3A_167 = tpu.vector_load %arg15[%swap3A_166] {strides = array<i32>} : memref<1960xi32, #tpu.memory_space<vmem>>, vector<16xi32>,
    tpu.vector_store %arg15[%swap3A_166], %broadcast_in_dim3A_165 {strides = array<i32>} : memref<1960xi32, #tpu.memory_space<vmem>>, vector<16xi32>,
    %broadcast_in_dim3A_168 = arith.constant 0 : i32
    %broadcast_in_dim3A_169 = vector.broadcast %broadcast_in_dim3A_168 : i32 to vector<16xi32>
    %swap3A_170 = arith.constant 480 : index
    %swap3A_171 = tpu.vector_load %arg15[%swap3A_170] {strides = array<i32>} : memref<1960xi32, #tpu.memory_space<vmem>>, vector<16xi32>,
    tpu.vector_store %arg15[%swap3A_170], %broadcast_in_dim3A_169 {strides = array<i32>} : memref<1960xi32, #tpu.memory_space<vmem>>, vector<16xi32>,
    %broadcast_in_dim3A_172 = arith.constant 0 : i32
    %broadcast_in_dim3A_173 = vector.broadcast %broadcast_in_dim3A_172 : i32 to vector<16xi32>
    %swap3A_174 = arith.constant 496 : index
    %swap3A_175 = tpu.vector_load %arg15[%swap3A_174] {strides = array<i32>} : memref<1960xi32, #tpu.memory_space<vmem>>, vector<16xi32>,
    tpu.vector_store %arg15[%swap3A_174], %broadcast_in_dim3A_173 {strides = array<i32>} : memref<1960xi32, #tpu.memory_space<vmem>>, vector<16xi32>,
    %broadcast_in_dim3A_176 = arith.constant 0 : i32
    %broadcast_in_dim3A_177 = vector.broadcast %broadcast_in_dim3A_176 : i32 to vector<16xi32>
    %swap3A_178 = arith.constant 512 : index
    %swap3A_179 = tpu.vector_load %arg15[%swap3A_178] {strides = array<i32>} : memref<1960xi32, #tpu.memory_space<vmem>>, vector<16xi32>,
    tpu.vector_store %arg15[%swap3A_178], %broadcast_in_dim3A_177 {strides = array<i32>} : memref<1960xi32, #tpu.memory_space<vmem>>, vector<16xi32>,
    %broadcast_in_dim3A_180 = arith.constant 0 : i32
    %broadcast_in_dim3A_181 = vector.broadcast %broadcast_in_dim3A_180 : i32 to vector<16xi32>
    %swap3A_182 = arith.constant 528 : index
    %swap3A_183 = tpu.vector_load %arg15[%swap3A_182] {strides = array<i32>} : memref<1960xi32, #tpu.memory_space<vmem>>, vector<16xi32>,
    tpu.vector_store %arg15[%swap3A_182], %broadcast_in_dim3A_181 {strides = array<i32>} : memref<1960xi32, #tpu.memory_space<vmem>>, vector<16xi32>,
    %broadcast_in_dim3A_184 = arith.constant 0 : i32
    %broadcast_in_dim3A_185 = vector.broadcast %broadcast_in_dim3A_184 : i32 to vector<16xi32>
    %swap3A_186 = arith.constant 544 : index
    %swap3A_187 = tpu.vector_load %arg15[%swap3A_186] {strides = array<i32>} : memref<1960xi32, #tpu.memory_space<vmem>>, vector<16xi32>,
    tpu.vector_store %arg15[%swap3A_186], %broadcast_in_dim3A_185 {strides = array<i32>} : memref<1960xi32, #tpu.memory_space<vmem>>, vector<16xi32>,
    %broadcast_in_dim3A_188 = arith.constant 0 : i32
    %broadcast_in_dim3A_189 = vector.broadcast %broadcast_in_dim3A_188 : i32 to vector<16xi32>
    %swap3A_190 = arith.constant 560 : index
    %swap3A_191 = tpu.vector_load %arg15[%swap3A_190] {strides = array<i32>} : memref<1960xi32, #tpu.memory_space<vmem>>, vector<16xi32>,
    tpu.vector_store %arg15[%swap3A_190], %broadcast_in_dim3A_189 {strides = array<i32>} : memref<1960xi32, #tpu.memory_space<vmem>>, vector<16xi32>,
    %broadcast_in_dim3A_192 = arith.constant 0 : i32
    %broadcast_in_dim3A_193 = vector.broadcast %broadcast_in_dim3A_192 : i32 to vector<16xi32>
    %swap3A_194 = arith.constant 576 : index
    %swap3A_195 = tpu.vector_load %arg15[%swap3A_194] {strides = array<i32>} : memref<1960xi32, #tpu.memory_space<vmem>>, vector<16xi32>,
    tpu.vector_store %arg15[%swap3A_194], %broadcast_in_dim3A_193 {strides = array<i32>} : memref<1960xi32, #tpu.memory_space<vmem>>, vector<16xi32>,
    %broadcast_in_dim3A_196 = arith.constant 0 : i32
    %broadcast_in_dim3A_197 = vector.broadcast %broadcast_in_dim3A_196 : i32 to vector<16xi32>
    %swap3A_198 = arith.constant 592 : index
    %swap3A_199 = tpu.vector_load %arg15[%swap3A_198] {strides = array<i32>} : memref<1960xi32, #tpu.memory_space<vmem>>, vector<16xi32>,
    tpu.vector_store %arg15[%swap3A_198], %broadcast_in_dim3A_197 {strides = array<i32>} : memref<1960xi32, #tpu.memory_space<vmem>>, vector<16xi32>,
    %broadcast_in_dim3A_200 = arith.constant 0 : i32
    %broadcast_in_dim3A_201 = vector.broadcast %broadcast_in_dim3A_200 : i32 to vector<16xi32>
    %swap3A_202 = arith.constant 608 : index
    %swap3A_203 = tpu.vector_load %arg15[%swap3A_202] {strides = array<i32>} : memref<1960xi32, #tpu.memory_space<vmem>>, vector<16xi32>,
    tpu.vector_store %arg15[%swap3A_202], %broadcast_in_dim3A_201 {strides = array<i32>} : memref<1960xi32, #tpu.memory_space<vmem>>, vector<16xi32>,
    %broadcast_in_dim3A_204 = arith.constant 0 : i32
    %broadcast_in_dim3A_205 = vector.broadcast %broadcast_in_dim3A_204 : i32 to vector<16xi32>
    %swap3A_206 = arith.constant 624 : index
    %swap3A_207 = tpu.vector_load %arg15[%swap3A_206] {strides = array<i32>} : memref<1960xi32, #tpu.memory_space<vmem>>, vector<16xi32>,
    tpu.vector_store %arg15[%swap3A_206], %broadcast_in_dim3A_205 {strides = array<i32>} : memref<1960xi32, #tpu.memory_space<vmem>>, vector<16xi32>,
    %broadcast_in_dim3A_208 = arith.constant 0 : i32
    %broadcast_in_dim3A_209 = vector.broadcast %broadcast_in_dim3A_208 : i32 to vector<16xi32>
    %swap3A_210 = arith.constant 640 : index
    %swap3A_211 = tpu.vector_load %arg15[%swap3A_210] {strides = array<i32>} : memref<1960xi32, #tpu.memory_space<vmem>>, vector<16xi32>,
    tpu.vector_store %arg15[%swap3A_210], %broadcast_in_dim3A_209 {strides = array<i32>} : memref<1960xi32, #tpu.memory_space<vmem>>, vector<16xi32>,
    %broadcast_in_dim3A_212 = arith.constant 0 : i32
    %broadcast_in_dim3A_213 = vector.broadcast %broadcast_in_dim3A_212 : i32 to vector<16xi32>
    %swap3A_214 = arith.constant 656 : index
    %swap3A_215 = tpu.vector_load %arg15[%swap3A_214] {strides = array<i32>} : memref<1960xi32, #tpu.memory_space<vmem>>, vector<16xi32>,
    tpu.vector_store %arg15[%swap3A_214], %broadcast_in_dim3A_213 {strides = array<i32>} : memref<1960xi32, #tpu.memory_space<vmem>>, vector<16xi32>,
    %broadcast_in_dim3A_216 = arith.constant 0 : i32
    %broadcast_in_dim3A_217 = vector.broadcast %broadcast_in_dim3A_216 : i32 to vector<16xi32>
    %swap3A_218 = arith.constant 672 : index
    %swap3A_219 = tpu.vector_load %arg15[%swap3A_218] {strides = array<i32>} : memref<1960xi32, #tpu.memory_space<vmem>>, vector<16xi32>,
    tpu.vector_store %arg15[%swap3A_218], %broadcast_in_dim3A_217 {strides = array<i32>} : memref<1960xi32, #tpu.memory_space<vmem>>, vector<16xi32>,
    %broadcast_in_dim3A_220 = arith.constant 0 : i32
    %broadcast_in_dim3A_221 = vector.broadcast %broadcast_in_dim3A_220 : i32 to vector<16xi32>
    %swap3A_222 = arith.constant 688 : index
    %swap3A_223 = tpu.vector_load %arg15[%swap3A_222] {strides = array<i32>} : memref<1960xi32, #tpu.memory_space<vmem>>, vector<16xi32>,
    tpu.vector_store %arg15[%swap3A_222], %broadcast_in_dim3A_221 {strides = array<i32>} : memref<1960xi32, #tpu.memory_space<vmem>>, vector<16xi32>,
    %broadcast_in_dim3A_224 = arith.constant 0 : i32
    %broadcast_in_dim3A_225 = vector.broadcast %broadcast_in_dim3A_224 : i32 to vector<16xi32>
    %swap3A_226 = arith.constant 704 : index
    %swap3A_227 = tpu.vector_load %arg15[%swap3A_226] {strides = array<i32>} : memref<1960xi32, #tpu.memory_space<vmem>>, vector<16xi32>,
    tpu.vector_store %arg15[%swap3A_226], %broadcast_in_dim3A_225 {strides = array<i32>} : memref<1960xi32, #tpu.memory_space<vmem>>, vector<16xi32>,
    %broadcast_in_dim3A_228 = arith.constant 0 : i32
    %broadcast_in_dim3A_229 = vector.broadcast %broadcast_in_dim3A_228 : i32 to vector<16xi32>
    %swap3A_230 = arith.constant 720 : index
    %swap3A_231 = tpu.vector_load %arg15[%swap3A_230] {strides = array<i32>} : memref<1960xi32, #tpu.memory_space<vmem>>, vector<16xi32>,
    tpu.vector_store %arg15[%swap3A_230], %broadcast_in_dim3A_229 {strides = array<i32>} : memref<1960xi32, #tpu.memory_space<vmem>>, vector<16xi32>,
    %broadcast_in_dim3A_232 = arith.constant 0 : i32
    %broadcast_in_dim3A_233 = vector.broadcast %broadcast_in_dim3A_232 : i32 to vector<16xi32>
    %swap3A_234 = arith.constant 736 : index
    %swap3A_235 = tpu.vector_load %arg15[%swap3A_234] {strides = array<i32>} : memref<1960xi32, #tpu.memory_space<vmem>>, vector<16xi32>,
    tpu.vector_store %arg15[%swap3A_234], %broadcast_in_dim3A_233 {strides = array<i32>} : memref<1960xi32, #tpu.memory_space<vmem>>, vector<16xi32>,
    %broadcast_in_dim3A_236 = arith.constant 0 : i32
    %broadcast_in_dim3A_237 = vector.broadcast %broadcast_in_dim3A_236 : i32 to vector<16xi32>
    %swap3A_238 = arith.constant 752 : index
    %swap3A_239 = tpu.vector_load %arg15[%swap3A_238] {strides = array<i32>} : memref<1960xi32, #tpu.memory_space<vmem>>, vector<16xi32>,
    tpu.vector_store %arg15[%swap3A_238], %broadcast_in_dim3A_237 {strides = array<i32>} : memref<1960xi32, #tpu.memory_space<vmem>>, vector<16xi32>,
    %broadcast_in_dim3A_240 = arith.constant 0 : i32
    %broadcast_in_dim3A_241 = vector.broadcast %broadcast_in_dim3A_240 : i32 to vector<16xi32>
    %swap3A_242 = arith.constant 768 : index
    %swap3A_243 = tpu.vector_load %arg15[%swap3A_242] {strides = array<i32>} : memref<1960xi32, #tpu.memory_space<vmem>>, vector<16xi32>,
    tpu.vector_store %arg15[%swap3A_242], %broadcast_in_dim3A_241 {strides = array<i32>} : memref<1960xi32, #tpu.memory_space<vmem>>, vector<16xi32>,
    %broadcast_in_dim3A_244 = arith.constant 0 : i32
    %broadcast_in_dim3A_245 = vector.broadcast %broadcast_in_dim3A_244 : i32 to vector<16xi32>
    %swap3A_246 = arith.constant 784 : index
    %swap3A_247 = tpu.vector_load %arg15[%swap3A_246] {strides = array<i32>} : memref<1960xi32, #tpu.memory_space<vmem>>, vector<16xi32>,
    tpu.vector_store %arg15[%swap3A_246], %broadcast_in_dim3A_245 {strides = array<i32>} : memref<1960xi32, #tpu.memory_space<vmem>>, vector<16xi32>,
    %broadcast_in_dim3A_248 = arith.constant 0 : i32
    %broadcast_in_dim3A_249 = vector.broadcast %broadcast_in_dim3A_248 : i32 to vector<16xi32>
    %swap3A_250 = arith.constant 800 : index
    %swap3A_251 = tpu.vector_load %arg15[%swap3A_250] {strides = array<i32>} : memref<1960xi32, #tpu.memory_space<vmem>>, vector<16xi32>,
    tpu.vector_store %arg15[%swap3A_250], %broadcast_in_dim3A_249 {strides = array<i32>} : memref<1960xi32, #tpu.memory_space<vmem>>, vector<16xi32>,
    %broadcast_in_dim3A_252 = arith.constant 0 : i32
    %broadcast_in_dim3A_253 = vector.broadcast %broadcast_in_dim3A_252 : i32 to vector<16xi32>
    %swap3A_254 = arith.constant 816 : index
    %swap3A_255 = tpu.vector_load %arg15[%swap3A_254] {strides = array<i32>} : memref<1960xi32, #tpu.memory_space<vmem>>, vector<16xi32>,
    tpu.vector_store %arg15[%swap3A_254], %broadcast_in_dim3A_253 {strides = array<i32>} : memref<1960xi32, #tpu.memory_space<vmem>>, vector<16xi32>,
    %broadcast_in_dim3A_256 = arith.constant 0 : i32
    %broadcast_in_dim3A_257 = vector.broadcast %broadcast_in_dim3A_256 : i32 to vector<16xi32>
    %swap3A_258 = arith.constant 832 : index
    %swap3A_259 = tpu.vector_load %arg15[%swap3A_258] {strides = array<i32>} : memref<1960xi32, #tpu.memory_space<vmem>>, vector<16xi32>,
    tpu.vector_store %arg15[%swap3A_258], %broadcast_in_dim3A_257 {strides = array<i32>} : memref<1960xi32, #tpu.memory_space<vmem>>, vector<16xi32>,
    %broadcast_in_dim3A_260 = arith.constant 0 : i32
    %broadcast_in_dim3A_261 = vector.broadcast %broadcast_in_dim3A_260 : i32 to vector<16xi32>
    %swap3A_262 = arith.constant 848 : index
    %swap3A_263 = tpu.vector_load %arg15[%swap3A_262] {strides = array<i32>} : memref<1960xi32, #tpu.memory_space<vmem>>, vector<16xi32>,
    tpu.vector_store %arg15[%swap3A_262], %broadcast_in_dim3A_261 {strides = array<i32>} : memref<1960xi32, #tpu.memory_space<vmem>>, vector<16xi32>,
    %broadcast_in_dim3A_264 = arith.constant 0 : i32
    %broadcast_in_dim3A_265 = vector.broadcast %broadcast_in_dim3A_264 : i32 to vector<16xi32>
    %swap3A_266 = arith.constant 864 : index
    %swap3A_267 = tpu.vector_load %arg15[%swap3A_266] {strides = array<i32>} : memref<1960xi32, #tpu.memory_space<vmem>>, vector<16xi32>,
    tpu.vector_store %arg15[%swap3A_266], %broadcast_in_dim3A_265 {strides = array<i32>} : memref<1960xi32, #tpu.memory_space<vmem>>, vector<16xi32>,
    %broadcast_in_dim3A_268 = arith.constant 0 : i32
    %broadcast_in_dim3A_269 = vector.broadcast %broadcast_in_dim3A_268 : i32 to vector<16xi32>
    %swap3A_270 = arith.constant 880 : index
    %swap3A_271 = tpu.vector_load %arg15[%swap3A_270] {strides = array<i32>} : memref<1960xi32, #tpu.memory_space<vmem>>, vector<16xi32>,
    tpu.vector_store %arg15[%swap3A_270], %broadcast_in_dim3A_269 {strides = array<i32>} : memref<1960xi32, #tpu.memory_space<vmem>>, vector<16xi32>,
    %broadcast_in_dim3A_272 = arith.constant 0 : i32
    %broadcast_in_dim3A_273 = vector.broadcast %broadcast_in_dim3A_272 : i32 to vector<16xi32>
    %swap3A_274 = arith.constant 896 : index
    %swap3A_275 = tpu.vector_load %arg15[%swap3A_274] {strides = array<i32>} : memref<1960xi32, #tpu.memory_space<vmem>>, vector<16xi32>,
    tpu.vector_store %arg15[%swap3A_274], %broadcast_in_dim3A_273 {strides = array<i32>} : memref<1960xi32, #tpu.memory_space<vmem>>, vector<16xi32>,
    %broadcast_in_dim3A_276 = arith.constant 0 : i32
    %broadcast_in_dim3A_277 = vector.broadcast %broadcast_in_dim3A_276 : i32 to vector<16xi32>
    %swap3A_278 = arith.constant 912 : index
    %swap3A_279 = tpu.vector_load %arg15[%swap3A_278] {strides = array<i32>} : memref<1960xi32, #tpu.memory_space<vmem>>, vector<16xi32>,
    tpu.vector_store %arg15[%swap3A_278], %broadcast_in_dim3A_277 {strides = array<i32>} : memref<1960xi32, #tpu.memory_space<vmem>>, vector<16xi32>,
    %broadcast_in_dim3A_280 = arith.constant 0 : i32
    %broadcast_in_dim3A_281 = vector.broadcast %broadcast_in_dim3A_280 : i32 to vector<16xi32>
    %swap3A_282 = arith.constant 928 : index
    %swap3A_283 = tpu.vector_load %arg15[%swap3A_282] {strides = array<i32>} : memref<1960xi32, #tpu.memory_space<vmem>>, vector<16xi32>,
    tpu.vector_store %arg15[%swap3A_282], %broadcast_in_dim3A_281 {strides = array<i32>} : memref<1960xi32, #tpu.memory_space<vmem>>, vector<16xi32>,
    %broadcast_in_dim3A_284 = arith.constant 0 : i32
    %broadcast_in_dim3A_285 = vector.broadcast %broadcast_in_dim3A_284 : i32 to vector<16xi32>
    %swap3A_286 = arith.constant 944 : index
    %swap3A_287 = tpu.vector_load %arg15[%swap3A_286] {strides = array<i32>} : memref<1960xi32, #tpu.memory_space<vmem>>, vector<16xi32>,
    tpu.vector_store %arg15[%swap3A_286], %broadcast_in_dim3A_285 {strides = array<i32>} : memref<1960xi32, #tpu.memory_space<vmem>>, vector<16xi32>,
    %broadcast_in_dim3A_288 = arith.constant 0 : i32
    %broadcast_in_dim3A_289 = vector.broadcast %broadcast_in_dim3A_288 : i32 to vector<16xi32>
    %swap3A_290 = arith.constant 960 : index
    %swap3A_291 = tpu.vector_load %arg15[%swap3A_290] {strides = array<i32>} : memref<1960xi32, #tpu.memory_space<vmem>>, vector<16xi32>,
    tpu.vector_store %arg15[%swap3A_290], %broadcast_in_dim3A_289 {strides = array<i32>} : memref<1960xi32, #tpu.memory_space<vmem>>, vector<16xi32>,
    %broadcast_in_dim3A_292 = arith.constant 0 : i32
    %broadcast_in_dim3A_293 = vector.broadcast %broadcast_in_dim3A_292 : i32 to vector<16xi32>
    %swap3A_294 = arith.constant 976 : index
    %swap3A_295 = tpu.vector_load %arg15[%swap3A_294] {strides = array<i32>} : memref<1960xi32, #tpu.memory_space<vmem>>, vector<16xi32>,
    tpu.vector_store %arg15[%swap3A_294], %broadcast_in_dim3A_293 {strides = array<i32>} : memref<1960xi32, #tpu.memory_space<vmem>>, vector<16xi32>,
    %broadcast_in_dim3A_296 = arith.constant 0 : i32
    %broadcast_in_dim3A_297 = vector.broadcast %broadcast_in_dim3A_296 : i32 to vector<16xi32>
    %swap3A_298 = arith.constant 992 : index
    %swap3A_299 = tpu.vector_load %arg15[%swap3A_298] {strides = array<i32>} : memref<1960xi32, #tpu.memory_space<vmem>>, vector<16xi32>,
    tpu.vector_store %arg15[%swap3A_298], %broadcast_in_dim3A_297 {strides = array<i32>} : memref<1960xi32, #tpu.memory_space<vmem>>, vector<16xi32>,
    %broadcast_in_dim3A_300 = arith.constant 0 : i32
    %broadcast_in_dim3A_301 = vector.broadcast %broadcast_in_dim3A_300 : i32 to vector<16xi32>
    %swap3A_302 = arith.constant 1008 : index
    %swap3A_303 = tpu.vector_load %arg15[%swap3A_302] {strides = array<i32>} : memref<1960xi32, #tpu.memory_space<vmem>>, vector<16xi32>,
    tpu.vector_store %arg15[%swap3A_302], %broadcast_in_dim3A_301 {strides = array<i32>} : memref<1960xi32, #tpu.memory_space<vmem>>, vector<16xi32>,
    %broadcast_in_dim3A_304 = arith.constant 0 : i32
    %broadcast_in_dim3A_305 = vector.broadcast %broadcast_in_dim3A_304 : i32 to vector<16xi32>
    %swap3A_306 = arith.constant 1024 : index
    %swap3A_307 = tpu.vector_load %arg15[%swap3A_306] {strides = array<i32>} : memref<1960xi32, #tpu.memory_space<vmem>>, vector<16xi32>,
    tpu.vector_store %arg15[%swap3A_306], %broadcast_in_dim3A_305 {strides = array<i32>} : memref<1960xi32, #tpu.memory_space<vmem>>, vector<16xi32>,
    %broadcast_in_dim3A_308 = arith.constant 0 : i32
    %broadcast_in_dim3A_309 = vector.broadcast %broadcast_in_dim3A_308 : i32 to vector<16xi32>
    %swap3A_310 = arith.constant 1040 : index
    %swap3A_311 = tpu.vector_load %arg15[%swap3A_310] {strides = array<i32>} : memref<1960xi32, #tpu.memory_space<vmem>>, vector<16xi32>,
    tpu.vector_store %arg15[%swap3A_310], %broadcast_in_dim3A_309 {strides = array<i32>} : memref<1960xi32, #tpu.memory_space<vmem>>, vector<16xi32>,
    %broadcast_in_dim3A_312 = arith.constant 0 : i32
    %broadcast_in_dim3A_313 = vector.broadcast %broadcast_in_dim3A_312 : i32 to vector<16xi32>
    %swap3A_314 = arith.constant 1056 : index
    %swap3A_315 = tpu.vector_load %arg15[%swap3A_314] {strides = array<i32>} : memref<1960xi32, #tpu.memory_space<vmem>>, vector<16xi32>,
    tpu.vector_store %arg15[%swap3A_314], %broadcast_in_dim3A_313 {strides = array<i32>} : memref<1960xi32, #tpu.memory_space<vmem>>, vector<16xi32>,
    %broadcast_in_dim3A_316 = arith.constant 0 : i32
    %broadcast_in_dim3A_317 = vector.broadcast %broadcast_in_dim3A_316 : i32 to vector<16xi32>
    %swap3A_318 = arith.constant 1072 : index
    %swap3A_319 = tpu.vector_load %arg15[%swap3A_318] {strides = array<i32>} : memref<1960xi32, #tpu.memory_space<vmem>>, vector<16xi32>,
    tpu.vector_store %arg15[%swap3A_318], %broadcast_in_dim3A_317 {strides = array<i32>} : memref<1960xi32, #tpu.memory_space<vmem>>, vector<16xi32>,
    %broadcast_in_dim3A_320 = arith.constant 0 : i32
    %broadcast_in_dim3A_321 = vector.broadcast %broadcast_in_dim3A_320 : i32 to vector<16xi32>
    %swap3A_322 = arith.constant 1088 : index
    %swap3A_323 = tpu.vector_load %arg15[%swap3A_322] {strides = array<i32>} : memref<1960xi32, #tpu.memory_space<vmem>>, vector<16xi32>,
    tpu.vector_store %arg15[%swap3A_322], %broadcast_in_dim3A_321 {strides = array<i32>} : memref<1960xi32, #tpu.memory_space<vmem>>, vector<16xi32>,
    %broadcast_in_dim3A_324 = arith.constant 0 : i32
    %broadcast_in_dim3A_325 = vector.broadcast %broadcast_in_dim3A_324 : i32 to vector<16xi32>
    %swap3A_326 = arith.constant 1104 : index
    %swap3A_327 = tpu.vector_load %arg15[%swap3A_326] {strides = array<i32>} : memref<1960xi32, #tpu.memory_space<vmem>>, vector<16xi32>,
    tpu.vector_store %arg15[%swap3A_326], %broadcast_in_dim3A_325 {strides = array<i32>} : memref<1960xi32, #tpu.memory_space<vmem>>, vector<16xi32>,
    %broadcast_in_dim3A_328 = arith.constant 0 : i32
    %broadcast_in_dim3A_329 = vector.broadcast %broadcast_in_dim3A_328 : i32 to vector<16xi32>
    %swap3A_330 = arith.constant 1120 : index
    %swap3A_331 = tpu.vector_load %arg15[%swap3A_330] {strides = array<i32>} : memref<1960xi32, #tpu.memory_space<vmem>>, vector<16xi32>,
    tpu.vector_store %arg15[%swap3A_330], %broadcast_in_dim3A_329 {strides = array<i32>} : memref<1960xi32, #tpu.memory_space<vmem>>, vector<16xi32>,
    %broadcast_in_dim3A_332 = arith.constant 0 : i32
    %broadcast_in_dim3A_333 = vector.broadcast %broadcast_in_dim3A_332 : i32 to vector<16xi32>
    %swap3A_334 = arith.constant 1136 : index
    %swap3A_335 = tpu.vector_load %arg15[%swap3A_334] {strides = array<i32>} : memref<1960xi32, #tpu.memory_space<vmem>>, vector<16xi32>,
    tpu.vector_store %arg15[%swap3A_334], %broadcast_in_dim3A_333 {strides = array<i32>} : memref<1960xi32, #tpu.memory_space<vmem>>, vector<16xi32>,
    %broadcast_in_dim3A_336 = arith.constant 0 : i32
    %broadcast_in_dim3A_337 = vector.broadcast %broadcast_in_dim3A_336 : i32 to vector<16xi32>
    %swap3A_338 = arith.constant 1152 : index
    %swap3A_339 = tpu.vector_load %arg15[%swap3A_338] {strides = array<i32>} : memref<1960xi32, #tpu.memory_space<vmem>>, vector<16xi32>,
    tpu.vector_store %arg15[%swap3A_338], %broadcast_in_dim3A_337 {strides = array<i32>} : memref<1960xi32, #tpu.memory_space<vmem>>, vector<16xi32>,
    %broadcast_in_dim3A_340 = arith.constant 0 : i32
    %broadcast_in_dim3A_341 = vector.broadcast %broadcast_in_dim3A_340 : i32 to vector<16xi32>
    %swap3A_342 = arith.constant 1168 : index
    %swap3A_343 = tpu.vector_load %arg15[%swap3A_342] {strides = array<i32>} : memref<1960xi32, #tpu.memory_space<vmem>>, vector<16xi32>,
    tpu.vector_store %arg15[%swap3A_342], %broadcast_in_dim3A_341 {strides = array<i32>} : memref<1960xi32, #tpu.memory_space<vmem>>, vector<16xi32>,
    %broadcast_in_dim3A_344 = arith.constant 0 : i32
    %broadcast_in_dim3A_345 = vector.broadcast %broadcast_in_dim3A_344 : i32 to vector<16xi32>
    %swap3A_346 = arith.constant 1184 : index
    %swap3A_347 = tpu.vector_load %arg15[%swap3A_346] {strides = array<i32>} : memref<1960xi32, #tpu.memory_space<vmem>>, vector<16xi32>,
    tpu.vector_store %arg15[%swap3A_346], %broadcast_in_dim3A_345 {strides = array<i32>} : memref<1960xi32, #tpu.memory_space<vmem>>, vector<16xi32>,
    %broadcast_in_dim3A_348 = arith.constant 0 : i32
    %broadcast_in_dim3A_349 = vector.broadcast %broadcast_in_dim3A_348 : i32 to vector<16xi32>
    %swap3A_350 = arith.constant 1200 : index
    %swap3A_351 = tpu.vector_load %arg15[%swap3A_350] {strides = array<i32>} : memref<1960xi32, #tpu.memory_space<vmem>>, vector<16xi32>,
    tpu.vector_store %arg15[%swap3A_350], %broadcast_in_dim3A_349 {strides = array<i32>} : memref<1960xi32, #tpu.memory_space<vmem>>, vector<16xi32>,
    %broadcast_in_dim3A_352 = arith.constant 0 : i32
    %broadcast_in_dim3A_353 = vector.broadcast %broadcast_in_dim3A_352 : i32 to vector<16xi32>
    %swap3A_354 = arith.constant 1216 : index
    %swap3A_355 = tpu.vector_load %arg15[%swap3A_354] {strides = array<i32>} : memref<1960xi32, #tpu.memory_space<vmem>>, vector<16xi32>,
    tpu.vector_store %arg15[%swap3A_354], %broadcast_in_dim3A_353 {strides = array<i32>} : memref<1960xi32, #tpu.memory_space<vmem>>, vector<16xi32>,
    %broadcast_in_dim3A_356 = arith.constant 0 : i32
    %broadcast_in_dim3A_357 = vector.broadcast %broadcast_in_dim3A_356 : i32 to vector<16xi32>
    %swap3A_358 = arith.constant 1232 : index
    %swap3A_359 = tpu.vector_load %arg15[%swap3A_358] {strides = array<i32>} : memref<1960xi32, #tpu.memory_space<vmem>>, vector<16xi32>,
    tpu.vector_store %arg15[%swap3A_358], %broadcast_in_dim3A_357 {strides = array<i32>} : memref<1960xi32, #tpu.memory_space<vmem>>, vector<16xi32>,
    %broadcast_in_dim3A_360 = arith.constant 0 : i32
    %broadcast_in_dim3A_361 = vector.broadcast %broadcast_in_dim3A_360 : i32 to vector<16xi32>
    %swap3A_362 = arith.constant 1248 : index
    %swap3A_363 = tpu.vector_load %arg15[%swap3A_362] {strides = array<i32>} : memref<1960xi32, #tpu.memory_space<vmem>>, vector<16xi32>,
    tpu.vector_store %arg15[%swap3A_362], %broadcast_in_dim3A_361 {strides = array<i32>} : memref<1960xi32, #tpu.memory_space<vmem>>, vector<16xi32>,
    %broadcast_in_dim3A_364 = arith.constant 0 : i32
    %broadcast_in_dim3A_365 = vector.broadcast %broadcast_in_dim3A_364 : i32 to vector<16xi32>
    %swap3A_366 = arith.constant 1264 : index
    %swap3A_367 = tpu.vector_load %arg15[%swap3A_366] {strides = array<i32>} : memref<1960xi32, #tpu.memory_space<vmem>>, vector<16xi32>,
    tpu.vector_store %arg15[%swap3A_366], %broadcast_in_dim3A_365 {strides = array<i32>} : memref<1960xi32, #tpu.memory_space<vmem>>, vector<16xi32>,
    %broadcast_in_dim3A_368 = arith.constant 0 : i32
    %broadcast_in_dim3A_369 = vector.broadcast %broadcast_in_dim3A_368 : i32 to vector<16xi32>
    %swap3A_370 = arith.constant 1280 : index
    %swap3A_371 = tpu.vector_load %arg15[%swap3A_370] {strides = array<i32>} : memref<1960xi32, #tpu.memory_space<vmem>>, vector<16xi32>,
    tpu.vector_store %arg15[%swap3A_370], %broadcast_in_dim3A_369 {strides = array<i32>} : memref<1960xi32, #tpu.memory_space<vmem>>, vector<16xi32>,
    %broadcast_in_dim3A_372 = arith.constant 0 : i32
    %broadcast_in_dim3A_373 = vector.broadcast %broadcast_in_dim3A_372 : i32 to vector<16xi32>
    %swap3A_374 = arith.constant 1296 : index
    %swap3A_375 = tpu.vector_load %arg15[%swap3A_374] {strides = array<i32>} : memref<1960xi32, #tpu.memory_space<vmem>>, vector<16xi32>,
    tpu.vector_store %arg15[%swap3A_374], %broadcast_in_dim3A_373 {strides = array<i32>} : memref<1960xi32, #tpu.memory_space<vmem>>, vector<16xi32>,
    %broadcast_in_dim3A_376 = arith.constant 0 : i32
    %broadcast_in_dim3A_377 = vector.broadcast %broadcast_in_dim3A_376 : i32 to vector<16xi32>
    %swap3A_378 = arith.constant 1312 : index
    %swap3A_379 = tpu.vector_load %arg15[%swap3A_378] {strides = array<i32>} : memref<1960xi32, #tpu.memory_space<vmem>>, vector<16xi32>,
    tpu.vector_store %arg15[%swap3A_378], %broadcast_in_dim3A_377 {strides = array<i32>} : memref<1960xi32, #tpu.memory_space<vmem>>, vector<16xi32>,
    %broadcast_in_dim3A_380 = arith.constant 0 : i32
    %broadcast_in_dim3A_381 = vector.broadcast %broadcast_in_dim3A_380 : i32 to vector<16xi32>
    %swap3A_382 = arith.constant 1328 : index
    %swap3A_383 = tpu.vector_load %arg15[%swap3A_382] {strides = array<i32>} : memref<1960xi32, #tpu.memory_space<vmem>>, vector<16xi32>,
    tpu.vector_store %arg15[%swap3A_382], %broadcast_in_dim3A_381 {strides = array<i32>} : memref<1960xi32, #tpu.memory_space<vmem>>, vector<16xi32>,
    %broadcast_in_dim3A_384 = arith.constant 0 : i32
    %broadcast_in_dim3A_385 = vector.broadcast %broadcast_in_dim3A_384 : i32 to vector<16xi32>
    %swap3A_386 = arith.constant 1344 : index
    %swap3A_387 = tpu.vector_load %arg15[%swap3A_386] {strides = array<i32>} : memref<1960xi32, #tpu.memory_space<vmem>>, vector<16xi32>,
    tpu.vector_store %arg15[%swap3A_386], %broadcast_in_dim3A_385 {strides = array<i32>} : memref<1960xi32, #tpu.memory_space<vmem>>, vector<16xi32>,
    %broadcast_in_dim3A_388 = arith.constant 0 : i32
    %broadcast_in_dim3A_389 = vector.broadcast %broadcast_in_dim3A_388 : i32 to vector<16xi32>
    %swap3A_390 = arith.constant 1360 : index
    %swap3A_391 = tpu.vector_load %arg15[%swap3A_390] {strides = array<i32>} : memref<1960xi32, #tpu.memory_space<vmem>>, vector<16xi32>,
    tpu.vector_store %arg15[%swap3A_390], %broadcast_in_dim3A_389 {strides = array<i32>} : memref<1960xi32, #tpu.memory_space<vmem>>, vector<16xi32>,
    %broadcast_in_dim3A_392 = arith.constant 0 : i32
    %broadcast_in_dim3A_393 = vector.broadcast %broadcast_in_dim3A_392 : i32 to vector<16xi32>
    %swap3A_394 = arith.constant 1376 : index
    %swap3A_395 = tpu.vector_load %arg15[%swap3A_394] {strides = array<i32>} : memref<1960xi32, #tpu.memory_space<vmem>>, vector<16xi32>,
    tpu.vector_store %arg15[%swap3A_394], %broadcast_in_dim3A_393 {strides = array<i32>} : memref<1960xi32, #tpu.memory_space<vmem>>, vector<16xi32>,
    %broadcast_in_dim3A_396 = arith.constant 0 : i32
    %broadcast_in_dim3A_397 = vector.broadcast %broadcast_in_dim3A_396 : i32 to vector<16xi32>
    %swap3A_398 = arith.constant 1392 : index
    %swap3A_399 = tpu.vector_load %arg15[%swap3A_398] {strides = array<i32>} : memref<1960xi32, #tpu.memory_space<vmem>>, vector<16xi32>,
    tpu.vector_store %arg15[%swap3A_398], %broadcast_in_dim3A_397 {strides = array<i32>} : memref<1960xi32, #tpu.memory_space<vmem>>, vector<16xi32>,
    %broadcast_in_dim3A_400 = arith.constant 0 : i32
    %broadcast_in_dim3A_401 = vector.broadcast %broadcast_in_dim3A_400 : i32 to vector<16xi32>
    %swap3A_402 = arith.constant 1408 : index
    %swap3A_403 = tpu.vector_load %arg15[%swap3A_402] {strides = array<i32>} : memref<1960xi32, #tpu.memory_space<vmem>>, vector<16xi32>,
    tpu.vector_store %arg15[%swap3A_402], %broadcast_in_dim3A_401 {strides = array<i32>} : memref<1960xi32, #tpu.memory_space<vmem>>, vector<16xi32>,
    %broadcast_in_dim3A_404 = arith.constant 0 : i32
    %broadcast_in_dim3A_405 = vector.broadcast %broadcast_in_dim3A_404 : i32 to vector<16xi32>
    %swap3A_406 = arith.constant 1424 : index
    %swap3A_407 = tpu.vector_load %arg15[%swap3A_406] {strides = array<i32>} : memref<1960xi32, #tpu.memory_space<vmem>>, vector<16xi32>,
    tpu.vector_store %arg15[%swap3A_406], %broadcast_in_dim3A_405 {strides = array<i32>} : memref<1960xi32, #tpu.memory_space<vmem>>, vector<16xi32>,
    %broadcast_in_dim3A_408 = arith.constant 0 : i32
    %broadcast_in_dim3A_409 = vector.broadcast %broadcast_in_dim3A_408 : i32 to vector<16xi32>
    %swap3A_410 = arith.constant 1440 : index
    %swap3A_411 = tpu.vector_load %arg15[%swap3A_410] {strides = array<i32>} : memref<1960xi32, #tpu.memory_space<vmem>>, vector<16xi32>,
    tpu.vector_store %arg15[%swap3A_410], %broadcast_in_dim3A_409 {strides = array<i32>} : memref<1960xi32, #tpu.memory_space<vmem>>, vector<16xi32>,
    %broadcast_in_dim3A_412 = arith.constant 0 : i32
    %broadcast_in_dim3A_413 = vector.broadcast %broadcast_in_dim3A_412 : i32 to vector<16xi32>
    %swap3A_414 = arith.constant 1456 : index
    %swap3A_415 = tpu.vector_load %arg15[%swap3A_414] {strides = array<i32>} : memref<1960xi32, #tpu.memory_space<vmem>>, vector<16xi32>,
    tpu.vector_store %arg15[%swap3A_414], %broadcast_in_dim3A_413 {strides = array<i32>} : memref<1960xi32, #tpu.memory_space<vmem>>, vector<16xi32>,
    %broadcast_in_dim3A_416 = arith.constant 0 : i32
    %broadcast_in_dim3A_417 = vector.broadcast %broadcast_in_dim3A_416 : i32 to vector<16xi32>
    %swap3A_418 = arith.constant 1472 : index
    %swap3A_419 = tpu.vector_load %arg15[%swap3A_418] {strides = array<i32>} : memref<1960xi32, #tpu.memory_space<vmem>>, vector<16xi32>,
    tpu.vector_store %arg15[%swap3A_418], %broadcast_in_dim3A_417 {strides = array<i32>} : memref<1960xi32, #tpu.memory_space<vmem>>, vector<16xi32>,
    %broadcast_in_dim3A_420 = arith.constant 0 : i32
    %broadcast_in_dim3A_421 = vector.broadcast %broadcast_in_dim3A_420 : i32 to vector<16xi32>
    %swap3A_422 = arith.constant 1488 : index
    %swap3A_423 = tpu.vector_load %arg15[%swap3A_422] {strides = array<i32>} : memref<1960xi32, #tpu.memory_space<vmem>>, vector<16xi32>,
    tpu.vector_store %arg15[%swap3A_422], %broadcast_in_dim3A_421 {strides = array<i32>} : memref<1960xi32, #tpu.memory_space<vmem>>, vector<16xi32>,
    %broadcast_in_dim3A_424 = arith.constant 0 : i32
    %broadcast_in_dim3A_425 = vector.broadcast %broadcast_in_dim3A_424 : i32 to vector<16xi32>
    %swap3A_426 = arith.constant 1504 : index
    %swap3A_427 = tpu.vector_load %arg15[%swap3A_426] {strides = array<i32>} : memref<1960xi32, #tpu.memory_space<vmem>>, vector<16xi32>,
    tpu.vector_store %arg15[%swap3A_426], %broadcast_in_dim3A_425 {strides = array<i32>} : memref<1960xi32, #tpu.memory_space<vmem>>, vector<16xi32>,
    %broadcast_in_dim3A_428 = arith.constant 0 : i32
    %broadcast_in_dim3A_429 = vector.broadcast %broadcast_in_dim3A_428 : i32 to vector<16xi32>
    %swap3A_430 = arith.constant 1520 : index
    %swap3A_431 = tpu.vector_load %arg15[%swap3A_430] {strides = array<i32>} : memref<1960xi32, #tpu.memory_space<vmem>>, vector<16xi32>,
    tpu.vector_store %arg15[%swap3A_430], %broadcast_in_dim3A_429 {strides = array<i32>} : memref<1960xi32, #tpu.memory_space<vmem>>, vector<16xi32>,
    %broadcast_in_dim3A_432 = arith.constant 0 : i32
    %broadcast_in_dim3A_433 = vector.broadcast %broadcast_in_dim3A_432 : i32 to vector<16xi32>
    %swap3A_434 = arith.constant 1536 : index
    %swap3A_435 = tpu.vector_load %arg15[%swap3A_434] {strides = array<i32>} : memref<1960xi32, #tpu.memory_space<vmem>>, vector<16xi32>,
    tpu.vector_store %arg15[%swap3A_434], %broadcast_in_dim3A_433 {strides = array<i32>} : memref<1960xi32, #tpu.memory_space<vmem>>, vector<16xi32>,
    %broadcast_in_dim3A_436 = arith.constant 0 : i32
    %broadcast_in_dim3A_437 = vector.broadcast %broadcast_in_dim3A_436 : i32 to vector<16xi32>
    %swap3A_438 = arith.constant 1552 : index
    %swap3A_439 = tpu.vector_load %arg15[%swap3A_438] {strides = array<i32>} : memref<1960xi32, #tpu.memory_space<vmem>>, vector<16xi32>,
    tpu.vector_store %arg15[%swap3A_438], %broadcast_in_dim3A_437 {strides = array<i32>} : memref<1960xi32, #tpu.memory_space<vmem>>, vector<16xi32>,
    %broadcast_in_dim3A_440 = arith.constant 0 : i32
    %broadcast_in_dim3A_441 = vector.broadcast %broadcast_in_dim3A_440 : i32 to vector<16xi32>
    %swap3A_442 = arith.constant 1568 : index
    %swap3A_443 = tpu.vector_load %arg15[%swap3A_442] {strides = array<i32>} : memref<1960xi32, #tpu.memory_space<vmem>>, vector<16xi32>,
    tpu.vector_store %arg15[%swap3A_442], %broadcast_in_dim3A_441 {strides = array<i32>} : memref<1960xi32, #tpu.memory_space<vmem>>, vector<16xi32>,
    %broadcast_in_dim3A_444 = arith.constant 0 : i32
    %broadcast_in_dim3A_445 = vector.broadcast %broadcast_in_dim3A_444 : i32 to vector<16xi32>
    %swap3A_446 = arith.constant 1584 : index
    %swap3A_447 = tpu.vector_load %arg15[%swap3A_446] {strides = array<i32>} : memref<1960xi32, #tpu.memory_space<vmem>>, vector<16xi32>,
    tpu.vector_store %arg15[%swap3A_446], %broadcast_in_dim3A_445 {strides = array<i32>} : memref<1960xi32, #tpu.memory_space<vmem>>, vector<16xi32>,
    %broadcast_in_dim3A_448 = arith.constant 0 : i32
    %broadcast_in_dim3A_449 = vector.broadcast %broadcast_in_dim3A_448 : i32 to vector<16xi32>
    %swap3A_450 = arith.constant 1600 : index
    %swap3A_451 = tpu.vector_load %arg15[%swap3A_450] {strides = array<i32>} : memref<1960xi32, #tpu.memory_space<vmem>>, vector<16xi32>,
    tpu.vector_store %arg15[%swap3A_450], %broadcast_in_dim3A_449 {strides = array<i32>} : memref<1960xi32, #tpu.memory_space<vmem>>, vector<16xi32>,
    %broadcast_in_dim3A_452 = arith.constant 0 : i32
    %broadcast_in_dim3A_453 = vector.broadcast %broadcast_in_dim3A_452 : i32 to vector<16xi32>
    %swap3A_454 = arith.constant 1616 : index
    %swap3A_455 = tpu.vector_load %arg15[%swap3A_454] {strides = array<i32>} : memref<1960xi32, #tpu.memory_space<vmem>>, vector<16xi32>,
    tpu.vector_store %arg15[%swap3A_454], %broadcast_in_dim3A_453 {strides = array<i32>} : memref<1960xi32, #tpu.memory_space<vmem>>, vector<16xi32>,
    %broadcast_in_dim3A_456 = arith.constant 0 : i32
    %broadcast_in_dim3A_457 = vector.broadcast %broadcast_in_dim3A_456 : i32 to vector<16xi32>
    %swap3A_458 = arith.constant 1632 : index
    %swap3A_459 = tpu.vector_load %arg15[%swap3A_458] {strides = array<i32>} : memref<1960xi32, #tpu.memory_space<vmem>>, vector<16xi32>,
    tpu.vector_store %arg15[%swap3A_458], %broadcast_in_dim3A_457 {strides = array<i32>} : memref<1960xi32, #tpu.memory_space<vmem>>, vector<16xi32>,
    %broadcast_in_dim3A_460 = arith.constant 0 : i32
    %broadcast_in_dim3A_461 = vector.broadcast %broadcast_in_dim3A_460 : i32 to vector<16xi32>
    %swap3A_462 = arith.constant 1648 : index
    %swap3A_463 = tpu.vector_load %arg15[%swap3A_462] {strides = array<i32>} : memref<1960xi32, #tpu.memory_space<vmem>>, vector<16xi32>,
    tpu.vector_store %arg15[%swap3A_462], %broadcast_in_dim3A_461 {strides = array<i32>} : memref<1960xi32, #tpu.memory_space<vmem>>, vector<16xi32>,
    %broadcast_in_dim3A_464 = arith.constant 0 : i32
    %broadcast_in_dim3A_465 = vector.broadcast %broadcast_in_dim3A_464 : i32 to vector<16xi32>
    %swap3A_466 = arith.constant 1664 : index
    %swap3A_467 = tpu.vector_load %arg15[%swap3A_466] {strides = array<i32>} : memref<1960xi32, #tpu.memory_space<vmem>>, vector<16xi32>,
    tpu.vector_store %arg15[%swap3A_466], %broadcast_in_dim3A_465 {strides = array<i32>} : memref<1960xi32, #tpu.memory_space<vmem>>, vector<16xi32>,
    %broadcast_in_dim3A_468 = arith.constant 0 : i32
    %broadcast_in_dim3A_469 = vector.broadcast %broadcast_in_dim3A_468 : i32 to vector<16xi32>
    %swap3A_470 = arith.constant 1680 : index
    %swap3A_471 = tpu.vector_load %arg15[%swap3A_470] {strides = array<i32>} : memref<1960xi32, #tpu.memory_space<vmem>>, vector<16xi32>,
    tpu.vector_store %arg15[%swap3A_470], %broadcast_in_dim3A_469 {strides = array<i32>} : memref<1960xi32, #tpu.memory_space<vmem>>, vector<16xi32>,
    %broadcast_in_dim3A_472 = arith.constant 0 : i32
    %broadcast_in_dim3A_473 = vector.broadcast %broadcast_in_dim3A_472 : i32 to vector<16xi32>
    %swap3A_474 = arith.constant 1696 : index
    %swap3A_475 = tpu.vector_load %arg15[%swap3A_474] {strides = array<i32>} : memref<1960xi32, #tpu.memory_space<vmem>>, vector<16xi32>,
    tpu.vector_store %arg15[%swap3A_474], %broadcast_in_dim3A_473 {strides = array<i32>} : memref<1960xi32, #tpu.memory_space<vmem>>, vector<16xi32>,
    %broadcast_in_dim3A_476 = arith.constant 0 : i32
    %broadcast_in_dim3A_477 = vector.broadcast %broadcast_in_dim3A_476 : i32 to vector<16xi32>
    %swap3A_478 = arith.constant 1712 : index
    %swap3A_479 = tpu.vector_load %arg15[%swap3A_478] {strides = array<i32>} : memref<1960xi32, #tpu.memory_space<vmem>>, vector<16xi32>,
    tpu.vector_store %arg15[%swap3A_478], %broadcast_in_dim3A_477 {strides = array<i32>} : memref<1960xi32, #tpu.memory_space<vmem>>, vector<16xi32>,
    %broadcast_in_dim3A_480 = arith.constant 0 : i32
    %broadcast_in_dim3A_481 = vector.broadcast %broadcast_in_dim3A_480 : i32 to vector<16xi32>
    %swap3A_482 = arith.constant 1728 : index
    %swap3A_483 = tpu.vector_load %arg15[%swap3A_482] {strides = array<i32>} : memref<1960xi32, #tpu.memory_space<vmem>>, vector<16xi32>,
    tpu.vector_store %arg15[%swap3A_482], %broadcast_in_dim3A_481 {strides = array<i32>} : memref<1960xi32, #tpu.memory_space<vmem>>, vector<16xi32>,
    %broadcast_in_dim3A_484 = arith.constant 0 : i32
    %broadcast_in_dim3A_485 = vector.broadcast %broadcast_in_dim3A_484 : i32 to vector<16xi32>
    %swap3A_486 = arith.constant 1744 : index
    %swap3A_487 = tpu.vector_load %arg15[%swap3A_486] {strides = array<i32>} : memref<1960xi32, #tpu.memory_space<vmem>>, vector<16xi32>,
    tpu.vector_store %arg15[%swap3A_486], %broadcast_in_dim3A_485 {strides = array<i32>} : memref<1960xi32, #tpu.memory_space<vmem>>, vector<16xi32>,
    %broadcast_in_dim3A_488 = arith.constant 0 : i32
    %broadcast_in_dim3A_489 = vector.broadcast %broadcast_in_dim3A_488 : i32 to vector<16xi32>
    %swap3A_490 = arith.constant 1760 : index
    %swap3A_491 = tpu.vector_load %arg15[%swap3A_490] {strides = array<i32>} : memref<1960xi32, #tpu.memory_space<vmem>>, vector<16xi32>,
    tpu.vector_store %arg15[%swap3A_490], %broadcast_in_dim3A_489 {strides = array<i32>} : memref<1960xi32, #tpu.memory_space<vmem>>, vector<16xi32>,
    %broadcast_in_dim3A_492 = arith.constant 0 : i32
    %broadcast_in_dim3A_493 = vector.broadcast %broadcast_in_dim3A_492 : i32 to vector<16xi32>
    %swap3A_494 = arith.constant 1776 : index
    %swap3A_495 = tpu.vector_load %arg15[%swap3A_494] {strides = array<i32>} : memref<1960xi32, #tpu.memory_space<vmem>>, vector<16xi32>,
    tpu.vector_store %arg15[%swap3A_494], %broadcast_in_dim3A_493 {strides = array<i32>} : memref<1960xi32, #tpu.memory_space<vmem>>, vector<16xi32>,
    %broadcast_in_dim3A_496 = arith.constant 0 : i32
    %broadcast_in_dim3A_497 = vector.broadcast %broadcast_in_dim3A_496 : i32 to vector<16xi32>
    %swap3A_498 = arith.constant 1792 : index
    %swap3A_499 = tpu.vector_load %arg15[%swap3A_498] {strides = array<i32>} : memref<1960xi32, #tpu.memory_space<vmem>>, vector<16xi32>,
    tpu.vector_store %arg15[%swap3A_498], %broadcast_in_dim3A_497 {strides = array<i32>} : memref<1960xi32, #tpu.memory_space<vmem>>, vector<16xi32>,
    %broadcast_in_dim3A_500 = arith.constant 0 : i32
    %broadcast_in_dim3A_501 = vector.broadcast %broadcast_in_dim3A_500 : i32 to vector<16xi32>
    %swap3A_502 = arith.constant 1808 : index
    %swap3A_503 = tpu.vector_load %arg15[%swap3A_502] {strides = array<i32>} : memref<1960xi32, #tpu.memory_space<vmem>>, vector<16xi32>,
    tpu.vector_store %arg15[%swap3A_502], %broadcast_in_dim3A_501 {strides = array<i32>} : memref<1960xi32, #tpu.memory_space<vmem>>, vector<16xi32>,
    %broadcast_in_dim3A_504 = arith.constant 0 : i32
    %broadcast_in_dim3A_505 = vector.broadcast %broadcast_in_dim3A_504 : i32 to vector<16xi32>
    %swap3A_506 = arith.constant 1824 : index
    %swap3A_507 = tpu.vector_load %arg15[%swap3A_506] {strides = array<i32>} : memref<1960xi32, #tpu.memory_space<vmem>>, vector<16xi32>,
    tpu.vector_store %arg15[%swap3A_506], %broadcast_in_dim3A_505 {strides = array<i32>} : memref<1960xi32, #tpu.memory_space<vmem>>, vector<16xi32>,
    %broadcast_in_dim3A_508 = arith.constant 0 : i32
    %broadcast_in_dim3A_509 = vector.broadcast %broadcast_in_dim3A_508 : i32 to vector<16xi32>
    %swap3A_510 = arith.constant 1840 : index
    %swap3A_511 = tpu.vector_load %arg15[%swap3A_510] {strides = array<i32>} : memref<1960xi32, #tpu.memory_space<vmem>>, vector<16xi32>,
    tpu.vector_store %arg15[%swap3A_510], %broadcast_in_dim3A_509 {strides = array<i32>} : memref<1960xi32, #tpu.memory_space<vmem>>, vector<16xi32>,
    %broadcast_in_dim3A_512 = arith.constant 0 : i32
    %broadcast_in_dim3A_513 = vector.broadcast %broadcast_in_dim3A_512 : i32 to vector<16xi32>
    %swap3A_514 = arith.constant 1856 : index
    %swap3A_515 = tpu.vector_load %arg15[%swap3A_514] {strides = array<i32>} : memref<1960xi32, #tpu.memory_space<vmem>>, vector<16xi32>,
    tpu.vector_store %arg15[%swap3A_514], %broadcast_in_dim3A_513 {strides = array<i32>} : memref<1960xi32, #tpu.memory_space<vmem>>, vector<16xi32>,
    %broadcast_in_dim3A_516 = arith.constant 0 : i32
    %broadcast_in_dim3A_517 = vector.broadcast %broadcast_in_dim3A_516 : i32 to vector<16xi32>
    %swap3A_518 = arith.constant 1872 : index
    %swap3A_519 = tpu.vector_load %arg15[%swap3A_518] {strides = array<i32>} : memref<1960xi32, #tpu.memory_space<vmem>>, vector<16xi32>,
    tpu.vector_store %arg15[%swap3A_518], %broadcast_in_dim3A_517 {strides = array<i32>} : memref<1960xi32, #tpu.memory_space<vmem>>, vector<16xi32>,
    %broadcast_in_dim3A_520 = arith.constant 0 : i32
    %broadcast_in_dim3A_521 = vector.broadcast %broadcast_in_dim3A_520 : i32 to vector<16xi32>
    %swap3A_522 = arith.constant 1888 : index
    %swap3A_523 = tpu.vector_load %arg15[%swap3A_522] {strides = array<i32>} : memref<1960xi32, #tpu.memory_space<vmem>>, vector<16xi32>,
    tpu.vector_store %arg15[%swap3A_522], %broadcast_in_dim3A_521 {strides = array<i32>} : memref<1960xi32, #tpu.memory_space<vmem>>, vector<16xi32>,
    %broadcast_in_dim3A_524 = arith.constant 0 : i32
    %broadcast_in_dim3A_525 = vector.broadcast %broadcast_in_dim3A_524 : i32 to vector<16xi32>
    %swap3A_526 = arith.constant 1904 : index
    %swap3A_527 = tpu.vector_load %arg15[%swap3A_526] {strides = array<i32>} : memref<1960xi32, #tpu.memory_space<vmem>>, vector<16xi32>,
    tpu.vector_store %arg15[%swap3A_526], %broadcast_in_dim3A_525 {strides = array<i32>} : memref<1960xi32, #tpu.memory_space<vmem>>, vector<16xi32>,
    %broadcast_in_dim3A_528 = arith.constant 0 : i32
    %broadcast_in_dim3A_529 = vector.broadcast %broadcast_in_dim3A_528 : i32 to vector<16xi32>
    %swap3A_530 = arith.constant 1920 : index
    %swap3A_531 = tpu.vector_load %arg15[%swap3A_530] {strides = array<i32>} : memref<1960xi32, #tpu.memory_space<vmem>>, vector<16xi32>,
    tpu.vector_store %arg15[%swap3A_530], %broadcast_in_dim3A_529 {strides = array<i32>} : memref<1960xi32, #tpu.memory_space<vmem>>, vector<16xi32>,
    %broadcast_in_dim3A_532 = arith.constant 0 : i32
    %broadcast_in_dim3A_533 = vector.broadcast %broadcast_in_dim3A_532 : i32 to vector<16xi32>
    %swap3A_534 = arith.constant 1936 : index
    %swap3A_535 = tpu.vector_load %arg15[%swap3A_534] {strides = array<i32>} : memref<1960xi32, #tpu.memory_space<vmem>>, vector<16xi32>,
    tpu.vector_store %arg15[%swap3A_534], %broadcast_in_dim3A_533 {strides = array<i32>} : memref<1960xi32, #tpu.memory_space<vmem>>, vector<16xi32>,
    %mul3A_536 = arith.constant 1960 : i32
    %mul3A_537 = arith.muli %arg1, %mul3A_536 : i32
    "tpu.region"() ({
      %run_scoped3A = tpu.sem_alloc : memref<!tpu.dma_semaphore, #tpu.memory_space<semaphore_mem>>
      %dma_start3A_1679 = tpu.memref_slice %arg16[%mul3A_537] : memref<31360xi32, #tpu.memory_space<vmem_shared>> -> memref<1960xi32, #tpu.memory_space<vmem_shared>>
      %dma_start3A_1680 = tpu.memref_slice %arg16[%mul3A_537] : memref<31360xi32, #tpu.memory_space<vmem_shared>> -> memref<1960xi32, #tpu.memory_space<vmem_shared>>
      tpu.enqueue_dma source(%arg15 : memref<1960xi32, #tpu.memory_space<vmem>>) target(%dma_start3A_1680 : memref<1960xi32, #tpu.memory_space<vmem_shared>>) target_semaphore(%run_scoped3A : memref<!tpu.dma_semaphore, #tpu.memory_space<semaphore_mem>>)
      %dma_wait3A_1681 = tpu.memref_slice %arg16[%mul3A_537] : memref<31360xi32, #tpu.memory_space<vmem_shared>> -> memref<1960xi32, #tpu.memory_space<vmem_shared>>
      %dma_wait3A_1682 = tpu.memref_slice %arg16[%mul3A_537] : memref<31360xi32, #tpu.memory_space<vmem_shared>> -> memref<1960xi32, #tpu.memory_space<vmem_shared>>
      tpu.wait_dma2 semaphore(%run_scoped3A : memref<!tpu.dma_semaphore, #tpu.memory_space<semaphore_mem>>) src(%arg15 : memref<1960xi32, #tpu.memory_space<vmem>>) dst(%dma_wait3A_1682 : memref<1960xi32, #tpu.memory_space<vmem_shared>>)
      tpu.yield
    }) : () -> ()
    %barrier3A = arith.constant 0 : index
    tpu.barrier barrier_id(%barrier3A)
    %mul3A_538 = arith.constant 512 : i32
    %mul3A_539 = arith.muli %arg1, %mul3A_538 : i32
    %add3A_540 = arith.constant 16384 : i32
    %add3A_541 = arith.addi %add3A_540, %mul3A_539 : i32
    "tpu.region"() ({
      %run_scoped3A = tpu.sem_alloc : memref<!tpu.dma_semaphore, #tpu.memory_space<semaphore_mem>>
      %dma_start3A_1679 = tpu.memref_slice %arg3[%add3A_541] : memref<24576xi32, #tpu.memory_space<hbm>> -> memref<512xi32, #tpu.memory_space<hbm>>
      %dma_start3A_1680 = tpu.memref_slice %arg3[%add3A_541] : memref<24576xi32, #tpu.memory_space<hbm>> -> memref<512xi32, #tpu.memory_space<hbm>>
      tpu.enqueue_dma source(%dma_start3A_1680 : memref<512xi32, #tpu.memory_space<hbm>>) target(%arg9 : memref<512xi32, #tpu.memory_space<vmem>>) target_semaphore(%run_scoped3A : memref<!tpu.dma_semaphore, #tpu.memory_space<semaphore_mem>>)
      %dma_wait3A_1681 = tpu.memref_slice %arg3[%add3A_541] : memref<24576xi32, #tpu.memory_space<hbm>> -> memref<512xi32, #tpu.memory_space<hbm>>
      %dma_wait3A_1682 = tpu.memref_slice %arg3[%add3A_541] : memref<24576xi32, #tpu.memory_space<hbm>> -> memref<512xi32, #tpu.memory_space<hbm>>
      tpu.wait_dma2 semaphore(%run_scoped3A : memref<!tpu.dma_semaphore, #tpu.memory_space<semaphore_mem>>) src(%dma_wait3A_1682 : memref<512xi32, #tpu.memory_space<hbm>>) dst(%arg9 : memref<512xi32, #tpu.memory_space<vmem>>)
      tpu.yield
    }) : () -> ()
    %broadcast_in_dim3A_542 = arith.constant 1 : i32
    %broadcast_in_dim3A_543 = vector.broadcast %broadcast_in_dim3A_542 : i32 to vector<16xi32>
    %get3A = arith.constant 0 : index
    %get3A_544 = tpu.vector_load %arg9[%get3A] {strides = array<i32>} : memref<512xi32, #tpu.memory_space<vmem>>, vector<16xi32>,
    %shift_right_logical3A = arith.constant 5 : i32
    %shift_right_logical3A_545 = vector.broadcast %shift_right_logical3A : i32 to vector<16xi32>
    %shift_right_logical3A_546 = arith.shrui %get3A_544, %shift_right_logical3A_545 : vector<16xi32>
    %swap3A_547 = arith.constant 0 : index
    %swap3A_548 = tpu.vector_load %arg10[%swap3A_547] {strides = array<i32>} : memref<512xi32, #tpu.memory_space<vmem>>, vector<16xi32>,
    tpu.vector_store %arg10[%swap3A_547], %shift_right_logical3A_546 {strides = array<i32>} : memref<512xi32, #tpu.memory_space<vmem>>, vector<16xi32>,
    %and3A = arith.constant 31 : i32
    %and3A_549 = vector.broadcast %and3A : i32 to vector<16xi32>
    %and3A_550 = arith.andi %get3A_544, %and3A_549 : vector<16xi32>
    %shift_left3A = arith.shli %broadcast_in_dim3A_543, %and3A_550 : vector<16xi32>
    %swap3A_551 = arith.constant 0 : index
    %swap3A_552 = tpu.vector_load %arg11[%swap3A_551] {strides = array<i32>} : memref<512xi32, #tpu.memory_space<vmem>>, vector<16xi32>,
    tpu.vector_store %arg11[%swap3A_551], %shift_left3A {strides = array<i32>} : memref<512xi32, #tpu.memory_space<vmem>>, vector<16xi32>,
    %get3A_553 = arith.constant 16 : index
    %get3A_554 = tpu.vector_load %arg9[%get3A_553] {strides = array<i32>} : memref<512xi32, #tpu.memory_space<vmem>>, vector<16xi32>,
    %shift_right_logical3A_555 = arith.constant 5 : i32
    %shift_right_logical3A_556 = vector.broadcast %shift_right_logical3A_555 : i32 to vector<16xi32>
    %shift_right_logical3A_557 = arith.shrui %get3A_554, %shift_right_logical3A_556 : vector<16xi32>
    %swap3A_558 = arith.constant 16 : index
    %swap3A_559 = tpu.vector_load %arg10[%swap3A_558] {strides = array<i32>} : memref<512xi32, #tpu.memory_space<vmem>>, vector<16xi32>,
    tpu.vector_store %arg10[%swap3A_558], %shift_right_logical3A_557 {strides = array<i32>} : memref<512xi32, #tpu.memory_space<vmem>>, vector<16xi32>,
    %and3A_560 = arith.constant 31 : i32
    %and3A_561 = vector.broadcast %and3A_560 : i32 to vector<16xi32>
    %and3A_562 = arith.andi %get3A_554, %and3A_561 : vector<16xi32>
    %shift_left3A_563 = arith.shli %broadcast_in_dim3A_543, %and3A_562 : vector<16xi32>
    %swap3A_564 = arith.constant 16 : index
    %swap3A_565 = tpu.vector_load %arg11[%swap3A_564] {strides = array<i32>} : memref<512xi32, #tpu.memory_space<vmem>>, vector<16xi32>,
    tpu.vector_store %arg11[%swap3A_564], %shift_left3A_563 {strides = array<i32>} : memref<512xi32, #tpu.memory_space<vmem>>, vector<16xi32>,
    %get3A_566 = arith.constant 32 : index
    %get3A_567 = tpu.vector_load %arg9[%get3A_566] {strides = array<i32>} : memref<512xi32, #tpu.memory_space<vmem>>, vector<16xi32>,
    %shift_right_logical3A_568 = arith.constant 5 : i32
    %shift_right_logical3A_569 = vector.broadcast %shift_right_logical3A_568 : i32 to vector<16xi32>
    %shift_right_logical3A_570 = arith.shrui %get3A_567, %shift_right_logical3A_569 : vector<16xi32>
    %swap3A_571 = arith.constant 32 : index
    %swap3A_572 = tpu.vector_load %arg10[%swap3A_571] {strides = array<i32>} : memref<512xi32, #tpu.memory_space<vmem>>, vector<16xi32>,
    tpu.vector_store %arg10[%swap3A_571], %shift_right_logical3A_570 {strides = array<i32>} : memref<512xi32, #tpu.memory_space<vmem>>, vector<16xi32>,
    %and3A_573 = arith.constant 31 : i32
    %and3A_574 = vector.broadcast %and3A_573 : i32 to vector<16xi32>
    %and3A_575 = arith.andi %get3A_567, %and3A_574 : vector<16xi32>
    %shift_left3A_576 = arith.shli %broadcast_in_dim3A_543, %and3A_575 : vector<16xi32>
    %swap3A_577 = arith.constant 32 : index
    %swap3A_578 = tpu.vector_load %arg11[%swap3A_577] {strides = array<i32>} : memref<512xi32, #tpu.memory_space<vmem>>, vector<16xi32>,
    tpu.vector_store %arg11[%swap3A_577], %shift_left3A_576 {strides = array<i32>} : memref<512xi32, #tpu.memory_space<vmem>>, vector<16xi32>,
    %get3A_579 = arith.constant 48 : index
    %get3A_580 = tpu.vector_load %arg9[%get3A_579] {strides = array<i32>} : memref<512xi32, #tpu.memory_space<vmem>>, vector<16xi32>,
    %shift_right_logical3A_581 = arith.constant 5 : i32
    %shift_right_logical3A_582 = vector.broadcast %shift_right_logical3A_581 : i32 to vector<16xi32>
    %shift_right_logical3A_583 = arith.shrui %get3A_580, %shift_right_logical3A_582 : vector<16xi32>
    %swap3A_584 = arith.constant 48 : index
    %swap3A_585 = tpu.vector_load %arg10[%swap3A_584] {strides = array<i32>} : memref<512xi32, #tpu.memory_space<vmem>>, vector<16xi32>,
    tpu.vector_store %arg10[%swap3A_584], %shift_right_logical3A_583 {strides = array<i32>} : memref<512xi32, #tpu.memory_space<vmem>>, vector<16xi32>,
    %and3A_586 = arith.constant 31 : i32
    %and3A_587 = vector.broadcast %and3A_586 : i32 to vector<16xi32>
    %and3A_588 = arith.andi %get3A_580, %and3A_587 : vector<16xi32>
    %shift_left3A_589 = arith.shli %broadcast_in_dim3A_543, %and3A_588 : vector<16xi32>
    %swap3A_590 = arith.constant 48 : index
    %swap3A_591 = tpu.vector_load %arg11[%swap3A_590] {strides = array<i32>} : memref<512xi32, #tpu.memory_space<vmem>>, vector<16xi32>,
    tpu.vector_store %arg11[%swap3A_590], %shift_left3A_589 {strides = array<i32>} : memref<512xi32, #tpu.memory_space<vmem>>, vector<16xi32>,
    %get3A_592 = arith.constant 64 : index
    %get3A_593 = tpu.vector_load %arg9[%get3A_592] {strides = array<i32>} : memref<512xi32, #tpu.memory_space<vmem>>, vector<16xi32>,
    %shift_right_logical3A_594 = arith.constant 5 : i32
    %shift_right_logical3A_595 = vector.broadcast %shift_right_logical3A_594 : i32 to vector<16xi32>
    %shift_right_logical3A_596 = arith.shrui %get3A_593, %shift_right_logical3A_595 : vector<16xi32>
    %swap3A_597 = arith.constant 64 : index
    %swap3A_598 = tpu.vector_load %arg10[%swap3A_597] {strides = array<i32>} : memref<512xi32, #tpu.memory_space<vmem>>, vector<16xi32>,
    tpu.vector_store %arg10[%swap3A_597], %shift_right_logical3A_596 {strides = array<i32>} : memref<512xi32, #tpu.memory_space<vmem>>, vector<16xi32>,
    %and3A_599 = arith.constant 31 : i32
    %and3A_600 = vector.broadcast %and3A_599 : i32 to vector<16xi32>
    %and3A_601 = arith.andi %get3A_593, %and3A_600 : vector<16xi32>
    %shift_left3A_602 = arith.shli %broadcast_in_dim3A_543, %and3A_601 : vector<16xi32>
    %swap3A_603 = arith.constant 64 : index
    %swap3A_604 = tpu.vector_load %arg11[%swap3A_603] {strides = array<i32>} : memref<512xi32, #tpu.memory_space<vmem>>, vector<16xi32>,
    tpu.vector_store %arg11[%swap3A_603], %shift_left3A_602 {strides = array<i32>} : memref<512xi32, #tpu.memory_space<vmem>>, vector<16xi32>,
    %get3A_605 = arith.constant 80 : index
    %get3A_606 = tpu.vector_load %arg9[%get3A_605] {strides = array<i32>} : memref<512xi32, #tpu.memory_space<vmem>>, vector<16xi32>,
    %shift_right_logical3A_607 = arith.constant 5 : i32
    %shift_right_logical3A_608 = vector.broadcast %shift_right_logical3A_607 : i32 to vector<16xi32>
    %shift_right_logical3A_609 = arith.shrui %get3A_606, %shift_right_logical3A_608 : vector<16xi32>
    %swap3A_610 = arith.constant 80 : index
    %swap3A_611 = tpu.vector_load %arg10[%swap3A_610] {strides = array<i32>} : memref<512xi32, #tpu.memory_space<vmem>>, vector<16xi32>,
    tpu.vector_store %arg10[%swap3A_610], %shift_right_logical3A_609 {strides = array<i32>} : memref<512xi32, #tpu.memory_space<vmem>>, vector<16xi32>,
    %and3A_612 = arith.constant 31 : i32
    %and3A_613 = vector.broadcast %and3A_612 : i32 to vector<16xi32>
    %and3A_614 = arith.andi %get3A_606, %and3A_613 : vector<16xi32>
    %shift_left3A_615 = arith.shli %broadcast_in_dim3A_543, %and3A_614 : vector<16xi32>
    %swap3A_616 = arith.constant 80 : index
    %swap3A_617 = tpu.vector_load %arg11[%swap3A_616] {strides = array<i32>} : memref<512xi32, #tpu.memory_space<vmem>>, vector<16xi32>,
    tpu.vector_store %arg11[%swap3A_616], %shift_left3A_615 {strides = array<i32>} : memref<512xi32, #tpu.memory_space<vmem>>, vector<16xi32>,
    %get3A_618 = arith.constant 96 : index
    %get3A_619 = tpu.vector_load %arg9[%get3A_618] {strides = array<i32>} : memref<512xi32, #tpu.memory_space<vmem>>, vector<16xi32>,
    %shift_right_logical3A_620 = arith.constant 5 : i32
    %shift_right_logical3A_621 = vector.broadcast %shift_right_logical3A_620 : i32 to vector<16xi32>
    %shift_right_logical3A_622 = arith.shrui %get3A_619, %shift_right_logical3A_621 : vector<16xi32>
    %swap3A_623 = arith.constant 96 : index
    %swap3A_624 = tpu.vector_load %arg10[%swap3A_623] {strides = array<i32>} : memref<512xi32, #tpu.memory_space<vmem>>, vector<16xi32>,
    tpu.vector_store %arg10[%swap3A_623], %shift_right_logical3A_622 {strides = array<i32>} : memref<512xi32, #tpu.memory_space<vmem>>, vector<16xi32>,
    %and3A_625 = arith.constant 31 : i32
    %and3A_626 = vector.broadcast %and3A_625 : i32 to vector<16xi32>
    %and3A_627 = arith.andi %get3A_619, %and3A_626 : vector<16xi32>
    %shift_left3A_628 = arith.shli %broadcast_in_dim3A_543, %and3A_627 : vector<16xi32>
    %swap3A_629 = arith.constant 96 : index
    %swap3A_630 = tpu.vector_load %arg11[%swap3A_629] {strides = array<i32>} : memref<512xi32, #tpu.memory_space<vmem>>, vector<16xi32>,
    tpu.vector_store %arg11[%swap3A_629], %shift_left3A_628 {strides = array<i32>} : memref<512xi32, #tpu.memory_space<vmem>>, vector<16xi32>,
    %get3A_631 = arith.constant 112 : index
    %get3A_632 = tpu.vector_load %arg9[%get3A_631] {strides = array<i32>} : memref<512xi32, #tpu.memory_space<vmem>>, vector<16xi32>,
    %shift_right_logical3A_633 = arith.constant 5 : i32
    %shift_right_logical3A_634 = vector.broadcast %shift_right_logical3A_633 : i32 to vector<16xi32>
    %shift_right_logical3A_635 = arith.shrui %get3A_632, %shift_right_logical3A_634 : vector<16xi32>
    %swap3A_636 = arith.constant 112 : index
    %swap3A_637 = tpu.vector_load %arg10[%swap3A_636] {strides = array<i32>} : memref<512xi32, #tpu.memory_space<vmem>>, vector<16xi32>,
    tpu.vector_store %arg10[%swap3A_636], %shift_right_logical3A_635 {strides = array<i32>} : memref<512xi32, #tpu.memory_space<vmem>>, vector<16xi32>,
    %and3A_638 = arith.constant 31 : i32
    %and3A_639 = vector.broadcast %and3A_638 : i32 to vector<16xi32>
    %and3A_640 = arith.andi %get3A_632, %and3A_639 : vector<16xi32>
    %shift_left3A_641 = arith.shli %broadcast_in_dim3A_543, %and3A_640 : vector<16xi32>
    %swap3A_642 = arith.constant 112 : index
    %swap3A_643 = tpu.vector_load %arg11[%swap3A_642] {strides = array<i32>} : memref<512xi32, #tpu.memory_space<vmem>>, vector<16xi32>,
    tpu.vector_store %arg11[%swap3A_642], %shift_left3A_641 {strides = array<i32>} : memref<512xi32, #tpu.memory_space<vmem>>, vector<16xi32>,
    %get3A_644 = arith.constant 128 : index
    %get3A_645 = tpu.vector_load %arg9[%get3A_644] {strides = array<i32>} : memref<512xi32, #tpu.memory_space<vmem>>, vector<16xi32>,
    %shift_right_logical3A_646 = arith.constant 5 : i32
    %shift_right_logical3A_647 = vector.broadcast %shift_right_logical3A_646 : i32 to vector<16xi32>
    %shift_right_logical3A_648 = arith.shrui %get3A_645, %shift_right_logical3A_647 : vector<16xi32>
    %swap3A_649 = arith.constant 128 : index
    %swap3A_650 = tpu.vector_load %arg10[%swap3A_649] {strides = array<i32>} : memref<512xi32, #tpu.memory_space<vmem>>, vector<16xi32>,
    tpu.vector_store %arg10[%swap3A_649], %shift_right_logical3A_648 {strides = array<i32>} : memref<512xi32, #tpu.memory_space<vmem>>, vector<16xi32>,
    %and3A_651 = arith.constant 31 : i32
    %and3A_652 = vector.broadcast %and3A_651 : i32 to vector<16xi32>
    %and3A_653 = arith.andi %get3A_645, %and3A_652 : vector<16xi32>
    %shift_left3A_654 = arith.shli %broadcast_in_dim3A_543, %and3A_653 : vector<16xi32>
    %swap3A_655 = arith.constant 128 : index
    %swap3A_656 = tpu.vector_load %arg11[%swap3A_655] {strides = array<i32>} : memref<512xi32, #tpu.memory_space<vmem>>, vector<16xi32>,
    tpu.vector_store %arg11[%swap3A_655], %shift_left3A_654 {strides = array<i32>} : memref<512xi32, #tpu.memory_space<vmem>>, vector<16xi32>,
    %get3A_657 = arith.constant 144 : index
    %get3A_658 = tpu.vector_load %arg9[%get3A_657] {strides = array<i32>} : memref<512xi32, #tpu.memory_space<vmem>>, vector<16xi32>,
    %shift_right_logical3A_659 = arith.constant 5 : i32
    %shift_right_logical3A_660 = vector.broadcast %shift_right_logical3A_659 : i32 to vector<16xi32>
    %shift_right_logical3A_661 = arith.shrui %get3A_658, %shift_right_logical3A_660 : vector<16xi32>
    %swap3A_662 = arith.constant 144 : index
    %swap3A_663 = tpu.vector_load %arg10[%swap3A_662] {strides = array<i32>} : memref<512xi32, #tpu.memory_space<vmem>>, vector<16xi32>,
    tpu.vector_store %arg10[%swap3A_662], %shift_right_logical3A_661 {strides = array<i32>} : memref<512xi32, #tpu.memory_space<vmem>>, vector<16xi32>,
    %and3A_664 = arith.constant 31 : i32
    %and3A_665 = vector.broadcast %and3A_664 : i32 to vector<16xi32>
    %and3A_666 = arith.andi %get3A_658, %and3A_665 : vector<16xi32>
    %shift_left3A_667 = arith.shli %broadcast_in_dim3A_543, %and3A_666 : vector<16xi32>
    %swap3A_668 = arith.constant 144 : index
    %swap3A_669 = tpu.vector_load %arg11[%swap3A_668] {strides = array<i32>} : memref<512xi32, #tpu.memory_space<vmem>>, vector<16xi32>,
    tpu.vector_store %arg11[%swap3A_668], %shift_left3A_667 {strides = array<i32>} : memref<512xi32, #tpu.memory_space<vmem>>, vector<16xi32>,
    %get3A_670 = arith.constant 160 : index
    %get3A_671 = tpu.vector_load %arg9[%get3A_670] {strides = array<i32>} : memref<512xi32, #tpu.memory_space<vmem>>, vector<16xi32>,
    %shift_right_logical3A_672 = arith.constant 5 : i32
    %shift_right_logical3A_673 = vector.broadcast %shift_right_logical3A_672 : i32 to vector<16xi32>
    %shift_right_logical3A_674 = arith.shrui %get3A_671, %shift_right_logical3A_673 : vector<16xi32>
    %swap3A_675 = arith.constant 160 : index
    %swap3A_676 = tpu.vector_load %arg10[%swap3A_675] {strides = array<i32>} : memref<512xi32, #tpu.memory_space<vmem>>, vector<16xi32>,
    tpu.vector_store %arg10[%swap3A_675], %shift_right_logical3A_674 {strides = array<i32>} : memref<512xi32, #tpu.memory_space<vmem>>, vector<16xi32>,
    %and3A_677 = arith.constant 31 : i32
    %and3A_678 = vector.broadcast %and3A_677 : i32 to vector<16xi32>
    %and3A_679 = arith.andi %get3A_671, %and3A_678 : vector<16xi32>
    %shift_left3A_680 = arith.shli %broadcast_in_dim3A_543, %and3A_679 : vector<16xi32>
    %swap3A_681 = arith.constant 160 : index
    %swap3A_682 = tpu.vector_load %arg11[%swap3A_681] {strides = array<i32>} : memref<512xi32, #tpu.memory_space<vmem>>, vector<16xi32>,
    tpu.vector_store %arg11[%swap3A_681], %shift_left3A_680 {strides = array<i32>} : memref<512xi32, #tpu.memory_space<vmem>>, vector<16xi32>,
    %get3A_683 = arith.constant 176 : index
    %get3A_684 = tpu.vector_load %arg9[%get3A_683] {strides = array<i32>} : memref<512xi32, #tpu.memory_space<vmem>>, vector<16xi32>,
    %shift_right_logical3A_685 = arith.constant 5 : i32
    %shift_right_logical3A_686 = vector.broadcast %shift_right_logical3A_685 : i32 to vector<16xi32>
    %shift_right_logical3A_687 = arith.shrui %get3A_684, %shift_right_logical3A_686 : vector<16xi32>
    %swap3A_688 = arith.constant 176 : index
    %swap3A_689 = tpu.vector_load %arg10[%swap3A_688] {strides = array<i32>} : memref<512xi32, #tpu.memory_space<vmem>>, vector<16xi32>,
    tpu.vector_store %arg10[%swap3A_688], %shift_right_logical3A_687 {strides = array<i32>} : memref<512xi32, #tpu.memory_space<vmem>>, vector<16xi32>,
    %and3A_690 = arith.constant 31 : i32
    %and3A_691 = vector.broadcast %and3A_690 : i32 to vector<16xi32>
    %and3A_692 = arith.andi %get3A_684, %and3A_691 : vector<16xi32>
    %shift_left3A_693 = arith.shli %broadcast_in_dim3A_543, %and3A_692 : vector<16xi32>
    %swap3A_694 = arith.constant 176 : index
    %swap3A_695 = tpu.vector_load %arg11[%swap3A_694] {strides = array<i32>} : memref<512xi32, #tpu.memory_space<vmem>>, vector<16xi32>,
    tpu.vector_store %arg11[%swap3A_694], %shift_left3A_693 {strides = array<i32>} : memref<512xi32, #tpu.memory_space<vmem>>, vector<16xi32>,
    %get3A_696 = arith.constant 192 : index
    %get3A_697 = tpu.vector_load %arg9[%get3A_696] {strides = array<i32>} : memref<512xi32, #tpu.memory_space<vmem>>, vector<16xi32>,
    %shift_right_logical3A_698 = arith.constant 5 : i32
    %shift_right_logical3A_699 = vector.broadcast %shift_right_logical3A_698 : i32 to vector<16xi32>
    %shift_right_logical3A_700 = arith.shrui %get3A_697, %shift_right_logical3A_699 : vector<16xi32>
    %swap3A_701 = arith.constant 192 : index
    %swap3A_702 = tpu.vector_load %arg10[%swap3A_701] {strides = array<i32>} : memref<512xi32, #tpu.memory_space<vmem>>, vector<16xi32>,
    tpu.vector_store %arg10[%swap3A_701], %shift_right_logical3A_700 {strides = array<i32>} : memref<512xi32, #tpu.memory_space<vmem>>, vector<16xi32>,
    %and3A_703 = arith.constant 31 : i32
    %and3A_704 = vector.broadcast %and3A_703 : i32 to vector<16xi32>
    %and3A_705 = arith.andi %get3A_697, %and3A_704 : vector<16xi32>
    %shift_left3A_706 = arith.shli %broadcast_in_dim3A_543, %and3A_705 : vector<16xi32>
    %swap3A_707 = arith.constant 192 : index
    %swap3A_708 = tpu.vector_load %arg11[%swap3A_707] {strides = array<i32>} : memref<512xi32, #tpu.memory_space<vmem>>, vector<16xi32>,
    tpu.vector_store %arg11[%swap3A_707], %shift_left3A_706 {strides = array<i32>} : memref<512xi32, #tpu.memory_space<vmem>>, vector<16xi32>,
    %get3A_709 = arith.constant 208 : index
    %get3A_710 = tpu.vector_load %arg9[%get3A_709] {strides = array<i32>} : memref<512xi32, #tpu.memory_space<vmem>>, vector<16xi32>,
    %shift_right_logical3A_711 = arith.constant 5 : i32
    %shift_right_logical3A_712 = vector.broadcast %shift_right_logical3A_711 : i32 to vector<16xi32>
    %shift_right_logical3A_713 = arith.shrui %get3A_710, %shift_right_logical3A_712 : vector<16xi32>
    %swap3A_714 = arith.constant 208 : index
    %swap3A_715 = tpu.vector_load %arg10[%swap3A_714] {strides = array<i32>} : memref<512xi32, #tpu.memory_space<vmem>>, vector<16xi32>,
    tpu.vector_store %arg10[%swap3A_714], %shift_right_logical3A_713 {strides = array<i32>} : memref<512xi32, #tpu.memory_space<vmem>>, vector<16xi32>,
    %and3A_716 = arith.constant 31 : i32
    %and3A_717 = vector.broadcast %and3A_716 : i32 to vector<16xi32>
    %and3A_718 = arith.andi %get3A_710, %and3A_717 : vector<16xi32>
    %shift_left3A_719 = arith.shli %broadcast_in_dim3A_543, %and3A_718 : vector<16xi32>
    %swap3A_720 = arith.constant 208 : index
    %swap3A_721 = tpu.vector_load %arg11[%swap3A_720] {strides = array<i32>} : memref<512xi32, #tpu.memory_space<vmem>>, vector<16xi32>,
    tpu.vector_store %arg11[%swap3A_720], %shift_left3A_719 {strides = array<i32>} : memref<512xi32, #tpu.memory_space<vmem>>, vector<16xi32>,
    %get3A_722 = arith.constant 224 : index
    %get3A_723 = tpu.vector_load %arg9[%get3A_722] {strides = array<i32>} : memref<512xi32, #tpu.memory_space<vmem>>, vector<16xi32>,
    %shift_right_logical3A_724 = arith.constant 5 : i32
    %shift_right_logical3A_725 = vector.broadcast %shift_right_logical3A_724 : i32 to vector<16xi32>
    %shift_right_logical3A_726 = arith.shrui %get3A_723, %shift_right_logical3A_725 : vector<16xi32>
    %swap3A_727 = arith.constant 224 : index
    %swap3A_728 = tpu.vector_load %arg10[%swap3A_727] {strides = array<i32>} : memref<512xi32, #tpu.memory_space<vmem>>, vector<16xi32>,
    tpu.vector_store %arg10[%swap3A_727], %shift_right_logical3A_726 {strides = array<i32>} : memref<512xi32, #tpu.memory_space<vmem>>, vector<16xi32>,
    %and3A_729 = arith.constant 31 : i32
    %and3A_730 = vector.broadcast %and3A_729 : i32 to vector<16xi32>
    %and3A_731 = arith.andi %get3A_723, %and3A_730 : vector<16xi32>
    %shift_left3A_732 = arith.shli %broadcast_in_dim3A_543, %and3A_731 : vector<16xi32>
    %swap3A_733 = arith.constant 224 : index
    %swap3A_734 = tpu.vector_load %arg11[%swap3A_733] {strides = array<i32>} : memref<512xi32, #tpu.memory_space<vmem>>, vector<16xi32>,
    tpu.vector_store %arg11[%swap3A_733], %shift_left3A_732 {strides = array<i32>} : memref<512xi32, #tpu.memory_space<vmem>>, vector<16xi32>,
    %get3A_735 = arith.constant 240 : index
    %get3A_736 = tpu.vector_load %arg9[%get3A_735] {strides = array<i32>} : memref<512xi32, #tpu.memory_space<vmem>>, vector<16xi32>,
    %shift_right_logical3A_737 = arith.constant 5 : i32
    %shift_right_logical3A_738 = vector.broadcast %shift_right_logical3A_737 : i32 to vector<16xi32>
    %shift_right_logical3A_739 = arith.shrui %get3A_736, %shift_right_logical3A_738 : vector<16xi32>
    %swap3A_740 = arith.constant 240 : index
    %swap3A_741 = tpu.vector_load %arg10[%swap3A_740] {strides = array<i32>} : memref<512xi32, #tpu.memory_space<vmem>>, vector<16xi32>,
    tpu.vector_store %arg10[%swap3A_740], %shift_right_logical3A_739 {strides = array<i32>} : memref<512xi32, #tpu.memory_space<vmem>>, vector<16xi32>,
    %and3A_742 = arith.constant 31 : i32
    %and3A_743 = vector.broadcast %and3A_742 : i32 to vector<16xi32>
    %and3A_744 = arith.andi %get3A_736, %and3A_743 : vector<16xi32>
    %shift_left3A_745 = arith.shli %broadcast_in_dim3A_543, %and3A_744 : vector<16xi32>
    %swap3A_746 = arith.constant 240 : index
    %swap3A_747 = tpu.vector_load %arg11[%swap3A_746] {strides = array<i32>} : memref<512xi32, #tpu.memory_space<vmem>>, vector<16xi32>,
    tpu.vector_store %arg11[%swap3A_746], %shift_left3A_745 {strides = array<i32>} : memref<512xi32, #tpu.memory_space<vmem>>, vector<16xi32>,
    %get3A_748 = arith.constant 256 : index
    %get3A_749 = tpu.vector_load %arg9[%get3A_748] {strides = array<i32>} : memref<512xi32, #tpu.memory_space<vmem>>, vector<16xi32>,
    %shift_right_logical3A_750 = arith.constant 5 : i32
    %shift_right_logical3A_751 = vector.broadcast %shift_right_logical3A_750 : i32 to vector<16xi32>
    %shift_right_logical3A_752 = arith.shrui %get3A_749, %shift_right_logical3A_751 : vector<16xi32>
    %swap3A_753 = arith.constant 256 : index
    %swap3A_754 = tpu.vector_load %arg10[%swap3A_753] {strides = array<i32>} : memref<512xi32, #tpu.memory_space<vmem>>, vector<16xi32>,
    tpu.vector_store %arg10[%swap3A_753], %shift_right_logical3A_752 {strides = array<i32>} : memref<512xi32, #tpu.memory_space<vmem>>, vector<16xi32>,
    %and3A_755 = arith.constant 31 : i32
    %and3A_756 = vector.broadcast %and3A_755 : i32 to vector<16xi32>
    %and3A_757 = arith.andi %get3A_749, %and3A_756 : vector<16xi32>
    %shift_left3A_758 = arith.shli %broadcast_in_dim3A_543, %and3A_757 : vector<16xi32>
    %swap3A_759 = arith.constant 256 : index
    %swap3A_760 = tpu.vector_load %arg11[%swap3A_759] {strides = array<i32>} : memref<512xi32, #tpu.memory_space<vmem>>, vector<16xi32>,
    tpu.vector_store %arg11[%swap3A_759], %shift_left3A_758 {strides = array<i32>} : memref<512xi32, #tpu.memory_space<vmem>>, vector<16xi32>,
    %get3A_761 = arith.constant 272 : index
    %get3A_762 = tpu.vector_load %arg9[%get3A_761] {strides = array<i32>} : memref<512xi32, #tpu.memory_space<vmem>>, vector<16xi32>,
    %shift_right_logical3A_763 = arith.constant 5 : i32
    %shift_right_logical3A_764 = vector.broadcast %shift_right_logical3A_763 : i32 to vector<16xi32>
    %shift_right_logical3A_765 = arith.shrui %get3A_762, %shift_right_logical3A_764 : vector<16xi32>
    %swap3A_766 = arith.constant 272 : index
    %swap3A_767 = tpu.vector_load %arg10[%swap3A_766] {strides = array<i32>} : memref<512xi32, #tpu.memory_space<vmem>>, vector<16xi32>,
    tpu.vector_store %arg10[%swap3A_766], %shift_right_logical3A_765 {strides = array<i32>} : memref<512xi32, #tpu.memory_space<vmem>>, vector<16xi32>,
    %and3A_768 = arith.constant 31 : i32
    %and3A_769 = vector.broadcast %and3A_768 : i32 to vector<16xi32>
    %and3A_770 = arith.andi %get3A_762, %and3A_769 : vector<16xi32>
    %shift_left3A_771 = arith.shli %broadcast_in_dim3A_543, %and3A_770 : vector<16xi32>
    %swap3A_772 = arith.constant 272 : index
    %swap3A_773 = tpu.vector_load %arg11[%swap3A_772] {strides = array<i32>} : memref<512xi32, #tpu.memory_space<vmem>>, vector<16xi32>,
    tpu.vector_store %arg11[%swap3A_772], %shift_left3A_771 {strides = array<i32>} : memref<512xi32, #tpu.memory_space<vmem>>, vector<16xi32>,
    %get3A_774 = arith.constant 288 : index
    %get3A_775 = tpu.vector_load %arg9[%get3A_774] {strides = array<i32>} : memref<512xi32, #tpu.memory_space<vmem>>, vector<16xi32>,
    %shift_right_logical3A_776 = arith.constant 5 : i32
    %shift_right_logical3A_777 = vector.broadcast %shift_right_logical3A_776 : i32 to vector<16xi32>
    %shift_right_logical3A_778 = arith.shrui %get3A_775, %shift_right_logical3A_777 : vector<16xi32>
    %swap3A_779 = arith.constant 288 : index
    %swap3A_780 = tpu.vector_load %arg10[%swap3A_779] {strides = array<i32>} : memref<512xi32, #tpu.memory_space<vmem>>, vector<16xi32>,
    tpu.vector_store %arg10[%swap3A_779], %shift_right_logical3A_778 {strides = array<i32>} : memref<512xi32, #tpu.memory_space<vmem>>, vector<16xi32>,
    %and3A_781 = arith.constant 31 : i32
    %and3A_782 = vector.broadcast %and3A_781 : i32 to vector<16xi32>
    %and3A_783 = arith.andi %get3A_775, %and3A_782 : vector<16xi32>
    %shift_left3A_784 = arith.shli %broadcast_in_dim3A_543, %and3A_783 : vector<16xi32>
    %swap3A_785 = arith.constant 288 : index
    %swap3A_786 = tpu.vector_load %arg11[%swap3A_785] {strides = array<i32>} : memref<512xi32, #tpu.memory_space<vmem>>, vector<16xi32>,
    tpu.vector_store %arg11[%swap3A_785], %shift_left3A_784 {strides = array<i32>} : memref<512xi32, #tpu.memory_space<vmem>>, vector<16xi32>,
    %get3A_787 = arith.constant 304 : index
    %get3A_788 = tpu.vector_load %arg9[%get3A_787] {strides = array<i32>} : memref<512xi32, #tpu.memory_space<vmem>>, vector<16xi32>,
    %shift_right_logical3A_789 = arith.constant 5 : i32
    %shift_right_logical3A_790 = vector.broadcast %shift_right_logical3A_789 : i32 to vector<16xi32>
    %shift_right_logical3A_791 = arith.shrui %get3A_788, %shift_right_logical3A_790 : vector<16xi32>
    %swap3A_792 = arith.constant 304 : index
    %swap3A_793 = tpu.vector_load %arg10[%swap3A_792] {strides = array<i32>} : memref<512xi32, #tpu.memory_space<vmem>>, vector<16xi32>,
    tpu.vector_store %arg10[%swap3A_792], %shift_right_logical3A_791 {strides = array<i32>} : memref<512xi32, #tpu.memory_space<vmem>>, vector<16xi32>,
    %and3A_794 = arith.constant 31 : i32
    %and3A_795 = vector.broadcast %and3A_794 : i32 to vector<16xi32>
    %and3A_796 = arith.andi %get3A_788, %and3A_795 : vector<16xi32>
    %shift_left3A_797 = arith.shli %broadcast_in_dim3A_543, %and3A_796 : vector<16xi32>
    %swap3A_798 = arith.constant 304 : index
    %swap3A_799 = tpu.vector_load %arg11[%swap3A_798] {strides = array<i32>} : memref<512xi32, #tpu.memory_space<vmem>>, vector<16xi32>,
    tpu.vector_store %arg11[%swap3A_798], %shift_left3A_797 {strides = array<i32>} : memref<512xi32, #tpu.memory_space<vmem>>, vector<16xi32>,
    %get3A_800 = arith.constant 320 : index
    %get3A_801 = tpu.vector_load %arg9[%get3A_800] {strides = array<i32>} : memref<512xi32, #tpu.memory_space<vmem>>, vector<16xi32>,
    %shift_right_logical3A_802 = arith.constant 5 : i32
    %shift_right_logical3A_803 = vector.broadcast %shift_right_logical3A_802 : i32 to vector<16xi32>
    %shift_right_logical3A_804 = arith.shrui %get3A_801, %shift_right_logical3A_803 : vector<16xi32>
    %swap3A_805 = arith.constant 320 : index
    %swap3A_806 = tpu.vector_load %arg10[%swap3A_805] {strides = array<i32>} : memref<512xi32, #tpu.memory_space<vmem>>, vector<16xi32>,
    tpu.vector_store %arg10[%swap3A_805], %shift_right_logical3A_804 {strides = array<i32>} : memref<512xi32, #tpu.memory_space<vmem>>, vector<16xi32>,
    %and3A_807 = arith.constant 31 : i32
    %and3A_808 = vector.broadcast %and3A_807 : i32 to vector<16xi32>
    %and3A_809 = arith.andi %get3A_801, %and3A_808 : vector<16xi32>
    %shift_left3A_810 = arith.shli %broadcast_in_dim3A_543, %and3A_809 : vector<16xi32>
    %swap3A_811 = arith.constant 320 : index
    %swap3A_812 = tpu.vector_load %arg11[%swap3A_811] {strides = array<i32>} : memref<512xi32, #tpu.memory_space<vmem>>, vector<16xi32>,
    tpu.vector_store %arg11[%swap3A_811], %shift_left3A_810 {strides = array<i32>} : memref<512xi32, #tpu.memory_space<vmem>>, vector<16xi32>,
    %get3A_813 = arith.constant 336 : index
    %get3A_814 = tpu.vector_load %arg9[%get3A_813] {strides = array<i32>} : memref<512xi32, #tpu.memory_space<vmem>>, vector<16xi32>,
    %shift_right_logical3A_815 = arith.constant 5 : i32
    %shift_right_logical3A_816 = vector.broadcast %shift_right_logical3A_815 : i32 to vector<16xi32>
    %shift_right_logical3A_817 = arith.shrui %get3A_814, %shift_right_logical3A_816 : vector<16xi32>
    %swap3A_818 = arith.constant 336 : index
    %swap3A_819 = tpu.vector_load %arg10[%swap3A_818] {strides = array<i32>} : memref<512xi32, #tpu.memory_space<vmem>>, vector<16xi32>,
    tpu.vector_store %arg10[%swap3A_818], %shift_right_logical3A_817 {strides = array<i32>} : memref<512xi32, #tpu.memory_space<vmem>>, vector<16xi32>,
    %and3A_820 = arith.constant 31 : i32
    %and3A_821 = vector.broadcast %and3A_820 : i32 to vector<16xi32>
    %and3A_822 = arith.andi %get3A_814, %and3A_821 : vector<16xi32>
    %shift_left3A_823 = arith.shli %broadcast_in_dim3A_543, %and3A_822 : vector<16xi32>
    %swap3A_824 = arith.constant 336 : index
    %swap3A_825 = tpu.vector_load %arg11[%swap3A_824] {strides = array<i32>} : memref<512xi32, #tpu.memory_space<vmem>>, vector<16xi32>,
    tpu.vector_store %arg11[%swap3A_824], %shift_left3A_823 {strides = array<i32>} : memref<512xi32, #tpu.memory_space<vmem>>, vector<16xi32>,
    %get3A_826 = arith.constant 352 : index
    %get3A_827 = tpu.vector_load %arg9[%get3A_826] {strides = array<i32>} : memref<512xi32, #tpu.memory_space<vmem>>, vector<16xi32>,
    %shift_right_logical3A_828 = arith.constant 5 : i32
    %shift_right_logical3A_829 = vector.broadcast %shift_right_logical3A_828 : i32 to vector<16xi32>
    %shift_right_logical3A_830 = arith.shrui %get3A_827, %shift_right_logical3A_829 : vector<16xi32>
    %swap3A_831 = arith.constant 352 : index
    %swap3A_832 = tpu.vector_load %arg10[%swap3A_831] {strides = array<i32>} : memref<512xi32, #tpu.memory_space<vmem>>, vector<16xi32>,
    tpu.vector_store %arg10[%swap3A_831], %shift_right_logical3A_830 {strides = array<i32>} : memref<512xi32, #tpu.memory_space<vmem>>, vector<16xi32>,
    %and3A_833 = arith.constant 31 : i32
    %and3A_834 = vector.broadcast %and3A_833 : i32 to vector<16xi32>
    %and3A_835 = arith.andi %get3A_827, %and3A_834 : vector<16xi32>
    %shift_left3A_836 = arith.shli %broadcast_in_dim3A_543, %and3A_835 : vector<16xi32>
    %swap3A_837 = arith.constant 352 : index
    %swap3A_838 = tpu.vector_load %arg11[%swap3A_837] {strides = array<i32>} : memref<512xi32, #tpu.memory_space<vmem>>, vector<16xi32>,
    tpu.vector_store %arg11[%swap3A_837], %shift_left3A_836 {strides = array<i32>} : memref<512xi32, #tpu.memory_space<vmem>>, vector<16xi32>,
    %get3A_839 = arith.constant 368 : index
    %get3A_840 = tpu.vector_load %arg9[%get3A_839] {strides = array<i32>} : memref<512xi32, #tpu.memory_space<vmem>>, vector<16xi32>,
    %shift_right_logical3A_841 = arith.constant 5 : i32
    %shift_right_logical3A_842 = vector.broadcast %shift_right_logical3A_841 : i32 to vector<16xi32>
    %shift_right_logical3A_843 = arith.shrui %get3A_840, %shift_right_logical3A_842 : vector<16xi32>
    %swap3A_844 = arith.constant 368 : index
    %swap3A_845 = tpu.vector_load %arg10[%swap3A_844] {strides = array<i32>} : memref<512xi32, #tpu.memory_space<vmem>>, vector<16xi32>,
    tpu.vector_store %arg10[%swap3A_844], %shift_right_logical3A_843 {strides = array<i32>} : memref<512xi32, #tpu.memory_space<vmem>>, vector<16xi32>,
    %and3A_846 = arith.constant 31 : i32
    %and3A_847 = vector.broadcast %and3A_846 : i32 to vector<16xi32>
    %and3A_848 = arith.andi %get3A_840, %and3A_847 : vector<16xi32>
    %shift_left3A_849 = arith.shli %broadcast_in_dim3A_543, %and3A_848 : vector<16xi32>
    %swap3A_850 = arith.constant 368 : index
    %swap3A_851 = tpu.vector_load %arg11[%swap3A_850] {strides = array<i32>} : memref<512xi32, #tpu.memory_space<vmem>>, vector<16xi32>,
    tpu.vector_store %arg11[%swap3A_850], %shift_left3A_849 {strides = array<i32>} : memref<512xi32, #tpu.memory_space<vmem>>, vector<16xi32>,
    %get3A_852 = arith.constant 384 : index
    %get3A_853 = tpu.vector_load %arg9[%get3A_852] {strides = array<i32>} : memref<512xi32, #tpu.memory_space<vmem>>, vector<16xi32>,
    %shift_right_logical3A_854 = arith.constant 5 : i32
    %shift_right_logical3A_855 = vector.broadcast %shift_right_logical3A_854 : i32 to vector<16xi32>
    %shift_right_logical3A_856 = arith.shrui %get3A_853, %shift_right_logical3A_855 : vector<16xi32>
    %swap3A_857 = arith.constant 384 : index
    %swap3A_858 = tpu.vector_load %arg10[%swap3A_857] {strides = array<i32>} : memref<512xi32, #tpu.memory_space<vmem>>, vector<16xi32>,
    tpu.vector_store %arg10[%swap3A_857], %shift_right_logical3A_856 {strides = array<i32>} : memref<512xi32, #tpu.memory_space<vmem>>, vector<16xi32>,
    %and3A_859 = arith.constant 31 : i32
    %and3A_860 = vector.broadcast %and3A_859 : i32 to vector<16xi32>
    %and3A_861 = arith.andi %get3A_853, %and3A_860 : vector<16xi32>
    %shift_left3A_862 = arith.shli %broadcast_in_dim3A_543, %and3A_861 : vector<16xi32>
    %swap3A_863 = arith.constant 384 : index
    %swap3A_864 = tpu.vector_load %arg11[%swap3A_863] {strides = array<i32>} : memref<512xi32, #tpu.memory_space<vmem>>, vector<16xi32>,
    tpu.vector_store %arg11[%swap3A_863], %shift_left3A_862 {strides = array<i32>} : memref<512xi32, #tpu.memory_space<vmem>>, vector<16xi32>,
    %get3A_865 = arith.constant 400 : index
    %get3A_866 = tpu.vector_load %arg9[%get3A_865] {strides = array<i32>} : memref<512xi32, #tpu.memory_space<vmem>>, vector<16xi32>,
    %shift_right_logical3A_867 = arith.constant 5 : i32
    %shift_right_logical3A_868 = vector.broadcast %shift_right_logical3A_867 : i32 to vector<16xi32>
    %shift_right_logical3A_869 = arith.shrui %get3A_866, %shift_right_logical3A_868 : vector<16xi32>
    %swap3A_870 = arith.constant 400 : index
    %swap3A_871 = tpu.vector_load %arg10[%swap3A_870] {strides = array<i32>} : memref<512xi32, #tpu.memory_space<vmem>>, vector<16xi32>,
    tpu.vector_store %arg10[%swap3A_870], %shift_right_logical3A_869 {strides = array<i32>} : memref<512xi32, #tpu.memory_space<vmem>>, vector<16xi32>,
    %and3A_872 = arith.constant 31 : i32
    %and3A_873 = vector.broadcast %and3A_872 : i32 to vector<16xi32>
    %and3A_874 = arith.andi %get3A_866, %and3A_873 : vector<16xi32>
    %shift_left3A_875 = arith.shli %broadcast_in_dim3A_543, %and3A_874 : vector<16xi32>
    %swap3A_876 = arith.constant 400 : index
    %swap3A_877 = tpu.vector_load %arg11[%swap3A_876] {strides = array<i32>} : memref<512xi32, #tpu.memory_space<vmem>>, vector<16xi32>,
    tpu.vector_store %arg11[%swap3A_876], %shift_left3A_875 {strides = array<i32>} : memref<512xi32, #tpu.memory_space<vmem>>, vector<16xi32>,
    %get3A_878 = arith.constant 416 : index
    %get3A_879 = tpu.vector_load %arg9[%get3A_878] {strides = array<i32>} : memref<512xi32, #tpu.memory_space<vmem>>, vector<16xi32>,
    %shift_right_logical3A_880 = arith.constant 5 : i32
    %shift_right_logical3A_881 = vector.broadcast %shift_right_logical3A_880 : i32 to vector<16xi32>
    %shift_right_logical3A_882 = arith.shrui %get3A_879, %shift_right_logical3A_881 : vector<16xi32>
    %swap3A_883 = arith.constant 416 : index
    %swap3A_884 = tpu.vector_load %arg10[%swap3A_883] {strides = array<i32>} : memref<512xi32, #tpu.memory_space<vmem>>, vector<16xi32>,
    tpu.vector_store %arg10[%swap3A_883], %shift_right_logical3A_882 {strides = array<i32>} : memref<512xi32, #tpu.memory_space<vmem>>, vector<16xi32>,
    %and3A_885 = arith.constant 31 : i32
    %and3A_886 = vector.broadcast %and3A_885 : i32 to vector<16xi32>
    %and3A_887 = arith.andi %get3A_879, %and3A_886 : vector<16xi32>
    %shift_left3A_888 = arith.shli %broadcast_in_dim3A_543, %and3A_887 : vector<16xi32>
    %swap3A_889 = arith.constant 416 : index
    %swap3A_890 = tpu.vector_load %arg11[%swap3A_889] {strides = array<i32>} : memref<512xi32, #tpu.memory_space<vmem>>, vector<16xi32>,
    tpu.vector_store %arg11[%swap3A_889], %shift_left3A_888 {strides = array<i32>} : memref<512xi32, #tpu.memory_space<vmem>>, vector<16xi32>,
    %get3A_891 = arith.constant 432 : index
    %get3A_892 = tpu.vector_load %arg9[%get3A_891] {strides = array<i32>} : memref<512xi32, #tpu.memory_space<vmem>>, vector<16xi32>,
    %shift_right_logical3A_893 = arith.constant 5 : i32
    %shift_right_logical3A_894 = vector.broadcast %shift_right_logical3A_893 : i32 to vector<16xi32>
    %shift_right_logical3A_895 = arith.shrui %get3A_892, %shift_right_logical3A_894 : vector<16xi32>
    %swap3A_896 = arith.constant 432 : index
    %swap3A_897 = tpu.vector_load %arg10[%swap3A_896] {strides = array<i32>} : memref<512xi32, #tpu.memory_space<vmem>>, vector<16xi32>,
    tpu.vector_store %arg10[%swap3A_896], %shift_right_logical3A_895 {strides = array<i32>} : memref<512xi32, #tpu.memory_space<vmem>>, vector<16xi32>,
    %and3A_898 = arith.constant 31 : i32
    %and3A_899 = vector.broadcast %and3A_898 : i32 to vector<16xi32>
    %and3A_900 = arith.andi %get3A_892, %and3A_899 : vector<16xi32>
    %shift_left3A_901 = arith.shli %broadcast_in_dim3A_543, %and3A_900 : vector<16xi32>
    %swap3A_902 = arith.constant 432 : index
    %swap3A_903 = tpu.vector_load %arg11[%swap3A_902] {strides = array<i32>} : memref<512xi32, #tpu.memory_space<vmem>>, vector<16xi32>,
    tpu.vector_store %arg11[%swap3A_902], %shift_left3A_901 {strides = array<i32>} : memref<512xi32, #tpu.memory_space<vmem>>, vector<16xi32>,
    %get3A_904 = arith.constant 448 : index
    %get3A_905 = tpu.vector_load %arg9[%get3A_904] {strides = array<i32>} : memref<512xi32, #tpu.memory_space<vmem>>, vector<16xi32>,
    %shift_right_logical3A_906 = arith.constant 5 : i32
    %shift_right_logical3A_907 = vector.broadcast %shift_right_logical3A_906 : i32 to vector<16xi32>
    %shift_right_logical3A_908 = arith.shrui %get3A_905, %shift_right_logical3A_907 : vector<16xi32>
    %swap3A_909 = arith.constant 448 : index
    %swap3A_910 = tpu.vector_load %arg10[%swap3A_909] {strides = array<i32>} : memref<512xi32, #tpu.memory_space<vmem>>, vector<16xi32>,
    tpu.vector_store %arg10[%swap3A_909], %shift_right_logical3A_908 {strides = array<i32>} : memref<512xi32, #tpu.memory_space<vmem>>, vector<16xi32>,
    %and3A_911 = arith.constant 31 : i32
    %and3A_912 = vector.broadcast %and3A_911 : i32 to vector<16xi32>
    %and3A_913 = arith.andi %get3A_905, %and3A_912 : vector<16xi32>
    %shift_left3A_914 = arith.shli %broadcast_in_dim3A_543, %and3A_913 : vector<16xi32>
    %swap3A_915 = arith.constant 448 : index
    %swap3A_916 = tpu.vector_load %arg11[%swap3A_915] {strides = array<i32>} : memref<512xi32, #tpu.memory_space<vmem>>, vector<16xi32>,
    tpu.vector_store %arg11[%swap3A_915], %shift_left3A_914 {strides = array<i32>} : memref<512xi32, #tpu.memory_space<vmem>>, vector<16xi32>,
    %get3A_917 = arith.constant 464 : index
    %get3A_918 = tpu.vector_load %arg9[%get3A_917] {strides = array<i32>} : memref<512xi32, #tpu.memory_space<vmem>>, vector<16xi32>,
    %shift_right_logical3A_919 = arith.constant 5 : i32
    %shift_right_logical3A_920 = vector.broadcast %shift_right_logical3A_919 : i32 to vector<16xi32>
    %shift_right_logical3A_921 = arith.shrui %get3A_918, %shift_right_logical3A_920 : vector<16xi32>
    %swap3A_922 = arith.constant 464 : index
    %swap3A_923 = tpu.vector_load %arg10[%swap3A_922] {strides = array<i32>} : memref<512xi32, #tpu.memory_space<vmem>>, vector<16xi32>,
    tpu.vector_store %arg10[%swap3A_922], %shift_right_logical3A_921 {strides = array<i32>} : memref<512xi32, #tpu.memory_space<vmem>>, vector<16xi32>,
    %and3A_924 = arith.constant 31 : i32
    %and3A_925 = vector.broadcast %and3A_924 : i32 to vector<16xi32>
    %and3A_926 = arith.andi %get3A_918, %and3A_925 : vector<16xi32>
    %shift_left3A_927 = arith.shli %broadcast_in_dim3A_543, %and3A_926 : vector<16xi32>
    %swap3A_928 = arith.constant 464 : index
    %swap3A_929 = tpu.vector_load %arg11[%swap3A_928] {strides = array<i32>} : memref<512xi32, #tpu.memory_space<vmem>>, vector<16xi32>,
    tpu.vector_store %arg11[%swap3A_928], %shift_left3A_927 {strides = array<i32>} : memref<512xi32, #tpu.memory_space<vmem>>, vector<16xi32>,
    %get3A_930 = arith.constant 480 : index
    %get3A_931 = tpu.vector_load %arg9[%get3A_930] {strides = array<i32>} : memref<512xi32, #tpu.memory_space<vmem>>, vector<16xi32>,
    %shift_right_logical3A_932 = arith.constant 5 : i32
    %shift_right_logical3A_933 = vector.broadcast %shift_right_logical3A_932 : i32 to vector<16xi32>
    %shift_right_logical3A_934 = arith.shrui %get3A_931, %shift_right_logical3A_933 : vector<16xi32>
    %swap3A_935 = arith.constant 480 : index
    %swap3A_936 = tpu.vector_load %arg10[%swap3A_935] {strides = array<i32>} : memref<512xi32, #tpu.memory_space<vmem>>, vector<16xi32>,
    tpu.vector_store %arg10[%swap3A_935], %shift_right_logical3A_934 {strides = array<i32>} : memref<512xi32, #tpu.memory_space<vmem>>, vector<16xi32>,
    %and3A_937 = arith.constant 31 : i32
    %and3A_938 = vector.broadcast %and3A_937 : i32 to vector<16xi32>
    %and3A_939 = arith.andi %get3A_931, %and3A_938 : vector<16xi32>
    %shift_left3A_940 = arith.shli %broadcast_in_dim3A_543, %and3A_939 : vector<16xi32>
    %swap3A_941 = arith.constant 480 : index
    %swap3A_942 = tpu.vector_load %arg11[%swap3A_941] {strides = array<i32>} : memref<512xi32, #tpu.memory_space<vmem>>, vector<16xi32>,
    tpu.vector_store %arg11[%swap3A_941], %shift_left3A_940 {strides = array<i32>} : memref<512xi32, #tpu.memory_space<vmem>>, vector<16xi32>,
    %get3A_943 = arith.constant 496 : index
    %get3A_944 = tpu.vector_load %arg9[%get3A_943] {strides = array<i32>} : memref<512xi32, #tpu.memory_space<vmem>>, vector<16xi32>,
    %shift_right_logical3A_945 = arith.constant 5 : i32
    %shift_right_logical3A_946 = vector.broadcast %shift_right_logical3A_945 : i32 to vector<16xi32>
    %shift_right_logical3A_947 = arith.shrui %get3A_944, %shift_right_logical3A_946 : vector<16xi32>
    %swap3A_948 = arith.constant 496 : index
    %swap3A_949 = tpu.vector_load %arg10[%swap3A_948] {strides = array<i32>} : memref<512xi32, #tpu.memory_space<vmem>>, vector<16xi32>,
    tpu.vector_store %arg10[%swap3A_948], %shift_right_logical3A_947 {strides = array<i32>} : memref<512xi32, #tpu.memory_space<vmem>>, vector<16xi32>,
    %and3A_950 = arith.constant 31 : i32
    %and3A_951 = vector.broadcast %and3A_950 : i32 to vector<16xi32>
    %and3A_952 = arith.andi %get3A_944, %and3A_951 : vector<16xi32>
    %shift_left3A_953 = arith.shli %broadcast_in_dim3A_543, %and3A_952 : vector<16xi32>
    %swap3A_954 = arith.constant 496 : index
    %swap3A_955 = tpu.vector_load %arg11[%swap3A_954] {strides = array<i32>} : memref<512xi32, #tpu.memory_space<vmem>>, vector<16xi32>,
    tpu.vector_store %arg11[%swap3A_954], %shift_left3A_953 {strides = array<i32>} : memref<512xi32, #tpu.memory_space<vmem>>, vector<16xi32>,
    "tpu.region"() ({
      %run_scoped3A = tpu.sem_alloc : memref<!tpu.dma_semaphore, #tpu.memory_space<semaphore_mem>>
      %dma_start3A_1679 = arith.constant 0 : i32
      %dma_start3A_1680 = tpu.memref_slice %arg16[%dma_start3A_1679] : memref<31360xi32, #tpu.memory_space<vmem_shared>> -> memref<31360xi32, #tpu.memory_space<vmem_shared>>
      tpu.enqueue_indirect_dma source(%arg11 : memref<512xi32, #tpu.memory_space<vmem>>) target(%dma_start3A_1680 : memref<31360xi32, #tpu.memory_space<vmem_shared>>) offsets(%arg10 : memref<512xi32, #tpu.memory_space<vmem>>) semaphore(%run_scoped3A : memref<!tpu.dma_semaphore, #tpu.memory_space<semaphore_mem>>) {add = true}
      %dma_wait3A_1681 = arith.constant 0 : i32
      %dma_wait3A_1682 = tpu.memref_slice %arg16[%dma_wait3A_1681] : memref<31360xi32, #tpu.memory_space<vmem_shared>> -> memref<31360xi32, #tpu.memory_space<vmem_shared>>
      tpu.wait_indirect_dma semaphore(%run_scoped3A : memref<!tpu.dma_semaphore, #tpu.memory_space<semaphore_mem>>) src(%arg11 : memref<512xi32, #tpu.memory_space<vmem>>) dst(%dma_wait3A_1682 : memref<31360xi32, #tpu.memory_space<vmem_shared>>)
      tpu.yield
    }) : () -> ()
    %barrier3A_956 = arith.constant 0 : index
    tpu.barrier barrier_id(%barrier3A_956)
    %mul3A_957 = arith.constant 512 : i32
    %mul3A_958 = arith.muli %add3A, %mul3A_957 : i32
    "tpu.region"() ({
      %run_scoped3A = tpu.sem_alloc : memref<!tpu.dma_semaphore, #tpu.memory_space<semaphore_mem>>
      %dma_start3A_1679 = tpu.memref_slice %arg3[%mul3A_958] : memref<24576xi32, #tpu.memory_space<hbm>> -> memref<512xi32, #tpu.memory_space<hbm>>
      %dma_start3A_1680 = tpu.memref_slice %arg3[%mul3A_958] : memref<24576xi32, #tpu.memory_space<hbm>> -> memref<512xi32, #tpu.memory_space<hbm>>
      tpu.enqueue_dma source(%dma_start3A_1680 : memref<512xi32, #tpu.memory_space<hbm>>) target(%arg8 : memref<512xi32, #tpu.memory_space<vmem>>) target_semaphore(%run_scoped3A : memref<!tpu.dma_semaphore, #tpu.memory_space<semaphore_mem>>)
      %dma_wait3A_1681 = tpu.memref_slice %arg3[%mul3A_958] : memref<24576xi32, #tpu.memory_space<hbm>> -> memref<512xi32, #tpu.memory_space<hbm>>
      %dma_wait3A_1682 = tpu.memref_slice %arg3[%mul3A_958] : memref<24576xi32, #tpu.memory_space<hbm>> -> memref<512xi32, #tpu.memory_space<hbm>>
      tpu.wait_dma2 semaphore(%run_scoped3A : memref<!tpu.dma_semaphore, #tpu.memory_space<semaphore_mem>>) src(%dma_wait3A_1682 : memref<512xi32, #tpu.memory_space<hbm>>) dst(%arg8 : memref<512xi32, #tpu.memory_space<vmem>>)
      tpu.yield
    }) : () -> ()
    %get3A_959 = arith.constant 0 : index
    %get3A_960 = tpu.vector_load %arg8[%get3A_959] {strides = array<i32>} : memref<512xi32, #tpu.memory_space<vmem>>, vector<16xi32>,
    %shift_right_logical3A_961 = arith.constant 5 : i32
    %shift_right_logical3A_962 = vector.broadcast %shift_right_logical3A_961 : i32 to vector<16xi32>
    %shift_right_logical3A_963 = arith.shrui %get3A_960, %shift_right_logical3A_962 : vector<16xi32>
    %swap3A_964 = arith.constant 0 : index
    %swap3A_965 = tpu.vector_load %arg12[%swap3A_964] {strides = array<i32>} : memref<512xi32, #tpu.memory_space<vmem>>, vector<16xi32>,
    tpu.vector_store %arg12[%swap3A_964], %shift_right_logical3A_963 {strides = array<i32>} : memref<512xi32, #tpu.memory_space<vmem>>, vector<16xi32>,
    %get3A_966 = arith.constant 16 : index
    %get3A_967 = tpu.vector_load %arg8[%get3A_966] {strides = array<i32>} : memref<512xi32, #tpu.memory_space<vmem>>, vector<16xi32>,
    %shift_right_logical3A_968 = arith.constant 5 : i32
    %shift_right_logical3A_969 = vector.broadcast %shift_right_logical3A_968 : i32 to vector<16xi32>
    %shift_right_logical3A_970 = arith.shrui %get3A_967, %shift_right_logical3A_969 : vector<16xi32>
    %swap3A_971 = arith.constant 16 : index
    %swap3A_972 = tpu.vector_load %arg12[%swap3A_971] {strides = array<i32>} : memref<512xi32, #tpu.memory_space<vmem>>, vector<16xi32>,
    tpu.vector_store %arg12[%swap3A_971], %shift_right_logical3A_970 {strides = array<i32>} : memref<512xi32, #tpu.memory_space<vmem>>, vector<16xi32>,
    %get3A_973 = arith.constant 32 : index
    %get3A_974 = tpu.vector_load %arg8[%get3A_973] {strides = array<i32>} : memref<512xi32, #tpu.memory_space<vmem>>, vector<16xi32>,
    %shift_right_logical3A_975 = arith.constant 5 : i32
    %shift_right_logical3A_976 = vector.broadcast %shift_right_logical3A_975 : i32 to vector<16xi32>
    %shift_right_logical3A_977 = arith.shrui %get3A_974, %shift_right_logical3A_976 : vector<16xi32>
    %swap3A_978 = arith.constant 32 : index
    %swap3A_979 = tpu.vector_load %arg12[%swap3A_978] {strides = array<i32>} : memref<512xi32, #tpu.memory_space<vmem>>, vector<16xi32>,
    tpu.vector_store %arg12[%swap3A_978], %shift_right_logical3A_977 {strides = array<i32>} : memref<512xi32, #tpu.memory_space<vmem>>, vector<16xi32>,
    %get3A_980 = arith.constant 48 : index
    %get3A_981 = tpu.vector_load %arg8[%get3A_980] {strides = array<i32>} : memref<512xi32, #tpu.memory_space<vmem>>, vector<16xi32>,
    %shift_right_logical3A_982 = arith.constant 5 : i32
    %shift_right_logical3A_983 = vector.broadcast %shift_right_logical3A_982 : i32 to vector<16xi32>
    %shift_right_logical3A_984 = arith.shrui %get3A_981, %shift_right_logical3A_983 : vector<16xi32>
    %swap3A_985 = arith.constant 48 : index
    %swap3A_986 = tpu.vector_load %arg12[%swap3A_985] {strides = array<i32>} : memref<512xi32, #tpu.memory_space<vmem>>, vector<16xi32>,
    tpu.vector_store %arg12[%swap3A_985], %shift_right_logical3A_984 {strides = array<i32>} : memref<512xi32, #tpu.memory_space<vmem>>, vector<16xi32>,
    %get3A_987 = arith.constant 64 : index
    %get3A_988 = tpu.vector_load %arg8[%get3A_987] {strides = array<i32>} : memref<512xi32, #tpu.memory_space<vmem>>, vector<16xi32>,
    %shift_right_logical3A_989 = arith.constant 5 : i32
    %shift_right_logical3A_990 = vector.broadcast %shift_right_logical3A_989 : i32 to vector<16xi32>
    %shift_right_logical3A_991 = arith.shrui %get3A_988, %shift_right_logical3A_990 : vector<16xi32>
    %swap3A_992 = arith.constant 64 : index
    %swap3A_993 = tpu.vector_load %arg12[%swap3A_992] {strides = array<i32>} : memref<512xi32, #tpu.memory_space<vmem>>, vector<16xi32>,
    tpu.vector_store %arg12[%swap3A_992], %shift_right_logical3A_991 {strides = array<i32>} : memref<512xi32, #tpu.memory_space<vmem>>, vector<16xi32>,
    %get3A_994 = arith.constant 80 : index
    %get3A_995 = tpu.vector_load %arg8[%get3A_994] {strides = array<i32>} : memref<512xi32, #tpu.memory_space<vmem>>, vector<16xi32>,
    %shift_right_logical3A_996 = arith.constant 5 : i32
    %shift_right_logical3A_997 = vector.broadcast %shift_right_logical3A_996 : i32 to vector<16xi32>
    %shift_right_logical3A_998 = arith.shrui %get3A_995, %shift_right_logical3A_997 : vector<16xi32>
    %swap3A_999 = arith.constant 80 : index
    %swap3A_1000 = tpu.vector_load %arg12[%swap3A_999] {strides = array<i32>} : memref<512xi32, #tpu.memory_space<vmem>>, vector<16xi32>,
    tpu.vector_store %arg12[%swap3A_999], %shift_right_logical3A_998 {strides = array<i32>} : memref<512xi32, #tpu.memory_space<vmem>>, vector<16xi32>,
    %get3A_1001 = arith.constant 96 : index
    %get3A_1002 = tpu.vector_load %arg8[%get3A_1001] {strides = array<i32>} : memref<512xi32, #tpu.memory_space<vmem>>, vector<16xi32>,
    %shift_right_logical3A_1003 = arith.constant 5 : i32
    %shift_right_logical3A_1004 = vector.broadcast %shift_right_logical3A_1003 : i32 to vector<16xi32>
    %shift_right_logical3A_1005 = arith.shrui %get3A_1002, %shift_right_logical3A_1004 : vector<16xi32>
    %swap3A_1006 = arith.constant 96 : index
    %swap3A_1007 = tpu.vector_load %arg12[%swap3A_1006] {strides = array<i32>} : memref<512xi32, #tpu.memory_space<vmem>>, vector<16xi32>,
    tpu.vector_store %arg12[%swap3A_1006], %shift_right_logical3A_1005 {strides = array<i32>} : memref<512xi32, #tpu.memory_space<vmem>>, vector<16xi32>,
    %get3A_1008 = arith.constant 112 : index
    %get3A_1009 = tpu.vector_load %arg8[%get3A_1008] {strides = array<i32>} : memref<512xi32, #tpu.memory_space<vmem>>, vector<16xi32>,
    %shift_right_logical3A_1010 = arith.constant 5 : i32
    %shift_right_logical3A_1011 = vector.broadcast %shift_right_logical3A_1010 : i32 to vector<16xi32>
    %shift_right_logical3A_1012 = arith.shrui %get3A_1009, %shift_right_logical3A_1011 : vector<16xi32>
    %swap3A_1013 = arith.constant 112 : index
    %swap3A_1014 = tpu.vector_load %arg12[%swap3A_1013] {strides = array<i32>} : memref<512xi32, #tpu.memory_space<vmem>>, vector<16xi32>,
    tpu.vector_store %arg12[%swap3A_1013], %shift_right_logical3A_1012 {strides = array<i32>} : memref<512xi32, #tpu.memory_space<vmem>>, vector<16xi32>,
    %get3A_1015 = arith.constant 128 : index
    %get3A_1016 = tpu.vector_load %arg8[%get3A_1015] {strides = array<i32>} : memref<512xi32, #tpu.memory_space<vmem>>, vector<16xi32>,
    %shift_right_logical3A_1017 = arith.constant 5 : i32
    %shift_right_logical3A_1018 = vector.broadcast %shift_right_logical3A_1017 : i32 to vector<16xi32>
    %shift_right_logical3A_1019 = arith.shrui %get3A_1016, %shift_right_logical3A_1018 : vector<16xi32>
    %swap3A_1020 = arith.constant 128 : index
    %swap3A_1021 = tpu.vector_load %arg12[%swap3A_1020] {strides = array<i32>} : memref<512xi32, #tpu.memory_space<vmem>>, vector<16xi32>,
    tpu.vector_store %arg12[%swap3A_1020], %shift_right_logical3A_1019 {strides = array<i32>} : memref<512xi32, #tpu.memory_space<vmem>>, vector<16xi32>,
    %get3A_1022 = arith.constant 144 : index
    %get3A_1023 = tpu.vector_load %arg8[%get3A_1022] {strides = array<i32>} : memref<512xi32, #tpu.memory_space<vmem>>, vector<16xi32>,
    %shift_right_logical3A_1024 = arith.constant 5 : i32
    %shift_right_logical3A_1025 = vector.broadcast %shift_right_logical3A_1024 : i32 to vector<16xi32>
    %shift_right_logical3A_1026 = arith.shrui %get3A_1023, %shift_right_logical3A_1025 : vector<16xi32>
    %swap3A_1027 = arith.constant 144 : index
    %swap3A_1028 = tpu.vector_load %arg12[%swap3A_1027] {strides = array<i32>} : memref<512xi32, #tpu.memory_space<vmem>>, vector<16xi32>,
    tpu.vector_store %arg12[%swap3A_1027], %shift_right_logical3A_1026 {strides = array<i32>} : memref<512xi32, #tpu.memory_space<vmem>>, vector<16xi32>,
    %get3A_1029 = arith.constant 160 : index
    %get3A_1030 = tpu.vector_load %arg8[%get3A_1029] {strides = array<i32>} : memref<512xi32, #tpu.memory_space<vmem>>, vector<16xi32>,
    %shift_right_logical3A_1031 = arith.constant 5 : i32
    %shift_right_logical3A_1032 = vector.broadcast %shift_right_logical3A_1031 : i32 to vector<16xi32>
    %shift_right_logical3A_1033 = arith.shrui %get3A_1030, %shift_right_logical3A_1032 : vector<16xi32>
    %swap3A_1034 = arith.constant 160 : index
    %swap3A_1035 = tpu.vector_load %arg12[%swap3A_1034] {strides = array<i32>} : memref<512xi32, #tpu.memory_space<vmem>>, vector<16xi32>,
    tpu.vector_store %arg12[%swap3A_1034], %shift_right_logical3A_1033 {strides = array<i32>} : memref<512xi32, #tpu.memory_space<vmem>>, vector<16xi32>,
    %get3A_1036 = arith.constant 176 : index
    %get3A_1037 = tpu.vector_load %arg8[%get3A_1036] {strides = array<i32>} : memref<512xi32, #tpu.memory_space<vmem>>, vector<16xi32>,
    %shift_right_logical3A_1038 = arith.constant 5 : i32
    %shift_right_logical3A_1039 = vector.broadcast %shift_right_logical3A_1038 : i32 to vector<16xi32>
    %shift_right_logical3A_1040 = arith.shrui %get3A_1037, %shift_right_logical3A_1039 : vector<16xi32>
    %swap3A_1041 = arith.constant 176 : index
    %swap3A_1042 = tpu.vector_load %arg12[%swap3A_1041] {strides = array<i32>} : memref<512xi32, #tpu.memory_space<vmem>>, vector<16xi32>,
    tpu.vector_store %arg12[%swap3A_1041], %shift_right_logical3A_1040 {strides = array<i32>} : memref<512xi32, #tpu.memory_space<vmem>>, vector<16xi32>,
    %get3A_1043 = arith.constant 192 : index
    %get3A_1044 = tpu.vector_load %arg8[%get3A_1043] {strides = array<i32>} : memref<512xi32, #tpu.memory_space<vmem>>, vector<16xi32>,
    %shift_right_logical3A_1045 = arith.constant 5 : i32
    %shift_right_logical3A_1046 = vector.broadcast %shift_right_logical3A_1045 : i32 to vector<16xi32>
    %shift_right_logical3A_1047 = arith.shrui %get3A_1044, %shift_right_logical3A_1046 : vector<16xi32>
    %swap3A_1048 = arith.constant 192 : index
    %swap3A_1049 = tpu.vector_load %arg12[%swap3A_1048] {strides = array<i32>} : memref<512xi32, #tpu.memory_space<vmem>>, vector<16xi32>,
    tpu.vector_store %arg12[%swap3A_1048], %shift_right_logical3A_1047 {strides = array<i32>} : memref<512xi32, #tpu.memory_space<vmem>>, vector<16xi32>,
    %get3A_1050 = arith.constant 208 : index
    %get3A_1051 = tpu.vector_load %arg8[%get3A_1050] {strides = array<i32>} : memref<512xi32, #tpu.memory_space<vmem>>, vector<16xi32>,
    %shift_right_logical3A_1052 = arith.constant 5 : i32
    %shift_right_logical3A_1053 = vector.broadcast %shift_right_logical3A_1052 : i32 to vector<16xi32>
    %shift_right_logical3A_1054 = arith.shrui %get3A_1051, %shift_right_logical3A_1053 : vector<16xi32>
    %swap3A_1055 = arith.constant 208 : index
    %swap3A_1056 = tpu.vector_load %arg12[%swap3A_1055] {strides = array<i32>} : memref<512xi32, #tpu.memory_space<vmem>>, vector<16xi32>,
    tpu.vector_store %arg12[%swap3A_1055], %shift_right_logical3A_1054 {strides = array<i32>} : memref<512xi32, #tpu.memory_space<vmem>>, vector<16xi32>,
    %get3A_1057 = arith.constant 224 : index
    %get3A_1058 = tpu.vector_load %arg8[%get3A_1057] {strides = array<i32>} : memref<512xi32, #tpu.memory_space<vmem>>, vector<16xi32>,
    %shift_right_logical3A_1059 = arith.constant 5 : i32
    %shift_right_logical3A_1060 = vector.broadcast %shift_right_logical3A_1059 : i32 to vector<16xi32>
    %shift_right_logical3A_1061 = arith.shrui %get3A_1058, %shift_right_logical3A_1060 : vector<16xi32>
    %swap3A_1062 = arith.constant 224 : index
    %swap3A_1063 = tpu.vector_load %arg12[%swap3A_1062] {strides = array<i32>} : memref<512xi32, #tpu.memory_space<vmem>>, vector<16xi32>,
    tpu.vector_store %arg12[%swap3A_1062], %shift_right_logical3A_1061 {strides = array<i32>} : memref<512xi32, #tpu.memory_space<vmem>>, vector<16xi32>,
    %get3A_1064 = arith.constant 240 : index
    %get3A_1065 = tpu.vector_load %arg8[%get3A_1064] {strides = array<i32>} : memref<512xi32, #tpu.memory_space<vmem>>, vector<16xi32>,
    %shift_right_logical3A_1066 = arith.constant 5 : i32
    %shift_right_logical3A_1067 = vector.broadcast %shift_right_logical3A_1066 : i32 to vector<16xi32>
    %shift_right_logical3A_1068 = arith.shrui %get3A_1065, %shift_right_logical3A_1067 : vector<16xi32>
    %swap3A_1069 = arith.constant 240 : index
    %swap3A_1070 = tpu.vector_load %arg12[%swap3A_1069] {strides = array<i32>} : memref<512xi32, #tpu.memory_space<vmem>>, vector<16xi32>,
    tpu.vector_store %arg12[%swap3A_1069], %shift_right_logical3A_1068 {strides = array<i32>} : memref<512xi32, #tpu.memory_space<vmem>>, vector<16xi32>,
    %get3A_1071 = arith.constant 256 : index
    %get3A_1072 = tpu.vector_load %arg8[%get3A_1071] {strides = array<i32>} : memref<512xi32, #tpu.memory_space<vmem>>, vector<16xi32>,
    %shift_right_logical3A_1073 = arith.constant 5 : i32
    %shift_right_logical3A_1074 = vector.broadcast %shift_right_logical3A_1073 : i32 to vector<16xi32>
    %shift_right_logical3A_1075 = arith.shrui %get3A_1072, %shift_right_logical3A_1074 : vector<16xi32>
    %swap3A_1076 = arith.constant 256 : index
    %swap3A_1077 = tpu.vector_load %arg12[%swap3A_1076] {strides = array<i32>} : memref<512xi32, #tpu.memory_space<vmem>>, vector<16xi32>,
    tpu.vector_store %arg12[%swap3A_1076], %shift_right_logical3A_1075 {strides = array<i32>} : memref<512xi32, #tpu.memory_space<vmem>>, vector<16xi32>,
    %get3A_1078 = arith.constant 272 : index
    %get3A_1079 = tpu.vector_load %arg8[%get3A_1078] {strides = array<i32>} : memref<512xi32, #tpu.memory_space<vmem>>, vector<16xi32>,
    %shift_right_logical3A_1080 = arith.constant 5 : i32
    %shift_right_logical3A_1081 = vector.broadcast %shift_right_logical3A_1080 : i32 to vector<16xi32>
    %shift_right_logical3A_1082 = arith.shrui %get3A_1079, %shift_right_logical3A_1081 : vector<16xi32>
    %swap3A_1083 = arith.constant 272 : index
    %swap3A_1084 = tpu.vector_load %arg12[%swap3A_1083] {strides = array<i32>} : memref<512xi32, #tpu.memory_space<vmem>>, vector<16xi32>,
    tpu.vector_store %arg12[%swap3A_1083], %shift_right_logical3A_1082 {strides = array<i32>} : memref<512xi32, #tpu.memory_space<vmem>>, vector<16xi32>,
    %get3A_1085 = arith.constant 288 : index
    %get3A_1086 = tpu.vector_load %arg8[%get3A_1085] {strides = array<i32>} : memref<512xi32, #tpu.memory_space<vmem>>, vector<16xi32>,
    %shift_right_logical3A_1087 = arith.constant 5 : i32
    %shift_right_logical3A_1088 = vector.broadcast %shift_right_logical3A_1087 : i32 to vector<16xi32>
    %shift_right_logical3A_1089 = arith.shrui %get3A_1086, %shift_right_logical3A_1088 : vector<16xi32>
    %swap3A_1090 = arith.constant 288 : index
    %swap3A_1091 = tpu.vector_load %arg12[%swap3A_1090] {strides = array<i32>} : memref<512xi32, #tpu.memory_space<vmem>>, vector<16xi32>,
    tpu.vector_store %arg12[%swap3A_1090], %shift_right_logical3A_1089 {strides = array<i32>} : memref<512xi32, #tpu.memory_space<vmem>>, vector<16xi32>,
    %get3A_1092 = arith.constant 304 : index
    %get3A_1093 = tpu.vector_load %arg8[%get3A_1092] {strides = array<i32>} : memref<512xi32, #tpu.memory_space<vmem>>, vector<16xi32>,
    %shift_right_logical3A_1094 = arith.constant 5 : i32
    %shift_right_logical3A_1095 = vector.broadcast %shift_right_logical3A_1094 : i32 to vector<16xi32>
    %shift_right_logical3A_1096 = arith.shrui %get3A_1093, %shift_right_logical3A_1095 : vector<16xi32>
    %swap3A_1097 = arith.constant 304 : index
    %swap3A_1098 = tpu.vector_load %arg12[%swap3A_1097] {strides = array<i32>} : memref<512xi32, #tpu.memory_space<vmem>>, vector<16xi32>,
    tpu.vector_store %arg12[%swap3A_1097], %shift_right_logical3A_1096 {strides = array<i32>} : memref<512xi32, #tpu.memory_space<vmem>>, vector<16xi32>,
    %get3A_1099 = arith.constant 320 : index
    %get3A_1100 = tpu.vector_load %arg8[%get3A_1099] {strides = array<i32>} : memref<512xi32, #tpu.memory_space<vmem>>, vector<16xi32>,
    %shift_right_logical3A_1101 = arith.constant 5 : i32
    %shift_right_logical3A_1102 = vector.broadcast %shift_right_logical3A_1101 : i32 to vector<16xi32>
    %shift_right_logical3A_1103 = arith.shrui %get3A_1100, %shift_right_logical3A_1102 : vector<16xi32>
    %swap3A_1104 = arith.constant 320 : index
    %swap3A_1105 = tpu.vector_load %arg12[%swap3A_1104] {strides = array<i32>} : memref<512xi32, #tpu.memory_space<vmem>>, vector<16xi32>,
    tpu.vector_store %arg12[%swap3A_1104], %shift_right_logical3A_1103 {strides = array<i32>} : memref<512xi32, #tpu.memory_space<vmem>>, vector<16xi32>,
    %get3A_1106 = arith.constant 336 : index
    %get3A_1107 = tpu.vector_load %arg8[%get3A_1106] {strides = array<i32>} : memref<512xi32, #tpu.memory_space<vmem>>, vector<16xi32>,
    %shift_right_logical3A_1108 = arith.constant 5 : i32
    %shift_right_logical3A_1109 = vector.broadcast %shift_right_logical3A_1108 : i32 to vector<16xi32>
    %shift_right_logical3A_1110 = arith.shrui %get3A_1107, %shift_right_logical3A_1109 : vector<16xi32>
    %swap3A_1111 = arith.constant 336 : index
    %swap3A_1112 = tpu.vector_load %arg12[%swap3A_1111] {strides = array<i32>} : memref<512xi32, #tpu.memory_space<vmem>>, vector<16xi32>,
    tpu.vector_store %arg12[%swap3A_1111], %shift_right_logical3A_1110 {strides = array<i32>} : memref<512xi32, #tpu.memory_space<vmem>>, vector<16xi32>,
    %get3A_1113 = arith.constant 352 : index
    %get3A_1114 = tpu.vector_load %arg8[%get3A_1113] {strides = array<i32>} : memref<512xi32, #tpu.memory_space<vmem>>, vector<16xi32>,
    %shift_right_logical3A_1115 = arith.constant 5 : i32
    %shift_right_logical3A_1116 = vector.broadcast %shift_right_logical3A_1115 : i32 to vector<16xi32>
    %shift_right_logical3A_1117 = arith.shrui %get3A_1114, %shift_right_logical3A_1116 : vector<16xi32>
    %swap3A_1118 = arith.constant 352 : index
    %swap3A_1119 = tpu.vector_load %arg12[%swap3A_1118] {strides = array<i32>} : memref<512xi32, #tpu.memory_space<vmem>>, vector<16xi32>,
    tpu.vector_store %arg12[%swap3A_1118], %shift_right_logical3A_1117 {strides = array<i32>} : memref<512xi32, #tpu.memory_space<vmem>>, vector<16xi32>,
    %get3A_1120 = arith.constant 368 : index
    %get3A_1121 = tpu.vector_load %arg8[%get3A_1120] {strides = array<i32>} : memref<512xi32, #tpu.memory_space<vmem>>, vector<16xi32>,
    %shift_right_logical3A_1122 = arith.constant 5 : i32
    %shift_right_logical3A_1123 = vector.broadcast %shift_right_logical3A_1122 : i32 to vector<16xi32>
    %shift_right_logical3A_1124 = arith.shrui %get3A_1121, %shift_right_logical3A_1123 : vector<16xi32>
    %swap3A_1125 = arith.constant 368 : index
    %swap3A_1126 = tpu.vector_load %arg12[%swap3A_1125] {strides = array<i32>} : memref<512xi32, #tpu.memory_space<vmem>>, vector<16xi32>,
    tpu.vector_store %arg12[%swap3A_1125], %shift_right_logical3A_1124 {strides = array<i32>} : memref<512xi32, #tpu.memory_space<vmem>>, vector<16xi32>,
    %get3A_1127 = arith.constant 384 : index
    %get3A_1128 = tpu.vector_load %arg8[%get3A_1127] {strides = array<i32>} : memref<512xi32, #tpu.memory_space<vmem>>, vector<16xi32>,
    %shift_right_logical3A_1129 = arith.constant 5 : i32
    %shift_right_logical3A_1130 = vector.broadcast %shift_right_logical3A_1129 : i32 to vector<16xi32>
    %shift_right_logical3A_1131 = arith.shrui %get3A_1128, %shift_right_logical3A_1130 : vector<16xi32>
    %swap3A_1132 = arith.constant 384 : index
    %swap3A_1133 = tpu.vector_load %arg12[%swap3A_1132] {strides = array<i32>} : memref<512xi32, #tpu.memory_space<vmem>>, vector<16xi32>,
    tpu.vector_store %arg12[%swap3A_1132], %shift_right_logical3A_1131 {strides = array<i32>} : memref<512xi32, #tpu.memory_space<vmem>>, vector<16xi32>,
    %get3A_1134 = arith.constant 400 : index
    %get3A_1135 = tpu.vector_load %arg8[%get3A_1134] {strides = array<i32>} : memref<512xi32, #tpu.memory_space<vmem>>, vector<16xi32>,
    %shift_right_logical3A_1136 = arith.constant 5 : i32
    %shift_right_logical3A_1137 = vector.broadcast %shift_right_logical3A_1136 : i32 to vector<16xi32>
    %shift_right_logical3A_1138 = arith.shrui %get3A_1135, %shift_right_logical3A_1137 : vector<16xi32>
    %swap3A_1139 = arith.constant 400 : index
    %swap3A_1140 = tpu.vector_load %arg12[%swap3A_1139] {strides = array<i32>} : memref<512xi32, #tpu.memory_space<vmem>>, vector<16xi32>,
    tpu.vector_store %arg12[%swap3A_1139], %shift_right_logical3A_1138 {strides = array<i32>} : memref<512xi32, #tpu.memory_space<vmem>>, vector<16xi32>,
    %get3A_1141 = arith.constant 416 : index
    %get3A_1142 = tpu.vector_load %arg8[%get3A_1141] {strides = array<i32>} : memref<512xi32, #tpu.memory_space<vmem>>, vector<16xi32>,
    %shift_right_logical3A_1143 = arith.constant 5 : i32
    %shift_right_logical3A_1144 = vector.broadcast %shift_right_logical3A_1143 : i32 to vector<16xi32>
    %shift_right_logical3A_1145 = arith.shrui %get3A_1142, %shift_right_logical3A_1144 : vector<16xi32>
    %swap3A_1146 = arith.constant 416 : index
    %swap3A_1147 = tpu.vector_load %arg12[%swap3A_1146] {strides = array<i32>} : memref<512xi32, #tpu.memory_space<vmem>>, vector<16xi32>,
    tpu.vector_store %arg12[%swap3A_1146], %shift_right_logical3A_1145 {strides = array<i32>} : memref<512xi32, #tpu.memory_space<vmem>>, vector<16xi32>,
    %get3A_1148 = arith.constant 432 : index
    %get3A_1149 = tpu.vector_load %arg8[%get3A_1148] {strides = array<i32>} : memref<512xi32, #tpu.memory_space<vmem>>, vector<16xi32>,
    %shift_right_logical3A_1150 = arith.constant 5 : i32
    %shift_right_logical3A_1151 = vector.broadcast %shift_right_logical3A_1150 : i32 to vector<16xi32>
    %shift_right_logical3A_1152 = arith.shrui %get3A_1149, %shift_right_logical3A_1151 : vector<16xi32>
    %swap3A_1153 = arith.constant 432 : index
    %swap3A_1154 = tpu.vector_load %arg12[%swap3A_1153] {strides = array<i32>} : memref<512xi32, #tpu.memory_space<vmem>>, vector<16xi32>,
    tpu.vector_store %arg12[%swap3A_1153], %shift_right_logical3A_1152 {strides = array<i32>} : memref<512xi32, #tpu.memory_space<vmem>>, vector<16xi32>,
    %get3A_1155 = arith.constant 448 : index
    %get3A_1156 = tpu.vector_load %arg8[%get3A_1155] {strides = array<i32>} : memref<512xi32, #tpu.memory_space<vmem>>, vector<16xi32>,
    %shift_right_logical3A_1157 = arith.constant 5 : i32
    %shift_right_logical3A_1158 = vector.broadcast %shift_right_logical3A_1157 : i32 to vector<16xi32>
    %shift_right_logical3A_1159 = arith.shrui %get3A_1156, %shift_right_logical3A_1158 : vector<16xi32>
    %swap3A_1160 = arith.constant 448 : index
    %swap3A_1161 = tpu.vector_load %arg12[%swap3A_1160] {strides = array<i32>} : memref<512xi32, #tpu.memory_space<vmem>>, vector<16xi32>,
    tpu.vector_store %arg12[%swap3A_1160], %shift_right_logical3A_1159 {strides = array<i32>} : memref<512xi32, #tpu.memory_space<vmem>>, vector<16xi32>,
    %get3A_1162 = arith.constant 464 : index
    %get3A_1163 = tpu.vector_load %arg8[%get3A_1162] {strides = array<i32>} : memref<512xi32, #tpu.memory_space<vmem>>, vector<16xi32>,
    %shift_right_logical3A_1164 = arith.constant 5 : i32
    %shift_right_logical3A_1165 = vector.broadcast %shift_right_logical3A_1164 : i32 to vector<16xi32>
    %shift_right_logical3A_1166 = arith.shrui %get3A_1163, %shift_right_logical3A_1165 : vector<16xi32>
    %swap3A_1167 = arith.constant 464 : index
    %swap3A_1168 = tpu.vector_load %arg12[%swap3A_1167] {strides = array<i32>} : memref<512xi32, #tpu.memory_space<vmem>>, vector<16xi32>,
    tpu.vector_store %arg12[%swap3A_1167], %shift_right_logical3A_1166 {strides = array<i32>} : memref<512xi32, #tpu.memory_space<vmem>>, vector<16xi32>,
    %get3A_1169 = arith.constant 480 : index
    %get3A_1170 = tpu.vector_load %arg8[%get3A_1169] {strides = array<i32>} : memref<512xi32, #tpu.memory_space<vmem>>, vector<16xi32>,
    %shift_right_logical3A_1171 = arith.constant 5 : i32
    %shift_right_logical3A_1172 = vector.broadcast %shift_right_logical3A_1171 : i32 to vector<16xi32>
    %shift_right_logical3A_1173 = arith.shrui %get3A_1170, %shift_right_logical3A_1172 : vector<16xi32>
    %swap3A_1174 = arith.constant 480 : index
    %swap3A_1175 = tpu.vector_load %arg12[%swap3A_1174] {strides = array<i32>} : memref<512xi32, #tpu.memory_space<vmem>>, vector<16xi32>,
    tpu.vector_store %arg12[%swap3A_1174], %shift_right_logical3A_1173 {strides = array<i32>} : memref<512xi32, #tpu.memory_space<vmem>>, vector<16xi32>,
    %get3A_1176 = arith.constant 496 : index
    %get3A_1177 = tpu.vector_load %arg8[%get3A_1176] {strides = array<i32>} : memref<512xi32, #tpu.memory_space<vmem>>, vector<16xi32>,
    %shift_right_logical3A_1178 = arith.constant 5 : i32
    %shift_right_logical3A_1179 = vector.broadcast %shift_right_logical3A_1178 : i32 to vector<16xi32>
    %shift_right_logical3A_1180 = arith.shrui %get3A_1177, %shift_right_logical3A_1179 : vector<16xi32>
    %swap3A_1181 = arith.constant 496 : index
    %swap3A_1182 = tpu.vector_load %arg12[%swap3A_1181] {strides = array<i32>} : memref<512xi32, #tpu.memory_space<vmem>>, vector<16xi32>,
    tpu.vector_store %arg12[%swap3A_1181], %shift_right_logical3A_1180 {strides = array<i32>} : memref<512xi32, #tpu.memory_space<vmem>>, vector<16xi32>,
    "tpu.region"() ({
      %run_scoped3A = tpu.sem_alloc : memref<!tpu.dma_semaphore, #tpu.memory_space<semaphore_mem>>
      %dma_start3A_1679 = arith.constant 0 : i32
      %dma_start3A_1680 = tpu.memref_slice %arg16[%dma_start3A_1679] : memref<31360xi32, #tpu.memory_space<vmem_shared>> -> memref<31360xi32, #tpu.memory_space<vmem_shared>>
      tpu.enqueue_indirect_dma source(%dma_start3A_1680 : memref<31360xi32, #tpu.memory_space<vmem_shared>>) target(%arg13 : memref<512xi32, #tpu.memory_space<vmem>>) offsets(%arg12 : memref<512xi32, #tpu.memory_space<vmem>>) semaphore(%run_scoped3A : memref<!tpu.dma_semaphore, #tpu.memory_space<semaphore_mem>>)
      %dma_wait3A_1681 = arith.constant 0 : i32
      %dma_wait3A_1682 = tpu.memref_slice %arg16[%dma_wait3A_1681] : memref<31360xi32, #tpu.memory_space<vmem_shared>> -> memref<31360xi32, #tpu.memory_space<vmem_shared>>
      tpu.wait_indirect_dma semaphore(%run_scoped3A : memref<!tpu.dma_semaphore, #tpu.memory_space<semaphore_mem>>) src(%dma_wait3A_1682 : memref<31360xi32, #tpu.memory_space<vmem_shared>>) dst(%arg13 : memref<512xi32, #tpu.memory_space<vmem>>)
      tpu.yield
    }) : () -> ()
    %get3A_1183 = arith.constant 0 : index
    %get3A_1184 = tpu.vector_load %arg8[%get3A_1183] {strides = array<i32>} : memref<512xi32, #tpu.memory_space<vmem>>, vector<16xi32>,
    %and3A_1185 = arith.constant 31 : i32
    %and3A_1186 = vector.broadcast %and3A_1185 : i32 to vector<16xi32>
    %and3A_1187 = arith.andi %get3A_1184, %and3A_1186 : vector<16xi32>
    %get3A_1188 = arith.constant 0 : index
    %get3A_1189 = tpu.vector_load %arg13[%get3A_1188] {strides = array<i32>} : memref<512xi32, #tpu.memory_space<vmem>>, vector<16xi32>,
    %shift_right_logical3A_1190 = arith.shrui %get3A_1189, %and3A_1187 : vector<16xi32>
    %and3A_1191 = arith.constant 1 : i32
    %and3A_1192 = vector.broadcast %and3A_1191 : i32 to vector<16xi32>
    %and3A_1193 = arith.andi %shift_right_logical3A_1190, %and3A_1192 : vector<16xi32>
    %convert_element_type3A = arith.sitofp %and3A_1193 : vector<16xi32> to vector<16xf32>
    %swap3A_1194 = arith.constant 0 : index
    %swap3A_1195 = tpu.vector_load %arg14[%swap3A_1194] {strides = array<i32>} : memref<512xf32, #tpu.memory_space<vmem>>, vector<16xf32>,
    tpu.vector_store %arg14[%swap3A_1194], %convert_element_type3A {strides = array<i32>} : memref<512xf32, #tpu.memory_space<vmem>>, vector<16xf32>,
    %get3A_1196 = arith.constant 16 : index
    %get3A_1197 = tpu.vector_load %arg8[%get3A_1196] {strides = array<i32>} : memref<512xi32, #tpu.memory_space<vmem>>, vector<16xi32>,
    %and3A_1198 = arith.constant 31 : i32
    %and3A_1199 = vector.broadcast %and3A_1198 : i32 to vector<16xi32>
    %and3A_1200 = arith.andi %get3A_1197, %and3A_1199 : vector<16xi32>
    %get3A_1201 = arith.constant 16 : index
    %get3A_1202 = tpu.vector_load %arg13[%get3A_1201] {strides = array<i32>} : memref<512xi32, #tpu.memory_space<vmem>>, vector<16xi32>,
    %shift_right_logical3A_1203 = arith.shrui %get3A_1202, %and3A_1200 : vector<16xi32>
    %and3A_1204 = arith.constant 1 : i32
    %and3A_1205 = vector.broadcast %and3A_1204 : i32 to vector<16xi32>
    %and3A_1206 = arith.andi %shift_right_logical3A_1203, %and3A_1205 : vector<16xi32>
    %convert_element_type3A_1207 = arith.sitofp %and3A_1206 : vector<16xi32> to vector<16xf32>
    %swap3A_1208 = arith.constant 16 : index
    %swap3A_1209 = tpu.vector_load %arg14[%swap3A_1208] {strides = array<i32>} : memref<512xf32, #tpu.memory_space<vmem>>, vector<16xf32>,
    tpu.vector_store %arg14[%swap3A_1208], %convert_element_type3A_1207 {strides = array<i32>} : memref<512xf32, #tpu.memory_space<vmem>>, vector<16xf32>,
    %get3A_1210 = arith.constant 32 : index
    %get3A_1211 = tpu.vector_load %arg8[%get3A_1210] {strides = array<i32>} : memref<512xi32, #tpu.memory_space<vmem>>, vector<16xi32>,
    %and3A_1212 = arith.constant 31 : i32
    %and3A_1213 = vector.broadcast %and3A_1212 : i32 to vector<16xi32>
    %and3A_1214 = arith.andi %get3A_1211, %and3A_1213 : vector<16xi32>
    %get3A_1215 = arith.constant 32 : index
    %get3A_1216 = tpu.vector_load %arg13[%get3A_1215] {strides = array<i32>} : memref<512xi32, #tpu.memory_space<vmem>>, vector<16xi32>,
    %shift_right_logical3A_1217 = arith.shrui %get3A_1216, %and3A_1214 : vector<16xi32>
    %and3A_1218 = arith.constant 1 : i32
    %and3A_1219 = vector.broadcast %and3A_1218 : i32 to vector<16xi32>
    %and3A_1220 = arith.andi %shift_right_logical3A_1217, %and3A_1219 : vector<16xi32>
    %convert_element_type3A_1221 = arith.sitofp %and3A_1220 : vector<16xi32> to vector<16xf32>
    %swap3A_1222 = arith.constant 32 : index
    %swap3A_1223 = tpu.vector_load %arg14[%swap3A_1222] {strides = array<i32>} : memref<512xf32, #tpu.memory_space<vmem>>, vector<16xf32>,
    tpu.vector_store %arg14[%swap3A_1222], %convert_element_type3A_1221 {strides = array<i32>} : memref<512xf32, #tpu.memory_space<vmem>>, vector<16xf32>,
    %get3A_1224 = arith.constant 48 : index
    %get3A_1225 = tpu.vector_load %arg8[%get3A_1224] {strides = array<i32>} : memref<512xi32, #tpu.memory_space<vmem>>, vector<16xi32>,
    %and3A_1226 = arith.constant 31 : i32
    %and3A_1227 = vector.broadcast %and3A_1226 : i32 to vector<16xi32>
    %and3A_1228 = arith.andi %get3A_1225, %and3A_1227 : vector<16xi32>
    %get3A_1229 = arith.constant 48 : index
    %get3A_1230 = tpu.vector_load %arg13[%get3A_1229] {strides = array<i32>} : memref<512xi32, #tpu.memory_space<vmem>>, vector<16xi32>,
    %shift_right_logical3A_1231 = arith.shrui %get3A_1230, %and3A_1228 : vector<16xi32>
    %and3A_1232 = arith.constant 1 : i32
    %and3A_1233 = vector.broadcast %and3A_1232 : i32 to vector<16xi32>
    %and3A_1234 = arith.andi %shift_right_logical3A_1231, %and3A_1233 : vector<16xi32>
    %convert_element_type3A_1235 = arith.sitofp %and3A_1234 : vector<16xi32> to vector<16xf32>
    %swap3A_1236 = arith.constant 48 : index
    %swap3A_1237 = tpu.vector_load %arg14[%swap3A_1236] {strides = array<i32>} : memref<512xf32, #tpu.memory_space<vmem>>, vector<16xf32>,
    tpu.vector_store %arg14[%swap3A_1236], %convert_element_type3A_1235 {strides = array<i32>} : memref<512xf32, #tpu.memory_space<vmem>>, vector<16xf32>,
    %get3A_1238 = arith.constant 64 : index
    %get3A_1239 = tpu.vector_load %arg8[%get3A_1238] {strides = array<i32>} : memref<512xi32, #tpu.memory_space<vmem>>, vector<16xi32>,
    %and3A_1240 = arith.constant 31 : i32
    %and3A_1241 = vector.broadcast %and3A_1240 : i32 to vector<16xi32>
    %and3A_1242 = arith.andi %get3A_1239, %and3A_1241 : vector<16xi32>
    %get3A_1243 = arith.constant 64 : index
    %get3A_1244 = tpu.vector_load %arg13[%get3A_1243] {strides = array<i32>} : memref<512xi32, #tpu.memory_space<vmem>>, vector<16xi32>,
    %shift_right_logical3A_1245 = arith.shrui %get3A_1244, %and3A_1242 : vector<16xi32>
    %and3A_1246 = arith.constant 1 : i32
    %and3A_1247 = vector.broadcast %and3A_1246 : i32 to vector<16xi32>
    %and3A_1248 = arith.andi %shift_right_logical3A_1245, %and3A_1247 : vector<16xi32>
    %convert_element_type3A_1249 = arith.sitofp %and3A_1248 : vector<16xi32> to vector<16xf32>
    %swap3A_1250 = arith.constant 64 : index
    %swap3A_1251 = tpu.vector_load %arg14[%swap3A_1250] {strides = array<i32>} : memref<512xf32, #tpu.memory_space<vmem>>, vector<16xf32>,
    tpu.vector_store %arg14[%swap3A_1250], %convert_element_type3A_1249 {strides = array<i32>} : memref<512xf32, #tpu.memory_space<vmem>>, vector<16xf32>,
    %get3A_1252 = arith.constant 80 : index
    %get3A_1253 = tpu.vector_load %arg8[%get3A_1252] {strides = array<i32>} : memref<512xi32, #tpu.memory_space<vmem>>, vector<16xi32>,
    %and3A_1254 = arith.constant 31 : i32
    %and3A_1255 = vector.broadcast %and3A_1254 : i32 to vector<16xi32>
    %and3A_1256 = arith.andi %get3A_1253, %and3A_1255 : vector<16xi32>
    %get3A_1257 = arith.constant 80 : index
    %get3A_1258 = tpu.vector_load %arg13[%get3A_1257] {strides = array<i32>} : memref<512xi32, #tpu.memory_space<vmem>>, vector<16xi32>,
    %shift_right_logical3A_1259 = arith.shrui %get3A_1258, %and3A_1256 : vector<16xi32>
    %and3A_1260 = arith.constant 1 : i32
    %and3A_1261 = vector.broadcast %and3A_1260 : i32 to vector<16xi32>
    %and3A_1262 = arith.andi %shift_right_logical3A_1259, %and3A_1261 : vector<16xi32>
    %convert_element_type3A_1263 = arith.sitofp %and3A_1262 : vector<16xi32> to vector<16xf32>
    %swap3A_1264 = arith.constant 80 : index
    %swap3A_1265 = tpu.vector_load %arg14[%swap3A_1264] {strides = array<i32>} : memref<512xf32, #tpu.memory_space<vmem>>, vector<16xf32>,
    tpu.vector_store %arg14[%swap3A_1264], %convert_element_type3A_1263 {strides = array<i32>} : memref<512xf32, #tpu.memory_space<vmem>>, vector<16xf32>,
    %get3A_1266 = arith.constant 96 : index
    %get3A_1267 = tpu.vector_load %arg8[%get3A_1266] {strides = array<i32>} : memref<512xi32, #tpu.memory_space<vmem>>, vector<16xi32>,
    %and3A_1268 = arith.constant 31 : i32
    %and3A_1269 = vector.broadcast %and3A_1268 : i32 to vector<16xi32>
    %and3A_1270 = arith.andi %get3A_1267, %and3A_1269 : vector<16xi32>
    %get3A_1271 = arith.constant 96 : index
    %get3A_1272 = tpu.vector_load %arg13[%get3A_1271] {strides = array<i32>} : memref<512xi32, #tpu.memory_space<vmem>>, vector<16xi32>,
    %shift_right_logical3A_1273 = arith.shrui %get3A_1272, %and3A_1270 : vector<16xi32>
    %and3A_1274 = arith.constant 1 : i32
    %and3A_1275 = vector.broadcast %and3A_1274 : i32 to vector<16xi32>
    %and3A_1276 = arith.andi %shift_right_logical3A_1273, %and3A_1275 : vector<16xi32>
    %convert_element_type3A_1277 = arith.sitofp %and3A_1276 : vector<16xi32> to vector<16xf32>
    %swap3A_1278 = arith.constant 96 : index
    %swap3A_1279 = tpu.vector_load %arg14[%swap3A_1278] {strides = array<i32>} : memref<512xf32, #tpu.memory_space<vmem>>, vector<16xf32>,
    tpu.vector_store %arg14[%swap3A_1278], %convert_element_type3A_1277 {strides = array<i32>} : memref<512xf32, #tpu.memory_space<vmem>>, vector<16xf32>,
    %get3A_1280 = arith.constant 112 : index
    %get3A_1281 = tpu.vector_load %arg8[%get3A_1280] {strides = array<i32>} : memref<512xi32, #tpu.memory_space<vmem>>, vector<16xi32>,
    %and3A_1282 = arith.constant 31 : i32
    %and3A_1283 = vector.broadcast %and3A_1282 : i32 to vector<16xi32>
    %and3A_1284 = arith.andi %get3A_1281, %and3A_1283 : vector<16xi32>
    %get3A_1285 = arith.constant 112 : index
    %get3A_1286 = tpu.vector_load %arg13[%get3A_1285] {strides = array<i32>} : memref<512xi32, #tpu.memory_space<vmem>>, vector<16xi32>,
    %shift_right_logical3A_1287 = arith.shrui %get3A_1286, %and3A_1284 : vector<16xi32>
    %and3A_1288 = arith.constant 1 : i32
    %and3A_1289 = vector.broadcast %and3A_1288 : i32 to vector<16xi32>
    %and3A_1290 = arith.andi %shift_right_logical3A_1287, %and3A_1289 : vector<16xi32>
    %convert_element_type3A_1291 = arith.sitofp %and3A_1290 : vector<16xi32> to vector<16xf32>
    %swap3A_1292 = arith.constant 112 : index
    %swap3A_1293 = tpu.vector_load %arg14[%swap3A_1292] {strides = array<i32>} : memref<512xf32, #tpu.memory_space<vmem>>, vector<16xf32>,
    tpu.vector_store %arg14[%swap3A_1292], %convert_element_type3A_1291 {strides = array<i32>} : memref<512xf32, #tpu.memory_space<vmem>>, vector<16xf32>,
    %get3A_1294 = arith.constant 128 : index
    %get3A_1295 = tpu.vector_load %arg8[%get3A_1294] {strides = array<i32>} : memref<512xi32, #tpu.memory_space<vmem>>, vector<16xi32>,
    %and3A_1296 = arith.constant 31 : i32
    %and3A_1297 = vector.broadcast %and3A_1296 : i32 to vector<16xi32>
    %and3A_1298 = arith.andi %get3A_1295, %and3A_1297 : vector<16xi32>
    %get3A_1299 = arith.constant 128 : index
    %get3A_1300 = tpu.vector_load %arg13[%get3A_1299] {strides = array<i32>} : memref<512xi32, #tpu.memory_space<vmem>>, vector<16xi32>,
    %shift_right_logical3A_1301 = arith.shrui %get3A_1300, %and3A_1298 : vector<16xi32>
    %and3A_1302 = arith.constant 1 : i32
    %and3A_1303 = vector.broadcast %and3A_1302 : i32 to vector<16xi32>
    %and3A_1304 = arith.andi %shift_right_logical3A_1301, %and3A_1303 : vector<16xi32>
    %convert_element_type3A_1305 = arith.sitofp %and3A_1304 : vector<16xi32> to vector<16xf32>
    %swap3A_1306 = arith.constant 128 : index
    %swap3A_1307 = tpu.vector_load %arg14[%swap3A_1306] {strides = array<i32>} : memref<512xf32, #tpu.memory_space<vmem>>, vector<16xf32>,
    tpu.vector_store %arg14[%swap3A_1306], %convert_element_type3A_1305 {strides = array<i32>} : memref<512xf32, #tpu.memory_space<vmem>>, vector<16xf32>,
    %get3A_1308 = arith.constant 144 : index
    %get3A_1309 = tpu.vector_load %arg8[%get3A_1308] {strides = array<i32>} : memref<512xi32, #tpu.memory_space<vmem>>, vector<16xi32>,
    %and3A_1310 = arith.constant 31 : i32
    %and3A_1311 = vector.broadcast %and3A_1310 : i32 to vector<16xi32>
    %and3A_1312 = arith.andi %get3A_1309, %and3A_1311 : vector<16xi32>
    %get3A_1313 = arith.constant 144 : index
    %get3A_1314 = tpu.vector_load %arg13[%get3A_1313] {strides = array<i32>} : memref<512xi32, #tpu.memory_space<vmem>>, vector<16xi32>,
    %shift_right_logical3A_1315 = arith.shrui %get3A_1314, %and3A_1312 : vector<16xi32>
    %and3A_1316 = arith.constant 1 : i32
    %and3A_1317 = vector.broadcast %and3A_1316 : i32 to vector<16xi32>
    %and3A_1318 = arith.andi %shift_right_logical3A_1315, %and3A_1317 : vector<16xi32>
    %convert_element_type3A_1319 = arith.sitofp %and3A_1318 : vector<16xi32> to vector<16xf32>
    %swap3A_1320 = arith.constant 144 : index
    %swap3A_1321 = tpu.vector_load %arg14[%swap3A_1320] {strides = array<i32>} : memref<512xf32, #tpu.memory_space<vmem>>, vector<16xf32>,
    tpu.vector_store %arg14[%swap3A_1320], %convert_element_type3A_1319 {strides = array<i32>} : memref<512xf32, #tpu.memory_space<vmem>>, vector<16xf32>,
    %get3A_1322 = arith.constant 160 : index
    %get3A_1323 = tpu.vector_load %arg8[%get3A_1322] {strides = array<i32>} : memref<512xi32, #tpu.memory_space<vmem>>, vector<16xi32>,
    %and3A_1324 = arith.constant 31 : i32
    %and3A_1325 = vector.broadcast %and3A_1324 : i32 to vector<16xi32>
    %and3A_1326 = arith.andi %get3A_1323, %and3A_1325 : vector<16xi32>
    %get3A_1327 = arith.constant 160 : index
    %get3A_1328 = tpu.vector_load %arg13[%get3A_1327] {strides = array<i32>} : memref<512xi32, #tpu.memory_space<vmem>>, vector<16xi32>,
    %shift_right_logical3A_1329 = arith.shrui %get3A_1328, %and3A_1326 : vector<16xi32>
    %and3A_1330 = arith.constant 1 : i32
    %and3A_1331 = vector.broadcast %and3A_1330 : i32 to vector<16xi32>
    %and3A_1332 = arith.andi %shift_right_logical3A_1329, %and3A_1331 : vector<16xi32>
    %convert_element_type3A_1333 = arith.sitofp %and3A_1332 : vector<16xi32> to vector<16xf32>
    %swap3A_1334 = arith.constant 160 : index
    %swap3A_1335 = tpu.vector_load %arg14[%swap3A_1334] {strides = array<i32>} : memref<512xf32, #tpu.memory_space<vmem>>, vector<16xf32>,
    tpu.vector_store %arg14[%swap3A_1334], %convert_element_type3A_1333 {strides = array<i32>} : memref<512xf32, #tpu.memory_space<vmem>>, vector<16xf32>,
    %get3A_1336 = arith.constant 176 : index
    %get3A_1337 = tpu.vector_load %arg8[%get3A_1336] {strides = array<i32>} : memref<512xi32, #tpu.memory_space<vmem>>, vector<16xi32>,
    %and3A_1338 = arith.constant 31 : i32
    %and3A_1339 = vector.broadcast %and3A_1338 : i32 to vector<16xi32>
    %and3A_1340 = arith.andi %get3A_1337, %and3A_1339 : vector<16xi32>
    %get3A_1341 = arith.constant 176 : index
    %get3A_1342 = tpu.vector_load %arg13[%get3A_1341] {strides = array<i32>} : memref<512xi32, #tpu.memory_space<vmem>>, vector<16xi32>,
    %shift_right_logical3A_1343 = arith.shrui %get3A_1342, %and3A_1340 : vector<16xi32>
    %and3A_1344 = arith.constant 1 : i32
    %and3A_1345 = vector.broadcast %and3A_1344 : i32 to vector<16xi32>
    %and3A_1346 = arith.andi %shift_right_logical3A_1343, %and3A_1345 : vector<16xi32>
    %convert_element_type3A_1347 = arith.sitofp %and3A_1346 : vector<16xi32> to vector<16xf32>
    %swap3A_1348 = arith.constant 176 : index
    %swap3A_1349 = tpu.vector_load %arg14[%swap3A_1348] {strides = array<i32>} : memref<512xf32, #tpu.memory_space<vmem>>, vector<16xf32>,
    tpu.vector_store %arg14[%swap3A_1348], %convert_element_type3A_1347 {strides = array<i32>} : memref<512xf32, #tpu.memory_space<vmem>>, vector<16xf32>,
    %get3A_1350 = arith.constant 192 : index
    %get3A_1351 = tpu.vector_load %arg8[%get3A_1350] {strides = array<i32>} : memref<512xi32, #tpu.memory_space<vmem>>, vector<16xi32>,
    %and3A_1352 = arith.constant 31 : i32
    %and3A_1353 = vector.broadcast %and3A_1352 : i32 to vector<16xi32>
    %and3A_1354 = arith.andi %get3A_1351, %and3A_1353 : vector<16xi32>
    %get3A_1355 = arith.constant 192 : index
    %get3A_1356 = tpu.vector_load %arg13[%get3A_1355] {strides = array<i32>} : memref<512xi32, #tpu.memory_space<vmem>>, vector<16xi32>,
    %shift_right_logical3A_1357 = arith.shrui %get3A_1356, %and3A_1354 : vector<16xi32>
    %and3A_1358 = arith.constant 1 : i32
    %and3A_1359 = vector.broadcast %and3A_1358 : i32 to vector<16xi32>
    %and3A_1360 = arith.andi %shift_right_logical3A_1357, %and3A_1359 : vector<16xi32>
    %convert_element_type3A_1361 = arith.sitofp %and3A_1360 : vector<16xi32> to vector<16xf32>
    %swap3A_1362 = arith.constant 192 : index
    %swap3A_1363 = tpu.vector_load %arg14[%swap3A_1362] {strides = array<i32>} : memref<512xf32, #tpu.memory_space<vmem>>, vector<16xf32>,
    tpu.vector_store %arg14[%swap3A_1362], %convert_element_type3A_1361 {strides = array<i32>} : memref<512xf32, #tpu.memory_space<vmem>>, vector<16xf32>,
    %get3A_1364 = arith.constant 208 : index
    %get3A_1365 = tpu.vector_load %arg8[%get3A_1364] {strides = array<i32>} : memref<512xi32, #tpu.memory_space<vmem>>, vector<16xi32>,
    %and3A_1366 = arith.constant 31 : i32
    %and3A_1367 = vector.broadcast %and3A_1366 : i32 to vector<16xi32>
    %and3A_1368 = arith.andi %get3A_1365, %and3A_1367 : vector<16xi32>
    %get3A_1369 = arith.constant 208 : index
    %get3A_1370 = tpu.vector_load %arg13[%get3A_1369] {strides = array<i32>} : memref<512xi32, #tpu.memory_space<vmem>>, vector<16xi32>,
    %shift_right_logical3A_1371 = arith.shrui %get3A_1370, %and3A_1368 : vector<16xi32>
    %and3A_1372 = arith.constant 1 : i32
    %and3A_1373 = vector.broadcast %and3A_1372 : i32 to vector<16xi32>
    %and3A_1374 = arith.andi %shift_right_logical3A_1371, %and3A_1373 : vector<16xi32>
    %convert_element_type3A_1375 = arith.sitofp %and3A_1374 : vector<16xi32> to vector<16xf32>
    %swap3A_1376 = arith.constant 208 : index
    %swap3A_1377 = tpu.vector_load %arg14[%swap3A_1376] {strides = array<i32>} : memref<512xf32, #tpu.memory_space<vmem>>, vector<16xf32>,
    tpu.vector_store %arg14[%swap3A_1376], %convert_element_type3A_1375 {strides = array<i32>} : memref<512xf32, #tpu.memory_space<vmem>>, vector<16xf32>,
    %get3A_1378 = arith.constant 224 : index
    %get3A_1379 = tpu.vector_load %arg8[%get3A_1378] {strides = array<i32>} : memref<512xi32, #tpu.memory_space<vmem>>, vector<16xi32>,
    %and3A_1380 = arith.constant 31 : i32
    %and3A_1381 = vector.broadcast %and3A_1380 : i32 to vector<16xi32>
    %and3A_1382 = arith.andi %get3A_1379, %and3A_1381 : vector<16xi32>
    %get3A_1383 = arith.constant 224 : index
    %get3A_1384 = tpu.vector_load %arg13[%get3A_1383] {strides = array<i32>} : memref<512xi32, #tpu.memory_space<vmem>>, vector<16xi32>,
    %shift_right_logical3A_1385 = arith.shrui %get3A_1384, %and3A_1382 : vector<16xi32>
    %and3A_1386 = arith.constant 1 : i32
    %and3A_1387 = vector.broadcast %and3A_1386 : i32 to vector<16xi32>
    %and3A_1388 = arith.andi %shift_right_logical3A_1385, %and3A_1387 : vector<16xi32>
    %convert_element_type3A_1389 = arith.sitofp %and3A_1388 : vector<16xi32> to vector<16xf32>
    %swap3A_1390 = arith.constant 224 : index
    %swap3A_1391 = tpu.vector_load %arg14[%swap3A_1390] {strides = array<i32>} : memref<512xf32, #tpu.memory_space<vmem>>, vector<16xf32>,
    tpu.vector_store %arg14[%swap3A_1390], %convert_element_type3A_1389 {strides = array<i32>} : memref<512xf32, #tpu.memory_space<vmem>>, vector<16xf32>,
    %get3A_1392 = arith.constant 240 : index
    %get3A_1393 = tpu.vector_load %arg8[%get3A_1392] {strides = array<i32>} : memref<512xi32, #tpu.memory_space<vmem>>, vector<16xi32>,
    %and3A_1394 = arith.constant 31 : i32
    %and3A_1395 = vector.broadcast %and3A_1394 : i32 to vector<16xi32>
    %and3A_1396 = arith.andi %get3A_1393, %and3A_1395 : vector<16xi32>
    %get3A_1397 = arith.constant 240 : index
    %get3A_1398 = tpu.vector_load %arg13[%get3A_1397] {strides = array<i32>} : memref<512xi32, #tpu.memory_space<vmem>>, vector<16xi32>,
    %shift_right_logical3A_1399 = arith.shrui %get3A_1398, %and3A_1396 : vector<16xi32>
    %and3A_1400 = arith.constant 1 : i32
    %and3A_1401 = vector.broadcast %and3A_1400 : i32 to vector<16xi32>
    %and3A_1402 = arith.andi %shift_right_logical3A_1399, %and3A_1401 : vector<16xi32>
    %convert_element_type3A_1403 = arith.sitofp %and3A_1402 : vector<16xi32> to vector<16xf32>
    %swap3A_1404 = arith.constant 240 : index
    %swap3A_1405 = tpu.vector_load %arg14[%swap3A_1404] {strides = array<i32>} : memref<512xf32, #tpu.memory_space<vmem>>, vector<16xf32>,
    tpu.vector_store %arg14[%swap3A_1404], %convert_element_type3A_1403 {strides = array<i32>} : memref<512xf32, #tpu.memory_space<vmem>>, vector<16xf32>,
    %get3A_1406 = arith.constant 256 : index
    %get3A_1407 = tpu.vector_load %arg8[%get3A_1406] {strides = array<i32>} : memref<512xi32, #tpu.memory_space<vmem>>, vector<16xi32>,
    %and3A_1408 = arith.constant 31 : i32
    %and3A_1409 = vector.broadcast %and3A_1408 : i32 to vector<16xi32>
    %and3A_1410 = arith.andi %get3A_1407, %and3A_1409 : vector<16xi32>
    %get3A_1411 = arith.constant 256 : index
    %get3A_1412 = tpu.vector_load %arg13[%get3A_1411] {strides = array<i32>} : memref<512xi32, #tpu.memory_space<vmem>>, vector<16xi32>,
    %shift_right_logical3A_1413 = arith.shrui %get3A_1412, %and3A_1410 : vector<16xi32>
    %and3A_1414 = arith.constant 1 : i32
    %and3A_1415 = vector.broadcast %and3A_1414 : i32 to vector<16xi32>
    %and3A_1416 = arith.andi %shift_right_logical3A_1413, %and3A_1415 : vector<16xi32>
    %convert_element_type3A_1417 = arith.sitofp %and3A_1416 : vector<16xi32> to vector<16xf32>
    %swap3A_1418 = arith.constant 256 : index
    %swap3A_1419 = tpu.vector_load %arg14[%swap3A_1418] {strides = array<i32>} : memref<512xf32, #tpu.memory_space<vmem>>, vector<16xf32>,
    tpu.vector_store %arg14[%swap3A_1418], %convert_element_type3A_1417 {strides = array<i32>} : memref<512xf32, #tpu.memory_space<vmem>>, vector<16xf32>,
    %get3A_1420 = arith.constant 272 : index
    %get3A_1421 = tpu.vector_load %arg8[%get3A_1420] {strides = array<i32>} : memref<512xi32, #tpu.memory_space<vmem>>, vector<16xi32>,
    %and3A_1422 = arith.constant 31 : i32
    %and3A_1423 = vector.broadcast %and3A_1422 : i32 to vector<16xi32>
    %and3A_1424 = arith.andi %get3A_1421, %and3A_1423 : vector<16xi32>
    %get3A_1425 = arith.constant 272 : index
    %get3A_1426 = tpu.vector_load %arg13[%get3A_1425] {strides = array<i32>} : memref<512xi32, #tpu.memory_space<vmem>>, vector<16xi32>,
    %shift_right_logical3A_1427 = arith.shrui %get3A_1426, %and3A_1424 : vector<16xi32>
    %and3A_1428 = arith.constant 1 : i32
    %and3A_1429 = vector.broadcast %and3A_1428 : i32 to vector<16xi32>
    %and3A_1430 = arith.andi %shift_right_logical3A_1427, %and3A_1429 : vector<16xi32>
    %convert_element_type3A_1431 = arith.sitofp %and3A_1430 : vector<16xi32> to vector<16xf32>
    %swap3A_1432 = arith.constant 272 : index
    %swap3A_1433 = tpu.vector_load %arg14[%swap3A_1432] {strides = array<i32>} : memref<512xf32, #tpu.memory_space<vmem>>, vector<16xf32>,
    tpu.vector_store %arg14[%swap3A_1432], %convert_element_type3A_1431 {strides = array<i32>} : memref<512xf32, #tpu.memory_space<vmem>>, vector<16xf32>,
    %get3A_1434 = arith.constant 288 : index
    %get3A_1435 = tpu.vector_load %arg8[%get3A_1434] {strides = array<i32>} : memref<512xi32, #tpu.memory_space<vmem>>, vector<16xi32>,
    %and3A_1436 = arith.constant 31 : i32
    %and3A_1437 = vector.broadcast %and3A_1436 : i32 to vector<16xi32>
    %and3A_1438 = arith.andi %get3A_1435, %and3A_1437 : vector<16xi32>
    %get3A_1439 = arith.constant 288 : index
    %get3A_1440 = tpu.vector_load %arg13[%get3A_1439] {strides = array<i32>} : memref<512xi32, #tpu.memory_space<vmem>>, vector<16xi32>,
    %shift_right_logical3A_1441 = arith.shrui %get3A_1440, %and3A_1438 : vector<16xi32>
    %and3A_1442 = arith.constant 1 : i32
    %and3A_1443 = vector.broadcast %and3A_1442 : i32 to vector<16xi32>
    %and3A_1444 = arith.andi %shift_right_logical3A_1441, %and3A_1443 : vector<16xi32>
    %convert_element_type3A_1445 = arith.sitofp %and3A_1444 : vector<16xi32> to vector<16xf32>
    %swap3A_1446 = arith.constant 288 : index
    %swap3A_1447 = tpu.vector_load %arg14[%swap3A_1446] {strides = array<i32>} : memref<512xf32, #tpu.memory_space<vmem>>, vector<16xf32>,
    tpu.vector_store %arg14[%swap3A_1446], %convert_element_type3A_1445 {strides = array<i32>} : memref<512xf32, #tpu.memory_space<vmem>>, vector<16xf32>,
    %get3A_1448 = arith.constant 304 : index
    %get3A_1449 = tpu.vector_load %arg8[%get3A_1448] {strides = array<i32>} : memref<512xi32, #tpu.memory_space<vmem>>, vector<16xi32>,
    %and3A_1450 = arith.constant 31 : i32
    %and3A_1451 = vector.broadcast %and3A_1450 : i32 to vector<16xi32>
    %and3A_1452 = arith.andi %get3A_1449, %and3A_1451 : vector<16xi32>
    %get3A_1453 = arith.constant 304 : index
    %get3A_1454 = tpu.vector_load %arg13[%get3A_1453] {strides = array<i32>} : memref<512xi32, #tpu.memory_space<vmem>>, vector<16xi32>,
    %shift_right_logical3A_1455 = arith.shrui %get3A_1454, %and3A_1452 : vector<16xi32>
    %and3A_1456 = arith.constant 1 : i32
    %and3A_1457 = vector.broadcast %and3A_1456 : i32 to vector<16xi32>
    %and3A_1458 = arith.andi %shift_right_logical3A_1455, %and3A_1457 : vector<16xi32>
    %convert_element_type3A_1459 = arith.sitofp %and3A_1458 : vector<16xi32> to vector<16xf32>
    %swap3A_1460 = arith.constant 304 : index
    %swap3A_1461 = tpu.vector_load %arg14[%swap3A_1460] {strides = array<i32>} : memref<512xf32, #tpu.memory_space<vmem>>, vector<16xf32>,
    tpu.vector_store %arg14[%swap3A_1460], %convert_element_type3A_1459 {strides = array<i32>} : memref<512xf32, #tpu.memory_space<vmem>>, vector<16xf32>,
    %get3A_1462 = arith.constant 320 : index
    %get3A_1463 = tpu.vector_load %arg8[%get3A_1462] {strides = array<i32>} : memref<512xi32, #tpu.memory_space<vmem>>, vector<16xi32>,
    %and3A_1464 = arith.constant 31 : i32
    %and3A_1465 = vector.broadcast %and3A_1464 : i32 to vector<16xi32>
    %and3A_1466 = arith.andi %get3A_1463, %and3A_1465 : vector<16xi32>
    %get3A_1467 = arith.constant 320 : index
    %get3A_1468 = tpu.vector_load %arg13[%get3A_1467] {strides = array<i32>} : memref<512xi32, #tpu.memory_space<vmem>>, vector<16xi32>,
    %shift_right_logical3A_1469 = arith.shrui %get3A_1468, %and3A_1466 : vector<16xi32>
    %and3A_1470 = arith.constant 1 : i32
    %and3A_1471 = vector.broadcast %and3A_1470 : i32 to vector<16xi32>
    %and3A_1472 = arith.andi %shift_right_logical3A_1469, %and3A_1471 : vector<16xi32>
    %convert_element_type3A_1473 = arith.sitofp %and3A_1472 : vector<16xi32> to vector<16xf32>
    %swap3A_1474 = arith.constant 320 : index
    %swap3A_1475 = tpu.vector_load %arg14[%swap3A_1474] {strides = array<i32>} : memref<512xf32, #tpu.memory_space<vmem>>, vector<16xf32>,
    tpu.vector_store %arg14[%swap3A_1474], %convert_element_type3A_1473 {strides = array<i32>} : memref<512xf32, #tpu.memory_space<vmem>>, vector<16xf32>,
    %get3A_1476 = arith.constant 336 : index
    %get3A_1477 = tpu.vector_load %arg8[%get3A_1476] {strides = array<i32>} : memref<512xi32, #tpu.memory_space<vmem>>, vector<16xi32>,
    %and3A_1478 = arith.constant 31 : i32
    %and3A_1479 = vector.broadcast %and3A_1478 : i32 to vector<16xi32>
    %and3A_1480 = arith.andi %get3A_1477, %and3A_1479 : vector<16xi32>
    %get3A_1481 = arith.constant 336 : index
    %get3A_1482 = tpu.vector_load %arg13[%get3A_1481] {strides = array<i32>} : memref<512xi32, #tpu.memory_space<vmem>>, vector<16xi32>,
    %shift_right_logical3A_1483 = arith.shrui %get3A_1482, %and3A_1480 : vector<16xi32>
    %and3A_1484 = arith.constant 1 : i32
    %and3A_1485 = vector.broadcast %and3A_1484 : i32 to vector<16xi32>
    %and3A_1486 = arith.andi %shift_right_logical3A_1483, %and3A_1485 : vector<16xi32>
    %convert_element_type3A_1487 = arith.sitofp %and3A_1486 : vector<16xi32> to vector<16xf32>
    %swap3A_1488 = arith.constant 336 : index
    %swap3A_1489 = tpu.vector_load %arg14[%swap3A_1488] {strides = array<i32>} : memref<512xf32, #tpu.memory_space<vmem>>, vector<16xf32>,
    tpu.vector_store %arg14[%swap3A_1488], %convert_element_type3A_1487 {strides = array<i32>} : memref<512xf32, #tpu.memory_space<vmem>>, vector<16xf32>,
    %get3A_1490 = arith.constant 352 : index
    %get3A_1491 = tpu.vector_load %arg8[%get3A_1490] {strides = array<i32>} : memref<512xi32, #tpu.memory_space<vmem>>, vector<16xi32>,
    %and3A_1492 = arith.constant 31 : i32
    %and3A_1493 = vector.broadcast %and3A_1492 : i32 to vector<16xi32>
    %and3A_1494 = arith.andi %get3A_1491, %and3A_1493 : vector<16xi32>
    %get3A_1495 = arith.constant 352 : index
    %get3A_1496 = tpu.vector_load %arg13[%get3A_1495] {strides = array<i32>} : memref<512xi32, #tpu.memory_space<vmem>>, vector<16xi32>,
    %shift_right_logical3A_1497 = arith.shrui %get3A_1496, %and3A_1494 : vector<16xi32>
    %and3A_1498 = arith.constant 1 : i32
    %and3A_1499 = vector.broadcast %and3A_1498 : i32 to vector<16xi32>
    %and3A_1500 = arith.andi %shift_right_logical3A_1497, %and3A_1499 : vector<16xi32>
    %convert_element_type3A_1501 = arith.sitofp %and3A_1500 : vector<16xi32> to vector<16xf32>
    %swap3A_1502 = arith.constant 352 : index
    %swap3A_1503 = tpu.vector_load %arg14[%swap3A_1502] {strides = array<i32>} : memref<512xf32, #tpu.memory_space<vmem>>, vector<16xf32>,
    tpu.vector_store %arg14[%swap3A_1502], %convert_element_type3A_1501 {strides = array<i32>} : memref<512xf32, #tpu.memory_space<vmem>>, vector<16xf32>,
    %get3A_1504 = arith.constant 368 : index
    %get3A_1505 = tpu.vector_load %arg8[%get3A_1504] {strides = array<i32>} : memref<512xi32, #tpu.memory_space<vmem>>, vector<16xi32>,
    %and3A_1506 = arith.constant 31 : i32
    %and3A_1507 = vector.broadcast %and3A_1506 : i32 to vector<16xi32>
    %and3A_1508 = arith.andi %get3A_1505, %and3A_1507 : vector<16xi32>
    %get3A_1509 = arith.constant 368 : index
    %get3A_1510 = tpu.vector_load %arg13[%get3A_1509] {strides = array<i32>} : memref<512xi32, #tpu.memory_space<vmem>>, vector<16xi32>,
    %shift_right_logical3A_1511 = arith.shrui %get3A_1510, %and3A_1508 : vector<16xi32>
    %and3A_1512 = arith.constant 1 : i32
    %and3A_1513 = vector.broadcast %and3A_1512 : i32 to vector<16xi32>
    %and3A_1514 = arith.andi %shift_right_logical3A_1511, %and3A_1513 : vector<16xi32>
    %convert_element_type3A_1515 = arith.sitofp %and3A_1514 : vector<16xi32> to vector<16xf32>
    %swap3A_1516 = arith.constant 368 : index
    %swap3A_1517 = tpu.vector_load %arg14[%swap3A_1516] {strides = array<i32>} : memref<512xf32, #tpu.memory_space<vmem>>, vector<16xf32>,
    tpu.vector_store %arg14[%swap3A_1516], %convert_element_type3A_1515 {strides = array<i32>} : memref<512xf32, #tpu.memory_space<vmem>>, vector<16xf32>,
    %get3A_1518 = arith.constant 384 : index
    %get3A_1519 = tpu.vector_load %arg8[%get3A_1518] {strides = array<i32>} : memref<512xi32, #tpu.memory_space<vmem>>, vector<16xi32>,
    %and3A_1520 = arith.constant 31 : i32
    %and3A_1521 = vector.broadcast %and3A_1520 : i32 to vector<16xi32>
    %and3A_1522 = arith.andi %get3A_1519, %and3A_1521 : vector<16xi32>
    %get3A_1523 = arith.constant 384 : index
    %get3A_1524 = tpu.vector_load %arg13[%get3A_1523] {strides = array<i32>} : memref<512xi32, #tpu.memory_space<vmem>>, vector<16xi32>,
    %shift_right_logical3A_1525 = arith.shrui %get3A_1524, %and3A_1522 : vector<16xi32>
    %and3A_1526 = arith.constant 1 : i32
    %and3A_1527 = vector.broadcast %and3A_1526 : i32 to vector<16xi32>
    %and3A_1528 = arith.andi %shift_right_logical3A_1525, %and3A_1527 : vector<16xi32>
    %convert_element_type3A_1529 = arith.sitofp %and3A_1528 : vector<16xi32> to vector<16xf32>
    %swap3A_1530 = arith.constant 384 : index
    %swap3A_1531 = tpu.vector_load %arg14[%swap3A_1530] {strides = array<i32>} : memref<512xf32, #tpu.memory_space<vmem>>, vector<16xf32>,
    tpu.vector_store %arg14[%swap3A_1530], %convert_element_type3A_1529 {strides = array<i32>} : memref<512xf32, #tpu.memory_space<vmem>>, vector<16xf32>,
    %get3A_1532 = arith.constant 400 : index
    %get3A_1533 = tpu.vector_load %arg8[%get3A_1532] {strides = array<i32>} : memref<512xi32, #tpu.memory_space<vmem>>, vector<16xi32>,
    %and3A_1534 = arith.constant 31 : i32
    %and3A_1535 = vector.broadcast %and3A_1534 : i32 to vector<16xi32>
    %and3A_1536 = arith.andi %get3A_1533, %and3A_1535 : vector<16xi32>
    %get3A_1537 = arith.constant 400 : index
    %get3A_1538 = tpu.vector_load %arg13[%get3A_1537] {strides = array<i32>} : memref<512xi32, #tpu.memory_space<vmem>>, vector<16xi32>,
    %shift_right_logical3A_1539 = arith.shrui %get3A_1538, %and3A_1536 : vector<16xi32>
    %and3A_1540 = arith.constant 1 : i32
    %and3A_1541 = vector.broadcast %and3A_1540 : i32 to vector<16xi32>
    %and3A_1542 = arith.andi %shift_right_logical3A_1539, %and3A_1541 : vector<16xi32>
    %convert_element_type3A_1543 = arith.sitofp %and3A_1542 : vector<16xi32> to vector<16xf32>
    %swap3A_1544 = arith.constant 400 : index
    %swap3A_1545 = tpu.vector_load %arg14[%swap3A_1544] {strides = array<i32>} : memref<512xf32, #tpu.memory_space<vmem>>, vector<16xf32>,
    tpu.vector_store %arg14[%swap3A_1544], %convert_element_type3A_1543 {strides = array<i32>} : memref<512xf32, #tpu.memory_space<vmem>>, vector<16xf32>,
    %get3A_1546 = arith.constant 416 : index
    %get3A_1547 = tpu.vector_load %arg8[%get3A_1546] {strides = array<i32>} : memref<512xi32, #tpu.memory_space<vmem>>, vector<16xi32>,
    %and3A_1548 = arith.constant 31 : i32
    %and3A_1549 = vector.broadcast %and3A_1548 : i32 to vector<16xi32>
    %and3A_1550 = arith.andi %get3A_1547, %and3A_1549 : vector<16xi32>
    %get3A_1551 = arith.constant 416 : index
    %get3A_1552 = tpu.vector_load %arg13[%get3A_1551] {strides = array<i32>} : memref<512xi32, #tpu.memory_space<vmem>>, vector<16xi32>,
    %shift_right_logical3A_1553 = arith.shrui %get3A_1552, %and3A_1550 : vector<16xi32>
    %and3A_1554 = arith.constant 1 : i32
    %and3A_1555 = vector.broadcast %and3A_1554 : i32 to vector<16xi32>
    %and3A_1556 = arith.andi %shift_right_logical3A_1553, %and3A_1555 : vector<16xi32>
    %convert_element_type3A_1557 = arith.sitofp %and3A_1556 : vector<16xi32> to vector<16xf32>
    %swap3A_1558 = arith.constant 416 : index
    %swap3A_1559 = tpu.vector_load %arg14[%swap3A_1558] {strides = array<i32>} : memref<512xf32, #tpu.memory_space<vmem>>, vector<16xf32>,
    tpu.vector_store %arg14[%swap3A_1558], %convert_element_type3A_1557 {strides = array<i32>} : memref<512xf32, #tpu.memory_space<vmem>>, vector<16xf32>,
    %get3A_1560 = arith.constant 432 : index
    %get3A_1561 = tpu.vector_load %arg8[%get3A_1560] {strides = array<i32>} : memref<512xi32, #tpu.memory_space<vmem>>, vector<16xi32>,
    %and3A_1562 = arith.constant 31 : i32
    %and3A_1563 = vector.broadcast %and3A_1562 : i32 to vector<16xi32>
    %and3A_1564 = arith.andi %get3A_1561, %and3A_1563 : vector<16xi32>
    %get3A_1565 = arith.constant 432 : index
    %get3A_1566 = tpu.vector_load %arg13[%get3A_1565] {strides = array<i32>} : memref<512xi32, #tpu.memory_space<vmem>>, vector<16xi32>,
    %shift_right_logical3A_1567 = arith.shrui %get3A_1566, %and3A_1564 : vector<16xi32>
    %and3A_1568 = arith.constant 1 : i32
    %and3A_1569 = vector.broadcast %and3A_1568 : i32 to vector<16xi32>
    %and3A_1570 = arith.andi %shift_right_logical3A_1567, %and3A_1569 : vector<16xi32>
    %convert_element_type3A_1571 = arith.sitofp %and3A_1570 : vector<16xi32> to vector<16xf32>
    %swap3A_1572 = arith.constant 432 : index
    %swap3A_1573 = tpu.vector_load %arg14[%swap3A_1572] {strides = array<i32>} : memref<512xf32, #tpu.memory_space<vmem>>, vector<16xf32>,
    tpu.vector_store %arg14[%swap3A_1572], %convert_element_type3A_1571 {strides = array<i32>} : memref<512xf32, #tpu.memory_space<vmem>>, vector<16xf32>,
    %get3A_1574 = arith.constant 448 : index
    %get3A_1575 = tpu.vector_load %arg8[%get3A_1574] {strides = array<i32>} : memref<512xi32, #tpu.memory_space<vmem>>, vector<16xi32>,
    %and3A_1576 = arith.constant 31 : i32
    %and3A_1577 = vector.broadcast %and3A_1576 : i32 to vector<16xi32>
    %and3A_1578 = arith.andi %get3A_1575, %and3A_1577 : vector<16xi32>
    %get3A_1579 = arith.constant 448 : index
    %get3A_1580 = tpu.vector_load %arg13[%get3A_1579] {strides = array<i32>} : memref<512xi32, #tpu.memory_space<vmem>>, vector<16xi32>,
    %shift_right_logical3A_1581 = arith.shrui %get3A_1580, %and3A_1578 : vector<16xi32>
    %and3A_1582 = arith.constant 1 : i32
    %and3A_1583 = vector.broadcast %and3A_1582 : i32 to vector<16xi32>
    %and3A_1584 = arith.andi %shift_right_logical3A_1581, %and3A_1583 : vector<16xi32>
    %convert_element_type3A_1585 = arith.sitofp %and3A_1584 : vector<16xi32> to vector<16xf32>
    %swap3A_1586 = arith.constant 448 : index
    %swap3A_1587 = tpu.vector_load %arg14[%swap3A_1586] {strides = array<i32>} : memref<512xf32, #tpu.memory_space<vmem>>, vector<16xf32>,
    tpu.vector_store %arg14[%swap3A_1586], %convert_element_type3A_1585 {strides = array<i32>} : memref<512xf32, #tpu.memory_space<vmem>>, vector<16xf32>,
    %get3A_1588 = arith.constant 464 : index
    %get3A_1589 = tpu.vector_load %arg8[%get3A_1588] {strides = array<i32>} : memref<512xi32, #tpu.memory_space<vmem>>, vector<16xi32>,
    %and3A_1590 = arith.constant 31 : i32
    %and3A_1591 = vector.broadcast %and3A_1590 : i32 to vector<16xi32>
    %and3A_1592 = arith.andi %get3A_1589, %and3A_1591 : vector<16xi32>
    %get3A_1593 = arith.constant 464 : index
    %get3A_1594 = tpu.vector_load %arg13[%get3A_1593] {strides = array<i32>} : memref<512xi32, #tpu.memory_space<vmem>>, vector<16xi32>,
    %shift_right_logical3A_1595 = arith.shrui %get3A_1594, %and3A_1592 : vector<16xi32>
    %and3A_1596 = arith.constant 1 : i32
    %and3A_1597 = vector.broadcast %and3A_1596 : i32 to vector<16xi32>
    %and3A_1598 = arith.andi %shift_right_logical3A_1595, %and3A_1597 : vector<16xi32>
    %convert_element_type3A_1599 = arith.sitofp %and3A_1598 : vector<16xi32> to vector<16xf32>
    %swap3A_1600 = arith.constant 464 : index
    %swap3A_1601 = tpu.vector_load %arg14[%swap3A_1600] {strides = array<i32>} : memref<512xf32, #tpu.memory_space<vmem>>, vector<16xf32>,
    tpu.vector_store %arg14[%swap3A_1600], %convert_element_type3A_1599 {strides = array<i32>} : memref<512xf32, #tpu.memory_space<vmem>>, vector<16xf32>,
    %get3A_1602 = arith.constant 480 : index
    %get3A_1603 = tpu.vector_load %arg8[%get3A_1602] {strides = array<i32>} : memref<512xi32, #tpu.memory_space<vmem>>, vector<16xi32>,
    %and3A_1604 = arith.constant 31 : i32
    %and3A_1605 = vector.broadcast %and3A_1604 : i32 to vector<16xi32>
    %and3A_1606 = arith.andi %get3A_1603, %and3A_1605 : vector<16xi32>
    %get3A_1607 = arith.constant 480 : index
    %get3A_1608 = tpu.vector_load %arg13[%get3A_1607] {strides = array<i32>} : memref<512xi32, #tpu.memory_space<vmem>>, vector<16xi32>,
    %shift_right_logical3A_1609 = arith.shrui %get3A_1608, %and3A_1606 : vector<16xi32>
    %and3A_1610 = arith.constant 1 : i32
    %and3A_1611 = vector.broadcast %and3A_1610 : i32 to vector<16xi32>
    %and3A_1612 = arith.andi %shift_right_logical3A_1609, %and3A_1611 : vector<16xi32>
    %convert_element_type3A_1613 = arith.sitofp %and3A_1612 : vector<16xi32> to vector<16xf32>
    %swap3A_1614 = arith.constant 480 : index
    %swap3A_1615 = tpu.vector_load %arg14[%swap3A_1614] {strides = array<i32>} : memref<512xf32, #tpu.memory_space<vmem>>, vector<16xf32>,
    tpu.vector_store %arg14[%swap3A_1614], %convert_element_type3A_1613 {strides = array<i32>} : memref<512xf32, #tpu.memory_space<vmem>>, vector<16xf32>,
    %get3A_1616 = arith.constant 496 : index
    %get3A_1617 = tpu.vector_load %arg8[%get3A_1616] {strides = array<i32>} : memref<512xi32, #tpu.memory_space<vmem>>, vector<16xi32>,
    %and3A_1618 = arith.constant 31 : i32
    %and3A_1619 = vector.broadcast %and3A_1618 : i32 to vector<16xi32>
    %and3A_1620 = arith.andi %get3A_1617, %and3A_1619 : vector<16xi32>
    %get3A_1621 = arith.constant 496 : index
    %get3A_1622 = tpu.vector_load %arg13[%get3A_1621] {strides = array<i32>} : memref<512xi32, #tpu.memory_space<vmem>>, vector<16xi32>,
    %shift_right_logical3A_1623 = arith.shrui %get3A_1622, %and3A_1620 : vector<16xi32>
    %and3A_1624 = arith.constant 1 : i32
    %and3A_1625 = vector.broadcast %and3A_1624 : i32 to vector<16xi32>
    %and3A_1626 = arith.andi %shift_right_logical3A_1623, %and3A_1625 : vector<16xi32>
    %convert_element_type3A_1627 = arith.sitofp %and3A_1626 : vector<16xi32> to vector<16xf32>
    %swap3A_1628 = arith.constant 496 : index
    %swap3A_1629 = tpu.vector_load %arg14[%swap3A_1628] {strides = array<i32>} : memref<512xf32, #tpu.memory_space<vmem>>, vector<16xf32>,
    tpu.vector_store %arg14[%swap3A_1628], %convert_element_type3A_1627 {strides = array<i32>} : memref<512xf32, #tpu.memory_space<vmem>>, vector<16xf32>,
    %mul3A_1630 = arith.constant 512 : i32
    %mul3A_1631 = arith.muli %add3A, %mul3A_1630 : i32
    "tpu.region"() ({
      %run_scoped3A = tpu.sem_alloc : memref<!tpu.dma_semaphore, #tpu.memory_space<semaphore_mem>>
      %dma_start3A_1679 = tpu.memref_slice %arg5[%mul3A_1631] : memref<16384xf32, #tpu.memory_space<hbm>> -> memref<512xf32, #tpu.memory_space<hbm>>
      %dma_start3A_1680 = tpu.memref_slice %arg5[%mul3A_1631] : memref<16384xf32, #tpu.memory_space<hbm>> -> memref<512xf32, #tpu.memory_space<hbm>>
      tpu.enqueue_dma source(%arg14 : memref<512xf32, #tpu.memory_space<vmem>>) target(%dma_start3A_1680 : memref<512xf32, #tpu.memory_space<hbm>>) target_semaphore(%run_scoped3A : memref<!tpu.dma_semaphore, #tpu.memory_space<semaphore_mem>>)
      %dma_wait3A_1681 = tpu.memref_slice %arg5[%mul3A_1631] : memref<16384xf32, #tpu.memory_space<hbm>> -> memref<512xf32, #tpu.memory_space<hbm>>
      %dma_wait3A_1682 = tpu.memref_slice %arg5[%mul3A_1631] : memref<16384xf32, #tpu.memory_space<hbm>> -> memref<512xf32, #tpu.memory_space<hbm>>
      tpu.wait_dma2 semaphore(%run_scoped3A : memref<!tpu.dma_semaphore, #tpu.memory_space<semaphore_mem>>) src(%arg14 : memref<512xf32, #tpu.memory_space<vmem>>) dst(%dma_wait3A_1682 : memref<512xf32, #tpu.memory_space<hbm>>)
      tpu.yield
    }) : () -> ()
    %dma_wait3A = arith.constant 0 : i32
    %dma_wait3A_1632 = tpu.memref_slice %arg7[%dma_wait3A] : memref<768xf32, #tpu.memory_space<vmem>> -> memref<96xf32, #tpu.memory_space<vmem>>
    %dma_wait3A_1633 = arith.constant 0 : i32
    %dma_wait3A_1634 = tpu.memref_slice %arg6[%dma_wait3A_1633] : memref<768xi32, #tpu.memory_space<vmem>> -> memref<96xi32, #tpu.memory_space<vmem>>
    %dma_wait3A_1635 = arith.constant 0 : i32
    %dma_wait3A_1636 = tpu.memref_slice %arg2[%dma_wait3A_1635] : memref<1000000xf32, #tpu.memory_space<hbm>> -> memref<1000000xf32, #tpu.memory_space<hbm>>
    tpu.wait_indirect_dma semaphore(%arg17 : memref<!tpu.dma_semaphore, #tpu.memory_space<semaphore_mem>>) src(%dma_wait3A_1636 : memref<1000000xf32, #tpu.memory_space<hbm>>) dst(%dma_wait3A_1632 : memref<96xf32, #tpu.memory_space<vmem>>)
    %dma_wait3A_1637 = arith.constant 96 : i32
    %dma_wait3A_1638 = tpu.memref_slice %arg7[%dma_wait3A_1637] : memref<768xf32, #tpu.memory_space<vmem>> -> memref<96xf32, #tpu.memory_space<vmem>>
    %dma_wait3A_1639 = arith.constant 96 : i32
    %dma_wait3A_1640 = tpu.memref_slice %arg6[%dma_wait3A_1639] : memref<768xi32, #tpu.memory_space<vmem>> -> memref<96xi32, #tpu.memory_space<vmem>>
    %dma_wait3A_1641 = arith.constant 0 : i32
    %dma_wait3A_1642 = tpu.memref_slice %arg2[%dma_wait3A_1641] : memref<1000000xf32, #tpu.memory_space<hbm>> -> memref<1000000xf32, #tpu.memory_space<hbm>>
    tpu.wait_indirect_dma semaphore(%arg17 : memref<!tpu.dma_semaphore, #tpu.memory_space<semaphore_mem>>) src(%dma_wait3A_1642 : memref<1000000xf32, #tpu.memory_space<hbm>>) dst(%dma_wait3A_1638 : memref<96xf32, #tpu.memory_space<vmem>>)
    %dma_wait3A_1643 = arith.constant 192 : i32
    %dma_wait3A_1644 = tpu.memref_slice %arg7[%dma_wait3A_1643] : memref<768xf32, #tpu.memory_space<vmem>> -> memref<96xf32, #tpu.memory_space<vmem>>
    %dma_wait3A_1645 = arith.constant 192 : i32
    %dma_wait3A_1646 = tpu.memref_slice %arg6[%dma_wait3A_1645] : memref<768xi32, #tpu.memory_space<vmem>> -> memref<96xi32, #tpu.memory_space<vmem>>
    %dma_wait3A_1647 = arith.constant 0 : i32
    %dma_wait3A_1648 = tpu.memref_slice %arg2[%dma_wait3A_1647] : memref<1000000xf32, #tpu.memory_space<hbm>> -> memref<1000000xf32, #tpu.memory_space<hbm>>
    tpu.wait_indirect_dma semaphore(%arg17 : memref<!tpu.dma_semaphore, #tpu.memory_space<semaphore_mem>>) src(%dma_wait3A_1648 : memref<1000000xf32, #tpu.memory_space<hbm>>) dst(%dma_wait3A_1644 : memref<96xf32, #tpu.memory_space<vmem>>)
    %dma_wait3A_1649 = arith.constant 288 : i32
    %dma_wait3A_1650 = tpu.memref_slice %arg7[%dma_wait3A_1649] : memref<768xf32, #tpu.memory_space<vmem>> -> memref<96xf32, #tpu.memory_space<vmem>>
    %dma_wait3A_1651 = arith.constant 288 : i32
    %dma_wait3A_1652 = tpu.memref_slice %arg6[%dma_wait3A_1651] : memref<768xi32, #tpu.memory_space<vmem>> -> memref<96xi32, #tpu.memory_space<vmem>>
    %dma_wait3A_1653 = arith.constant 0 : i32
    %dma_wait3A_1654 = tpu.memref_slice %arg2[%dma_wait3A_1653] : memref<1000000xf32, #tpu.memory_space<hbm>> -> memref<1000000xf32, #tpu.memory_space<hbm>>
    tpu.wait_indirect_dma semaphore(%arg17 : memref<!tpu.dma_semaphore, #tpu.memory_space<semaphore_mem>>) src(%dma_wait3A_1654 : memref<1000000xf32, #tpu.memory_space<hbm>>) dst(%dma_wait3A_1650 : memref<96xf32, #tpu.memory_space<vmem>>)
    %dma_wait3A_1655 = arith.constant 384 : i32
    %dma_wait3A_1656 = tpu.memref_slice %arg7[%dma_wait3A_1655] : memref<768xf32, #tpu.memory_space<vmem>> -> memref<96xf32, #tpu.memory_space<vmem>>
    %dma_wait3A_1657 = arith.constant 384 : i32
    %dma_wait3A_1658 = tpu.memref_slice %arg6[%dma_wait3A_1657] : memref<768xi32, #tpu.memory_space<vmem>> -> memref<96xi32, #tpu.memory_space<vmem>>
    %dma_wait3A_1659 = arith.constant 0 : i32
    %dma_wait3A_1660 = tpu.memref_slice %arg2[%dma_wait3A_1659] : memref<1000000xf32, #tpu.memory_space<hbm>> -> memref<1000000xf32, #tpu.memory_space<hbm>>
    tpu.wait_indirect_dma semaphore(%arg17 : memref<!tpu.dma_semaphore, #tpu.memory_space<semaphore_mem>>) src(%dma_wait3A_1660 : memref<1000000xf32, #tpu.memory_space<hbm>>) dst(%dma_wait3A_1656 : memref<96xf32, #tpu.memory_space<vmem>>)
    %dma_wait3A_1661 = arith.constant 480 : i32
    %dma_wait3A_1662 = tpu.memref_slice %arg7[%dma_wait3A_1661] : memref<768xf32, #tpu.memory_space<vmem>> -> memref<96xf32, #tpu.memory_space<vmem>>
    %dma_wait3A_1663 = arith.constant 480 : i32
    %dma_wait3A_1664 = tpu.memref_slice %arg6[%dma_wait3A_1663] : memref<768xi32, #tpu.memory_space<vmem>> -> memref<96xi32, #tpu.memory_space<vmem>>
    %dma_wait3A_1665 = arith.constant 0 : i32
    %dma_wait3A_1666 = tpu.memref_slice %arg2[%dma_wait3A_1665] : memref<1000000xf32, #tpu.memory_space<hbm>> -> memref<1000000xf32, #tpu.memory_space<hbm>>
    tpu.wait_indirect_dma semaphore(%arg17 : memref<!tpu.dma_semaphore, #tpu.memory_space<semaphore_mem>>) src(%dma_wait3A_1666 : memref<1000000xf32, #tpu.memory_space<hbm>>) dst(%dma_wait3A_1662 : memref<96xf32, #tpu.memory_space<vmem>>)
    %dma_wait3A_1667 = arith.constant 576 : i32
    %dma_wait3A_1668 = tpu.memref_slice %arg7[%dma_wait3A_1667] : memref<768xf32, #tpu.memory_space<vmem>> -> memref<96xf32, #tpu.memory_space<vmem>>
    %dma_wait3A_1669 = arith.constant 576 : i32
    %dma_wait3A_1670 = tpu.memref_slice %arg6[%dma_wait3A_1669] : memref<768xi32, #tpu.memory_space<vmem>> -> memref<96xi32, #tpu.memory_space<vmem>>
    %dma_wait3A_1671 = arith.constant 0 : i32
    %dma_wait3A_1672 = tpu.memref_slice %arg2[%dma_wait3A_1671] : memref<1000000xf32, #tpu.memory_space<hbm>> -> memref<1000000xf32, #tpu.memory_space<hbm>>
    tpu.wait_indirect_dma semaphore(%arg17 : memref<!tpu.dma_semaphore, #tpu.memory_space<semaphore_mem>>) src(%dma_wait3A_1672 : memref<1000000xf32, #tpu.memory_space<hbm>>) dst(%dma_wait3A_1668 : memref<96xf32, #tpu.memory_space<vmem>>)
    %dma_wait3A_1673 = arith.constant 672 : i32
    %dma_wait3A_1674 = tpu.memref_slice %arg7[%dma_wait3A_1673] : memref<768xf32, #tpu.memory_space<vmem>> -> memref<96xf32, #tpu.memory_space<vmem>>
    %dma_wait3A_1675 = arith.constant 672 : i32
    %dma_wait3A_1676 = tpu.memref_slice %arg6[%dma_wait3A_1675] : memref<768xi32, #tpu.memory_space<vmem>> -> memref<96xi32, #tpu.memory_space<vmem>>
    %dma_wait3A_1677 = arith.constant 0 : i32
    %dma_wait3A_1678 = tpu.memref_slice %arg2[%dma_wait3A_1677] : memref<1000000xf32, #tpu.memory_space<hbm>> -> memref<1000000xf32, #tpu.memory_space<hbm>>
    tpu.wait_indirect_dma semaphore(%arg17 : memref<!tpu.dma_semaphore, #tpu.memory_space<semaphore_mem>>) src(%dma_wait3A_1678 : memref<1000000xf32, #tpu.memory_space<hbm>>) dst(%dma_wait3A_1674 : memref<96xf32, #tpu.memory_space<vmem>>)
    "tpu.region"() ({
      %run_scoped3A = tpu.sem_alloc : memref<!tpu.dma_semaphore, #tpu.memory_space<semaphore_mem>>
      %dma_start3A_1679 = tpu.memref_slice %arg4[%mul3A_2] : memref<24576xf32, #tpu.memory_space<hbm>> -> memref<768xf32, #tpu.memory_space<hbm>>
      %dma_start3A_1680 = tpu.memref_slice %arg4[%mul3A_2] : memref<24576xf32, #tpu.memory_space<hbm>> -> memref<768xf32, #tpu.memory_space<hbm>>
      tpu.enqueue_dma source(%arg7 : memref<768xf32, #tpu.memory_space<vmem>>) target(%dma_start3A_1680 : memref<768xf32, #tpu.memory_space<hbm>>) target_semaphore(%run_scoped3A : memref<!tpu.dma_semaphore, #tpu.memory_space<semaphore_mem>>)
      %dma_wait3A_1681 = tpu.memref_slice %arg4[%mul3A_2] : memref<24576xf32, #tpu.memory_space<hbm>> -> memref<768xf32, #tpu.memory_space<hbm>>
      %dma_wait3A_1682 = tpu.memref_slice %arg4[%mul3A_2] : memref<24576xf32, #tpu.memory_space<hbm>> -> memref<768xf32, #tpu.memory_space<hbm>>
      tpu.wait_dma2 semaphore(%run_scoped3A : memref<!tpu.dma_semaphore, #tpu.memory_space<semaphore_mem>>) src(%arg7 : memref<768xf32, #tpu.memory_space<vmem>>) dst(%dma_wait3A_1682 : memref<768xf32, #tpu.memory_space<hbm>>)
      tpu.yield
    }) : () -> ()
    return
  }
}

#map = affine_map<(d0, d1) -> (0, 0)>
#map1 = affine_map<(d0, d1) -> (0)>
module attributes {stable_mosaic.version = 14 : i64} {
  func.func @gather(%arg0: i32, %arg1: i32, %arg2: memref<1000000x128xf32, #tpu.memory_space<hbm>>, %arg3: memref<24576xi32, #tpu.memory_space<hbm>>, %arg4: memref<24576x128xf32, #tpu.memory_space<hbm>>, %arg5: memref<768xi32, #tpu.memory_space<vmem>>, %arg6: memref<768x128xf32, #tpu.memory_space<vmem>>, %arg7: memref<!tpu.dma_semaphore, #tpu.memory_space<semaphore_mem>>) attributes {dimension_semantics = [#tpu.dimension_semantics<core_parallel>, #tpu.dimension_semantics<subcore_parallel>], iteration_bounds = array<i64: 2, 16>, scalar_prefetch = 0 : i64, scratch_operands = 3 : i64, tpu.core_type = #tpu.core_type<sc_vector_subcore>, window_params = [{transform_indices = #map}, {transform_indices = #map1}, {transform_indices = #map}]} {
    %mul3A = arith.constant 2 : i32
    %mul3A_0 = arith.muli %arg1, %mul3A : i32
    %add3A = arith.addi %mul3A_0, %arg0 : i32
    %mul3A_1 = arith.constant 768 : i32
    %mul3A_2 = arith.muli %add3A, %mul3A_1 : i32
    "tpu.region"() ({
      %run_scoped3A = tpu.sem_alloc : memref<!tpu.dma_semaphore, #tpu.memory_space<semaphore_mem>>
      %dma_start3A_129 = tpu.memref_slice %arg3[%mul3A_2] : memref<24576xi32, #tpu.memory_space<hbm>> -> memref<768xi32, #tpu.memory_space<hbm>>
      %dma_start3A_130 = tpu.memref_slice %arg3[%mul3A_2] : memref<24576xi32, #tpu.memory_space<hbm>> -> memref<768xi32, #tpu.memory_space<hbm>>
      tpu.enqueue_dma source(%dma_start3A_130 : memref<768xi32, #tpu.memory_space<hbm>>) target(%arg5 : memref<768xi32, #tpu.memory_space<vmem>>) target_semaphore(%run_scoped3A : memref<!tpu.dma_semaphore, #tpu.memory_space<semaphore_mem>>)
      %dma_wait3A_131 = tpu.memref_slice %arg3[%mul3A_2] : memref<24576xi32, #tpu.memory_space<hbm>> -> memref<768xi32, #tpu.memory_space<hbm>>
      %dma_wait3A_132 = tpu.memref_slice %arg3[%mul3A_2] : memref<24576xi32, #tpu.memory_space<hbm>> -> memref<768xi32, #tpu.memory_space<hbm>>
      tpu.wait_dma2 semaphore(%run_scoped3A : memref<!tpu.dma_semaphore, #tpu.memory_space<semaphore_mem>>) src(%dma_wait3A_132 : memref<768xi32, #tpu.memory_space<hbm>>) dst(%arg5 : memref<768xi32, #tpu.memory_space<vmem>>)
      tpu.yield
    }) : () -> ()
    %dma_start3A = arith.constant 0 : i32
    %dma_start3A_3 = arith.constant 0 : i32
    %dma_start3A_4 = tpu.memref_slice %arg6[%dma_start3A, %dma_start3A_3] : memref<768x128xf32, #tpu.memory_space<vmem>> -> memref<96x128xf32, #tpu.memory_space<vmem>>
    %dma_start3A_5 = arith.constant 0 : i32
    %dma_start3A_6 = tpu.memref_slice %arg5[%dma_start3A_5] : memref<768xi32, #tpu.memory_space<vmem>> -> memref<96xi32, #tpu.memory_space<vmem>>
    %dma_start3A_7 = arith.constant 0 : i32
    %dma_start3A_8 = arith.constant 0 : i32
    %dma_start3A_9 = tpu.memref_slice %arg2[%dma_start3A_7, %dma_start3A_8] : memref<1000000x128xf32, #tpu.memory_space<hbm>> -> memref<1000000x128xf32, #tpu.memory_space<hbm>>
    tpu.enqueue_indirect_dma source(%dma_start3A_9 : memref<1000000x128xf32, #tpu.memory_space<hbm>>) target(%dma_start3A_4 : memref<96x128xf32, #tpu.memory_space<vmem>>) offsets(%dma_start3A_6 : memref<96xi32, #tpu.memory_space<vmem>>) semaphore(%arg7 : memref<!tpu.dma_semaphore, #tpu.memory_space<semaphore_mem>>)
    %dma_start3A_10 = arith.constant 96 : i32
    %dma_start3A_11 = arith.constant 0 : i32
    %dma_start3A_12 = tpu.memref_slice %arg6[%dma_start3A_10, %dma_start3A_11] : memref<768x128xf32, #tpu.memory_space<vmem>> -> memref<96x128xf32, #tpu.memory_space<vmem>>
    %dma_start3A_13 = arith.constant 96 : i32
    %dma_start3A_14 = tpu.memref_slice %arg5[%dma_start3A_13] : memref<768xi32, #tpu.memory_space<vmem>> -> memref<96xi32, #tpu.memory_space<vmem>>
    %dma_start3A_15 = arith.constant 0 : i32
    %dma_start3A_16 = arith.constant 0 : i32
    %dma_start3A_17 = tpu.memref_slice %arg2[%dma_start3A_15, %dma_start3A_16] : memref<1000000x128xf32, #tpu.memory_space<hbm>> -> memref<1000000x128xf32, #tpu.memory_space<hbm>>
    tpu.enqueue_indirect_dma source(%dma_start3A_17 : memref<1000000x128xf32, #tpu.memory_space<hbm>>) target(%dma_start3A_12 : memref<96x128xf32, #tpu.memory_space<vmem>>) offsets(%dma_start3A_14 : memref<96xi32, #tpu.memory_space<vmem>>) semaphore(%arg7 : memref<!tpu.dma_semaphore, #tpu.memory_space<semaphore_mem>>)
    %dma_start3A_18 = arith.constant 192 : i32
    %dma_start3A_19 = arith.constant 0 : i32
    %dma_start3A_20 = tpu.memref_slice %arg6[%dma_start3A_18, %dma_start3A_19] : memref<768x128xf32, #tpu.memory_space<vmem>> -> memref<96x128xf32, #tpu.memory_space<vmem>>
    %dma_start3A_21 = arith.constant 192 : i32
    %dma_start3A_22 = tpu.memref_slice %arg5[%dma_start3A_21] : memref<768xi32, #tpu.memory_space<vmem>> -> memref<96xi32, #tpu.memory_space<vmem>>
    %dma_start3A_23 = arith.constant 0 : i32
    %dma_start3A_24 = arith.constant 0 : i32
    %dma_start3A_25 = tpu.memref_slice %arg2[%dma_start3A_23, %dma_start3A_24] : memref<1000000x128xf32, #tpu.memory_space<hbm>> -> memref<1000000x128xf32, #tpu.memory_space<hbm>>
    tpu.enqueue_indirect_dma source(%dma_start3A_25 : memref<1000000x128xf32, #tpu.memory_space<hbm>>) target(%dma_start3A_20 : memref<96x128xf32, #tpu.memory_space<vmem>>) offsets(%dma_start3A_22 : memref<96xi32, #tpu.memory_space<vmem>>) semaphore(%arg7 : memref<!tpu.dma_semaphore, #tpu.memory_space<semaphore_mem>>)
    %dma_start3A_26 = arith.constant 288 : i32
    %dma_start3A_27 = arith.constant 0 : i32
    %dma_start3A_28 = tpu.memref_slice %arg6[%dma_start3A_26, %dma_start3A_27] : memref<768x128xf32, #tpu.memory_space<vmem>> -> memref<96x128xf32, #tpu.memory_space<vmem>>
    %dma_start3A_29 = arith.constant 288 : i32
    %dma_start3A_30 = tpu.memref_slice %arg5[%dma_start3A_29] : memref<768xi32, #tpu.memory_space<vmem>> -> memref<96xi32, #tpu.memory_space<vmem>>
    %dma_start3A_31 = arith.constant 0 : i32
    %dma_start3A_32 = arith.constant 0 : i32
    %dma_start3A_33 = tpu.memref_slice %arg2[%dma_start3A_31, %dma_start3A_32] : memref<1000000x128xf32, #tpu.memory_space<hbm>> -> memref<1000000x128xf32, #tpu.memory_space<hbm>>
    tpu.enqueue_indirect_dma source(%dma_start3A_33 : memref<1000000x128xf32, #tpu.memory_space<hbm>>) target(%dma_start3A_28 : memref<96x128xf32, #tpu.memory_space<vmem>>) offsets(%dma_start3A_30 : memref<96xi32, #tpu.memory_space<vmem>>) semaphore(%arg7 : memref<!tpu.dma_semaphore, #tpu.memory_space<semaphore_mem>>)
    %dma_start3A_34 = arith.constant 384 : i32
    %dma_start3A_35 = arith.constant 0 : i32
    %dma_start3A_36 = tpu.memref_slice %arg6[%dma_start3A_34, %dma_start3A_35] : memref<768x128xf32, #tpu.memory_space<vmem>> -> memref<96x128xf32, #tpu.memory_space<vmem>>
    %dma_start3A_37 = arith.constant 384 : i32
    %dma_start3A_38 = tpu.memref_slice %arg5[%dma_start3A_37] : memref<768xi32, #tpu.memory_space<vmem>> -> memref<96xi32, #tpu.memory_space<vmem>>
    %dma_start3A_39 = arith.constant 0 : i32
    %dma_start3A_40 = arith.constant 0 : i32
    %dma_start3A_41 = tpu.memref_slice %arg2[%dma_start3A_39, %dma_start3A_40] : memref<1000000x128xf32, #tpu.memory_space<hbm>> -> memref<1000000x128xf32, #tpu.memory_space<hbm>>
    tpu.enqueue_indirect_dma source(%dma_start3A_41 : memref<1000000x128xf32, #tpu.memory_space<hbm>>) target(%dma_start3A_36 : memref<96x128xf32, #tpu.memory_space<vmem>>) offsets(%dma_start3A_38 : memref<96xi32, #tpu.memory_space<vmem>>) semaphore(%arg7 : memref<!tpu.dma_semaphore, #tpu.memory_space<semaphore_mem>>)
    %dma_start3A_42 = arith.constant 480 : i32
    %dma_start3A_43 = arith.constant 0 : i32
    %dma_start3A_44 = tpu.memref_slice %arg6[%dma_start3A_42, %dma_start3A_43] : memref<768x128xf32, #tpu.memory_space<vmem>> -> memref<96x128xf32, #tpu.memory_space<vmem>>
    %dma_start3A_45 = arith.constant 480 : i32
    %dma_start3A_46 = tpu.memref_slice %arg5[%dma_start3A_45] : memref<768xi32, #tpu.memory_space<vmem>> -> memref<96xi32, #tpu.memory_space<vmem>>
    %dma_start3A_47 = arith.constant 0 : i32
    %dma_start3A_48 = arith.constant 0 : i32
    %dma_start3A_49 = tpu.memref_slice %arg2[%dma_start3A_47, %dma_start3A_48] : memref<1000000x128xf32, #tpu.memory_space<hbm>> -> memref<1000000x128xf32, #tpu.memory_space<hbm>>
    tpu.enqueue_indirect_dma source(%dma_start3A_49 : memref<1000000x128xf32, #tpu.memory_space<hbm>>) target(%dma_start3A_44 : memref<96x128xf32, #tpu.memory_space<vmem>>) offsets(%dma_start3A_46 : memref<96xi32, #tpu.memory_space<vmem>>) semaphore(%arg7 : memref<!tpu.dma_semaphore, #tpu.memory_space<semaphore_mem>>)
    %dma_start3A_50 = arith.constant 576 : i32
    %dma_start3A_51 = arith.constant 0 : i32
    %dma_start3A_52 = tpu.memref_slice %arg6[%dma_start3A_50, %dma_start3A_51] : memref<768x128xf32, #tpu.memory_space<vmem>> -> memref<96x128xf32, #tpu.memory_space<vmem>>
    %dma_start3A_53 = arith.constant 576 : i32
    %dma_start3A_54 = tpu.memref_slice %arg5[%dma_start3A_53] : memref<768xi32, #tpu.memory_space<vmem>> -> memref<96xi32, #tpu.memory_space<vmem>>
    %dma_start3A_55 = arith.constant 0 : i32
    %dma_start3A_56 = arith.constant 0 : i32
    %dma_start3A_57 = tpu.memref_slice %arg2[%dma_start3A_55, %dma_start3A_56] : memref<1000000x128xf32, #tpu.memory_space<hbm>> -> memref<1000000x128xf32, #tpu.memory_space<hbm>>
    tpu.enqueue_indirect_dma source(%dma_start3A_57 : memref<1000000x128xf32, #tpu.memory_space<hbm>>) target(%dma_start3A_52 : memref<96x128xf32, #tpu.memory_space<vmem>>) offsets(%dma_start3A_54 : memref<96xi32, #tpu.memory_space<vmem>>) semaphore(%arg7 : memref<!tpu.dma_semaphore, #tpu.memory_space<semaphore_mem>>)
    %dma_start3A_58 = arith.constant 672 : i32
    %dma_start3A_59 = arith.constant 0 : i32
    %dma_start3A_60 = tpu.memref_slice %arg6[%dma_start3A_58, %dma_start3A_59] : memref<768x128xf32, #tpu.memory_space<vmem>> -> memref<96x128xf32, #tpu.memory_space<vmem>>
    %dma_start3A_61 = arith.constant 672 : i32
    %dma_start3A_62 = tpu.memref_slice %arg5[%dma_start3A_61] : memref<768xi32, #tpu.memory_space<vmem>> -> memref<96xi32, #tpu.memory_space<vmem>>
    %dma_start3A_63 = arith.constant 0 : i32
    %dma_start3A_64 = arith.constant 0 : i32
    %dma_start3A_65 = tpu.memref_slice %arg2[%dma_start3A_63, %dma_start3A_64] : memref<1000000x128xf32, #tpu.memory_space<hbm>> -> memref<1000000x128xf32, #tpu.memory_space<hbm>>
    tpu.enqueue_indirect_dma source(%dma_start3A_65 : memref<1000000x128xf32, #tpu.memory_space<hbm>>) target(%dma_start3A_60 : memref<96x128xf32, #tpu.memory_space<vmem>>) offsets(%dma_start3A_62 : memref<96xi32, #tpu.memory_space<vmem>>) semaphore(%arg7 : memref<!tpu.dma_semaphore, #tpu.memory_space<semaphore_mem>>)
    %dma_wait3A = arith.constant 0 : i32
    %dma_wait3A_66 = arith.constant 0 : i32
    %dma_wait3A_67 = tpu.memref_slice %arg6[%dma_wait3A, %dma_wait3A_66] : memref<768x128xf32, #tpu.memory_space<vmem>> -> memref<96x128xf32, #tpu.memory_space<vmem>>
    %dma_wait3A_68 = arith.constant 0 : i32
    %dma_wait3A_69 = tpu.memref_slice %arg5[%dma_wait3A_68] : memref<768xi32, #tpu.memory_space<vmem>> -> memref<96xi32, #tpu.memory_space<vmem>>
    %dma_wait3A_70 = arith.constant 0 : i32
    %dma_wait3A_71 = arith.constant 0 : i32
    %dma_wait3A_72 = tpu.memref_slice %arg2[%dma_wait3A_70, %dma_wait3A_71] : memref<1000000x128xf32, #tpu.memory_space<hbm>> -> memref<1000000x128xf32, #tpu.memory_space<hbm>>
    tpu.wait_indirect_dma semaphore(%arg7 : memref<!tpu.dma_semaphore, #tpu.memory_space<semaphore_mem>>) src(%dma_wait3A_72 : memref<1000000x128xf32, #tpu.memory_space<hbm>>) dst(%dma_wait3A_67 : memref<96x128xf32, #tpu.memory_space<vmem>>)
    %dma_wait3A_73 = arith.constant 96 : i32
    %dma_wait3A_74 = arith.constant 0 : i32
    %dma_wait3A_75 = tpu.memref_slice %arg6[%dma_wait3A_73, %dma_wait3A_74] : memref<768x128xf32, #tpu.memory_space<vmem>> -> memref<96x128xf32, #tpu.memory_space<vmem>>
    %dma_wait3A_76 = arith.constant 96 : i32
    %dma_wait3A_77 = tpu.memref_slice %arg5[%dma_wait3A_76] : memref<768xi32, #tpu.memory_space<vmem>> -> memref<96xi32, #tpu.memory_space<vmem>>
    %dma_wait3A_78 = arith.constant 0 : i32
    %dma_wait3A_79 = arith.constant 0 : i32
    %dma_wait3A_80 = tpu.memref_slice %arg2[%dma_wait3A_78, %dma_wait3A_79] : memref<1000000x128xf32, #tpu.memory_space<hbm>> -> memref<1000000x128xf32, #tpu.memory_space<hbm>>
    tpu.wait_indirect_dma semaphore(%arg7 : memref<!tpu.dma_semaphore, #tpu.memory_space<semaphore_mem>>) src(%dma_wait3A_80 : memref<1000000x128xf32, #tpu.memory_space<hbm>>) dst(%dma_wait3A_75 : memref<96x128xf32, #tpu.memory_space<vmem>>)
    %dma_wait3A_81 = arith.constant 192 : i32
    %dma_wait3A_82 = arith.constant 0 : i32
    %dma_wait3A_83 = tpu.memref_slice %arg6[%dma_wait3A_81, %dma_wait3A_82] : memref<768x128xf32, #tpu.memory_space<vmem>> -> memref<96x128xf32, #tpu.memory_space<vmem>>
    %dma_wait3A_84 = arith.constant 192 : i32
    %dma_wait3A_85 = tpu.memref_slice %arg5[%dma_wait3A_84] : memref<768xi32, #tpu.memory_space<vmem>> -> memref<96xi32, #tpu.memory_space<vmem>>
    %dma_wait3A_86 = arith.constant 0 : i32
    %dma_wait3A_87 = arith.constant 0 : i32
    %dma_wait3A_88 = tpu.memref_slice %arg2[%dma_wait3A_86, %dma_wait3A_87] : memref<1000000x128xf32, #tpu.memory_space<hbm>> -> memref<1000000x128xf32, #tpu.memory_space<hbm>>
    tpu.wait_indirect_dma semaphore(%arg7 : memref<!tpu.dma_semaphore, #tpu.memory_space<semaphore_mem>>) src(%dma_wait3A_88 : memref<1000000x128xf32, #tpu.memory_space<hbm>>) dst(%dma_wait3A_83 : memref<96x128xf32, #tpu.memory_space<vmem>>)
    %dma_wait3A_89 = arith.constant 288 : i32
    %dma_wait3A_90 = arith.constant 0 : i32
    %dma_wait3A_91 = tpu.memref_slice %arg6[%dma_wait3A_89, %dma_wait3A_90] : memref<768x128xf32, #tpu.memory_space<vmem>> -> memref<96x128xf32, #tpu.memory_space<vmem>>
    %dma_wait3A_92 = arith.constant 288 : i32
    %dma_wait3A_93 = tpu.memref_slice %arg5[%dma_wait3A_92] : memref<768xi32, #tpu.memory_space<vmem>> -> memref<96xi32, #tpu.memory_space<vmem>>
    %dma_wait3A_94 = arith.constant 0 : i32
    %dma_wait3A_95 = arith.constant 0 : i32
    %dma_wait3A_96 = tpu.memref_slice %arg2[%dma_wait3A_94, %dma_wait3A_95] : memref<1000000x128xf32, #tpu.memory_space<hbm>> -> memref<1000000x128xf32, #tpu.memory_space<hbm>>
    tpu.wait_indirect_dma semaphore(%arg7 : memref<!tpu.dma_semaphore, #tpu.memory_space<semaphore_mem>>) src(%dma_wait3A_96 : memref<1000000x128xf32, #tpu.memory_space<hbm>>) dst(%dma_wait3A_91 : memref<96x128xf32, #tpu.memory_space<vmem>>)
    %dma_wait3A_97 = arith.constant 384 : i32
    %dma_wait3A_98 = arith.constant 0 : i32
    %dma_wait3A_99 = tpu.memref_slice %arg6[%dma_wait3A_97, %dma_wait3A_98] : memref<768x128xf32, #tpu.memory_space<vmem>> -> memref<96x128xf32, #tpu.memory_space<vmem>>
    %dma_wait3A_100 = arith.constant 384 : i32
    %dma_wait3A_101 = tpu.memref_slice %arg5[%dma_wait3A_100] : memref<768xi32, #tpu.memory_space<vmem>> -> memref<96xi32, #tpu.memory_space<vmem>>
    %dma_wait3A_102 = arith.constant 0 : i32
    %dma_wait3A_103 = arith.constant 0 : i32
    %dma_wait3A_104 = tpu.memref_slice %arg2[%dma_wait3A_102, %dma_wait3A_103] : memref<1000000x128xf32, #tpu.memory_space<hbm>> -> memref<1000000x128xf32, #tpu.memory_space<hbm>>
    tpu.wait_indirect_dma semaphore(%arg7 : memref<!tpu.dma_semaphore, #tpu.memory_space<semaphore_mem>>) src(%dma_wait3A_104 : memref<1000000x128xf32, #tpu.memory_space<hbm>>) dst(%dma_wait3A_99 : memref<96x128xf32, #tpu.memory_space<vmem>>)
    %dma_wait3A_105 = arith.constant 480 : i32
    %dma_wait3A_106 = arith.constant 0 : i32
    %dma_wait3A_107 = tpu.memref_slice %arg6[%dma_wait3A_105, %dma_wait3A_106] : memref<768x128xf32, #tpu.memory_space<vmem>> -> memref<96x128xf32, #tpu.memory_space<vmem>>
    %dma_wait3A_108 = arith.constant 480 : i32
    %dma_wait3A_109 = tpu.memref_slice %arg5[%dma_wait3A_108] : memref<768xi32, #tpu.memory_space<vmem>> -> memref<96xi32, #tpu.memory_space<vmem>>
    %dma_wait3A_110 = arith.constant 0 : i32
    %dma_wait3A_111 = arith.constant 0 : i32
    %dma_wait3A_112 = tpu.memref_slice %arg2[%dma_wait3A_110, %dma_wait3A_111] : memref<1000000x128xf32, #tpu.memory_space<hbm>> -> memref<1000000x128xf32, #tpu.memory_space<hbm>>
    tpu.wait_indirect_dma semaphore(%arg7 : memref<!tpu.dma_semaphore, #tpu.memory_space<semaphore_mem>>) src(%dma_wait3A_112 : memref<1000000x128xf32, #tpu.memory_space<hbm>>) dst(%dma_wait3A_107 : memref<96x128xf32, #tpu.memory_space<vmem>>)
    %dma_wait3A_113 = arith.constant 576 : i32
    %dma_wait3A_114 = arith.constant 0 : i32
    %dma_wait3A_115 = tpu.memref_slice %arg6[%dma_wait3A_113, %dma_wait3A_114] : memref<768x128xf32, #tpu.memory_space<vmem>> -> memref<96x128xf32, #tpu.memory_space<vmem>>
    %dma_wait3A_116 = arith.constant 576 : i32
    %dma_wait3A_117 = tpu.memref_slice %arg5[%dma_wait3A_116] : memref<768xi32, #tpu.memory_space<vmem>> -> memref<96xi32, #tpu.memory_space<vmem>>
    %dma_wait3A_118 = arith.constant 0 : i32
    %dma_wait3A_119 = arith.constant 0 : i32
    %dma_wait3A_120 = tpu.memref_slice %arg2[%dma_wait3A_118, %dma_wait3A_119] : memref<1000000x128xf32, #tpu.memory_space<hbm>> -> memref<1000000x128xf32, #tpu.memory_space<hbm>>
    tpu.wait_indirect_dma semaphore(%arg7 : memref<!tpu.dma_semaphore, #tpu.memory_space<semaphore_mem>>) src(%dma_wait3A_120 : memref<1000000x128xf32, #tpu.memory_space<hbm>>) dst(%dma_wait3A_115 : memref<96x128xf32, #tpu.memory_space<vmem>>)
    %dma_wait3A_121 = arith.constant 672 : i32
    %dma_wait3A_122 = arith.constant 0 : i32
    %dma_wait3A_123 = tpu.memref_slice %arg6[%dma_wait3A_121, %dma_wait3A_122] : memref<768x128xf32, #tpu.memory_space<vmem>> -> memref<96x128xf32, #tpu.memory_space<vmem>>
    %dma_wait3A_124 = arith.constant 672 : i32
    %dma_wait3A_125 = tpu.memref_slice %arg5[%dma_wait3A_124] : memref<768xi32, #tpu.memory_space<vmem>> -> memref<96xi32, #tpu.memory_space<vmem>>
    %dma_wait3A_126 = arith.constant 0 : i32
    %dma_wait3A_127 = arith.constant 0 : i32
    %dma_wait3A_128 = tpu.memref_slice %arg2[%dma_wait3A_126, %dma_wait3A_127] : memref<1000000x128xf32, #tpu.memory_space<hbm>> -> memref<1000000x128xf32, #tpu.memory_space<hbm>>
    tpu.wait_indirect_dma semaphore(%arg7 : memref<!tpu.dma_semaphore, #tpu.memory_space<semaphore_mem>>) src(%dma_wait3A_128 : memref<1000000x128xf32, #tpu.memory_space<hbm>>) dst(%dma_wait3A_123 : memref<96x128xf32, #tpu.memory_space<vmem>>)
    "tpu.region"() ({
      %run_scoped3A = tpu.sem_alloc : memref<!tpu.dma_semaphore, #tpu.memory_space<semaphore_mem>>
      %dma_start3A_129 = arith.constant 0 : i32
      %dma_start3A_130 = tpu.memref_slice %arg4[%mul3A_2, %dma_start3A_129] : memref<24576x128xf32, #tpu.memory_space<hbm>> -> memref<768x128xf32, #tpu.memory_space<hbm>>
      %dma_start3A_131 = arith.constant 0 : i32
      %dma_start3A_132 = tpu.memref_slice %arg4[%mul3A_2, %dma_start3A_131] : memref<24576x128xf32, #tpu.memory_space<hbm>> -> memref<768x128xf32, #tpu.memory_space<hbm>>
      tpu.enqueue_dma source(%arg6 : memref<768x128xf32, #tpu.memory_space<vmem>>) target(%dma_start3A_132 : memref<768x128xf32, #tpu.memory_space<hbm>>) target_semaphore(%run_scoped3A : memref<!tpu.dma_semaphore, #tpu.memory_space<semaphore_mem>>)
      %dma_wait3A_133 = arith.constant 0 : i32
      %dma_wait3A_134 = tpu.memref_slice %arg4[%mul3A_2, %dma_wait3A_133] : memref<24576x128xf32, #tpu.memory_space<hbm>> -> memref<768x128xf32, #tpu.memory_space<hbm>>
      %dma_wait3A_135 = arith.constant 0 : i32
      %dma_wait3A_136 = tpu.memref_slice %arg4[%mul3A_2, %dma_wait3A_135] : memref<24576x128xf32, #tpu.memory_space<hbm>> -> memref<768x128xf32, #tpu.memory_space<hbm>>
      tpu.wait_dma2 semaphore(%run_scoped3A : memref<!tpu.dma_semaphore, #tpu.memory_space<semaphore_mem>>) src(%arg6 : memref<768x128xf32, #tpu.memory_space<vmem>>) dst(%dma_wait3A_136 : memref<768x128xf32, #tpu.memory_space<hbm>>)
      tpu.yield
    }) : () -> ()
    return
  }
}

module attributes {stable_mosaic.version = 14 : i64} {
  func.func @_tc_body(%arg0: i32, %arg1: memref<1x1xf32, #tpu.memory_space<smem>>, %arg2: memref<256x64xf32, #tpu.memory_space<vmem>>, %arg3: memref<256x128xf32, #tpu.memory_space<vmem>>, %arg4: memref<8192x128xf32, #tpu.memory_space<vmem>>, %arg5: memref<256x1xf32, #tpu.memory_space<vmem>>, %arg6: memref<1x8192xf32, #tpu.memory_space<vmem>>, %arg7: memref<256x1xi32, #tpu.memory_space<vmem>>, %arg8: memref<1x8192xi32, #tpu.memory_space<vmem>>, %arg9: memref<256x1xf32, #tpu.memory_space<vmem>>, %arg10: memref<1x1xf32, #tpu.memory_space<vmem>>, %arg11: memref<8192x64xbf16, #tpu.memory_space<vmem>>) attributes {dimension_semantics = [#tpu.dimension_semantics<arbitrary>], iteration_bounds = array<i64: 64>, scalar_prefetch = 0 : i64, scratch_operands = 1 : i64, tpu.core_type = #tpu.core_type<tc>, window_params = [{transform_indices = @transform_0, window_bounds = array<i64: 1, 1>}, {transform_indices = @transform_1, window_bounds = array<i64: 256, 64>}, {transform_indices = @transform_2, window_bounds = array<i64: 256, 128>}, {transform_indices = @transform_3, window_bounds = array<i64: 8192, 128>}, {transform_indices = @transform_4, window_bounds = array<i64: 256, 1>}, {pipeline_mode = #tpu.pipeline_mode<synchronous>, transform_indices = @transform_5, window_bounds = array<i64: 1, 8192>}, {transform_indices = @transform_6, window_bounds = array<i64: 256, 1>}, {pipeline_mode = #tpu.pipeline_mode<synchronous>, transform_indices = @transform_7, window_bounds = array<i64: 1, 8192>}, {transform_indices = @transform_8, window_bounds = array<i64: 256, 1>}, {pipeline_mode = #tpu.pipeline_mode<synchronous>, transform_indices = @transform_9, window_bounds = array<i64: 1, 1>}]} {
    %get3A = arith.constant 0 : index
    %get3A_0 = arith.constant 0 : index
    %get3A_1 = memref.load %arg1[%get3A, %get3A_0] : memref<1x1xf32, #tpu.memory_space<smem>>
    %get3A_2 = arith.constant 0 : index
    %get3A_3 = arith.constant 0 : index
    %get3A_4 = vector.load %arg2[%get3A_2, %get3A_3] : memref<256x64xf32, #tpu.memory_space<vmem>>, vector<256x64xf32>
    %get3A_5 = arith.constant 0 : index
    %get3A_6 = arith.constant 0 : index
    %get3A_7 = vector.load %arg3[%get3A_5, %get3A_6] : memref<256x128xf32, #tpu.memory_space<vmem>>, vector<256x128xf32>
    %get3A_8 = arith.constant 0 : index
    %get3A_9 = arith.constant 0 : index
    %get3A_10 = vector.load %arg5[%get3A_8, %get3A_9] : memref<256x1xf32, #tpu.memory_space<vmem>>, vector<256x1xf32>
    %get3A_11 = arith.constant 0 : index
    %get3A_12 = arith.constant 0 : index
    %get3A_13 = vector.load %arg6[%get3A_11, %get3A_12] : memref<1x8192xf32, #tpu.memory_space<vmem>>, vector<1x8192xf32>
    %get3A_14 = arith.constant 0 : index
    %get3A_15 = arith.constant 0 : index
    %get3A_16 = vector.load %arg7[%get3A_14, %get3A_15] : memref<256x1xi32, #tpu.memory_space<vmem>>, vector<256x1xi32>
    %get3A_17 = arith.constant 0 : index
    %get3A_18 = arith.constant 0 : index
    %get3A_19 = vector.load %arg8[%get3A_17, %get3A_18] : memref<1x8192xi32, #tpu.memory_space<vmem>>, vector<1x8192xi32>
    %get3A_20 = arith.constant 0 : index
    %get3A_21 = arith.constant 0 : index
    %get3A_22 = vector.load %arg9[%get3A_20, %get3A_21] : memref<256x1xf32, #tpu.memory_space<vmem>>, vector<256x1xf32>
    %eq3A = arith.constant 0 : i32
    %eq3A_23 = arith.cmpi eq, %arg0, %eq3A : i32
    %convert_element_type3A = arith.extui %eq3A_23 : i1 to i32
    %cond3A = arith.constant 0 : i32
    %cond3A_24 = arith.cmpi ne, %convert_element_type3A, %cond3A : i32
    scf.if %cond3A_24 {
      %get3A_126 = arith.constant 0 : index
      %get3A_127 = arith.constant 0 : index
      %get3A_128 = vector.load %arg4[%get3A_126, %get3A_127] : memref<8192x128xf32, #tpu.memory_space<vmem>>, vector<8192x128xf32>
      %slice3A_129 = vector.extract_strided_slice %get3A_128 {offsets = [0, 0], sizes = [8192, 64], strides = [1, 1]} : vector<8192x128xf32> to vector<8192x64xf32>
      %convert_element_type3A_130 = arith.truncf %slice3A_129 : vector<8192x64xf32> to vector<8192x64xbf16>
      %swap3A_131 = arith.constant 0 : index
      %swap3A_132 = arith.constant 0 : index
      %swap3A_133 = vector.load %arg11[%swap3A_131, %swap3A_132] : memref<8192x64xbf16, #tpu.memory_space<vmem>>, vector<8192x64xbf16>
      tpu.vector_store %arg11[%swap3A_131, %swap3A_132], %convert_element_type3A_130 {strides = array<i32>} : memref<8192x64xbf16, #tpu.memory_space<vmem>>, vector<8192x64xbf16>,
    } else {
    }
    %slice3A = vector.extract_strided_slice %get3A_7 {offsets = [0, 0], sizes = [256, 64], strides = [1, 1]} : vector<256x128xf32> to vector<256x64xf32>
    %convert_element_type3A_25 = arith.sitofp %get3A_16 : vector<256x1xi32> to vector<256x1xf32>
    %add3A = arith.constant 2.000000e+00 : f32
    %add3A_26 = vector.broadcast %add3A : f32 to vector<256x1xf32>
    %add3A_27 = arith.addf %convert_element_type3A_25, %add3A_26 : vector<256x1xf32>
    %add3A_28 = arith.constant 1.000000e+00 : f32
    %add3A_29 = vector.broadcast %add3A_28 : f32 to vector<256x1xf32>
    %add3A_30 = arith.addf %convert_element_type3A_25, %add3A_29 : vector<256x1xf32>
    %div3A = arith.divf %add3A_27, %add3A_30 : vector<256x1xf32>
    %log3A = math.log %div3A : vector<256x1xf32>
    %mul3A = arith.constant 0.0723824054 : f32
    %mul3A_31 = vector.broadcast %mul3A : f32 to vector<256x1xf32>
    %mul3A_32 = arith.mulf %log3A, %mul3A_31 : vector<256x1xf32>
    %sub3A = arith.constant 1.000000e+00 : f32
    %sub3A_33 = vector.broadcast %sub3A : f32 to vector<256x1xf32>
    %sub3A_34 = arith.subf %sub3A_33, %mul3A_32 : vector<256x1xf32>
    %log3A_35 = math.log %sub3A_34 : vector<256x1xf32>
    %mul3A_36 = vector.broadcast %get3A_1 : f32 to vector<256x1xf32>
    %mul3A_37 = arith.mulf %mul3A_36, %log3A_35 : vector<256x1xf32>
    %exp3A = math.exp %mul3A_37 : vector<256x1xf32>
    %sub3A_38 = arith.constant 1.000000e+00 : f32
    %sub3A_39 = vector.broadcast %sub3A_38 : f32 to vector<256x1xf32>
    %sub3A_40 = arith.subf %sub3A_39, %exp3A : vector<256x1xf32>
    %mul3A_41 = arith.mulf %slice3A, %get3A_4 : vector<256x64xf32>
    %reduce_sum3A = arith.constant dense<0.000000e+00> : vector<256xf32>
    %reduce_sum3A_42 = vector.multi_reduction <add>, %mul3A_41, %reduce_sum3A [1] : vector<256x64xf32> to vector<256xf32>
    %broadcast_in_dim3A = vector.shape_cast %reduce_sum3A_42 : vector<256xf32> to vector<256x1xf32>
    %add3A_43 = arith.addf %broadcast_in_dim3A, %get3A_10 : vector<256x1xf32>
    %add3A_44 = arith.constant 9.99999982E-14 : f32
    %add3A_45 = vector.broadcast %add3A_44 : f32 to vector<256x1xf32>
    %add3A_46 = arith.addf %sub3A_40, %add3A_45 : vector<256x1xf32>
    %log3A_47 = math.log %add3A_46 : vector<256x1xf32>
    %sub3A_48 = arith.subf %add3A_43, %log3A_47 : vector<256x1xf32>
    %convert_element_type3A_49 = arith.sitofp %get3A_19 : vector<1x8192xi32> to vector<1x8192xf32>
    %add3A_50 = arith.constant 2.000000e+00 : f32
    %add3A_51 = vector.broadcast %add3A_50 : f32 to vector<1x8192xf32>
    %add3A_52 = arith.addf %convert_element_type3A_49, %add3A_51 : vector<1x8192xf32>
    %add3A_53 = arith.constant 1.000000e+00 : f32
    %add3A_54 = vector.broadcast %add3A_53 : f32 to vector<1x8192xf32>
    %add3A_55 = arith.addf %convert_element_type3A_49, %add3A_54 : vector<1x8192xf32>
    %div3A_56 = arith.divf %add3A_52, %add3A_55 : vector<1x8192xf32>
    %log3A_57 = math.log %div3A_56 : vector<1x8192xf32>
    %mul3A_58 = arith.constant 0.0723824054 : f32
    %mul3A_59 = vector.broadcast %mul3A_58 : f32 to vector<1x8192xf32>
    %mul3A_60 = arith.mulf %log3A_57, %mul3A_59 : vector<1x8192xf32>
    %sub3A_61 = arith.constant 1.000000e+00 : f32
    %sub3A_62 = vector.broadcast %sub3A_61 : f32 to vector<1x8192xf32>
    %sub3A_63 = arith.subf %sub3A_62, %mul3A_60 : vector<1x8192xf32>
    %log3A_64 = math.log %sub3A_63 : vector<1x8192xf32>
    %mul3A_65 = vector.broadcast %get3A_1 : f32 to vector<1x8192xf32>
    %mul3A_66 = arith.mulf %mul3A_65, %log3A_64 : vector<1x8192xf32>
    %exp3A_67 = math.exp %mul3A_66 : vector<1x8192xf32>
    %sub3A_68 = arith.constant 1.000000e+00 : f32
    %sub3A_69 = vector.broadcast %sub3A_68 : f32 to vector<1x8192xf32>
    %sub3A_70 = arith.subf %sub3A_69, %exp3A_67 : vector<1x8192xf32>
    %add3A_71 = arith.constant 9.99999982E-14 : f32
    %add3A_72 = vector.broadcast %add3A_71 : f32 to vector<1x8192xf32>
    %add3A_73 = arith.addf %sub3A_70, %add3A_72 : vector<1x8192xf32>
    %log3A_74 = math.log %add3A_73 : vector<1x8192xf32>
    %sub3A_75 = arith.subf %get3A_13, %log3A_74 : vector<1x8192xf32>
    %reduce_max3A = vector.shape_cast %sub3A_75 : vector<1x8192xf32> to vector<1x1x8192xf32>
    %reduce_max3A_76 = arith.constant dense<0xFF800000> : vector<1xf32>
    %reduce_max3A_77 = vector.multi_reduction <maximumf>, %reduce_max3A, %reduce_max3A_76 [1, 2] : vector<1x1x8192xf32> to vector<1xf32>
    %reduce_max3A_78 = vector.shape_cast %reduce_max3A_77 : vector<1xf32> to vector<1x1x1xf32>
    %reduce_max3A_79 = vector.extract %reduce_max3A_78[0, 0, 0] : f32 from vector<1x1x1xf32>
    %exp3A_80 = math.exp %sub3A_75 : vector<1x8192xf32>
    %convert_element_type3A_81 = arith.truncf %get3A_4 : vector<256x64xf32> to vector<256x64xbf16>
    %get3A_82 = arith.constant 0 : index
    %get3A_83 = arith.constant 0 : index
    %get3A_84 = vector.load %arg11[%get3A_82, %get3A_83] : memref<8192x64xbf16, #tpu.memory_space<vmem>>, vector<8192x64xbf16>
    %dot_general3A = arith.constant dense<0.000000e+00> : vector<256x8192xf32>
    %dot_general3A_85 = tpu.matmul %convert_element_type3A_81, %get3A_84, %dot_general3A {dimension_numbers = #tpu.dot_dimension_numbers<[1], [1], [0], [0], [0, 0, 1, 0], [], []>, transpose_lhs_hint = false} : vector<256x64xbf16>, vector<8192x64xbf16>, vector<256x8192xf32> -> vector<256x8192xf32>
    %reduce_max3A_86 = arith.constant dense<0xFF800000> : vector<256xf32>
    %reduce_max3A_87 = vector.multi_reduction <maximumf>, %dot_general3A_85, %reduce_max3A_86 [1] : vector<256x8192xf32> to vector<256xf32>
    %broadcast_in_dim3A_88 = vector.shape_cast %reduce_max3A_87 : vector<256xf32> to vector<256x1xf32>
    %add3A_89 = vector.broadcast %reduce_max3A_79 : f32 to vector<256x1xf32>
    %add3A_90 = arith.addf %broadcast_in_dim3A_88, %add3A_89 : vector<256x1xf32>
    %max3A = arith.maximumf %add3A_90, %sub3A_48 : vector<256x1xf32>
    %sub3A_91 = vector.broadcast %max3A : vector<256x1xf32> to vector<256x8192xf32>
    %sub3A_92 = arith.subf %dot_general3A_85, %sub3A_91 : vector<256x8192xf32>
    %exp3A_93 = math.exp %sub3A_92 : vector<256x8192xf32>
    %mul3A_94 = vector.broadcast %exp3A_80 : vector<1x8192xf32> to vector<256x8192xf32>
    %mul3A_95 = arith.mulf %exp3A_93, %mul3A_94 : vector<256x8192xf32>
    %reduce_sum3A_96 = arith.constant dense<0.000000e+00> : vector<256xf32>
    %reduce_sum3A_97 = vector.multi_reduction <add>, %mul3A_95, %reduce_sum3A_96 [1] : vector<256x8192xf32> to vector<256xf32>
    %broadcast_in_dim3A_98 = vector.shape_cast %reduce_sum3A_97 : vector<256xf32> to vector<256x1xf32>
    %sub3A_99 = arith.constant 1.000000e+00 : f32
    %sub3A_100 = vector.broadcast %sub3A_99 : f32 to vector<256x1xf32>
    %sub3A_101 = arith.subf %sub3A_100, %get3A_22 : vector<256x1xf32>
    %sub3A_102 = arith.subf %sub3A_48, %max3A : vector<256x1xf32>
    %exp3A_103 = math.exp %sub3A_102 : vector<256x1xf32>
    %mul3A_104 = arith.mulf %sub3A_101, %exp3A_103 : vector<256x1xf32>
    %add3A_105 = arith.addf %broadcast_in_dim3A_98, %mul3A_104 : vector<256x1xf32>
    %log3A_106 = math.log %add3A_105 : vector<256x1xf32>
    %add3A_107 = arith.addf %max3A, %log3A_106 : vector<256x1xf32>
    %sub3A_108 = arith.subf %add3A_107, %sub3A_48 : vector<256x1xf32>
    %reduce_sum3A_109 = vector.shape_cast %sub3A_108 : vector<256x1xf32> to vector<1x256x1xf32>
    %reduce_sum3A_110 = arith.constant dense<0.000000e+00> : vector<1xf32>
    %reduce_sum3A_111 = vector.multi_reduction <add>, %reduce_sum3A_109, %reduce_sum3A_110 [1, 2] : vector<1x256x1xf32> to vector<1xf32>
    %reduce_sum3A_112 = vector.shape_cast %reduce_sum3A_111 : vector<1xf32> to vector<1x1x1xf32>
    %reduce_sum3A_113 = vector.extract %reduce_sum3A_112[0, 0, 0] : f32 from vector<1x1x1xf32>
    %broadcast_in_dim3A_114 = vector.broadcast %reduce_sum3A_113 : f32 to vector<1x1xf32>
    %eq3A_115 = arith.constant 0 : i32
    %eq3A_116 = arith.cmpi eq, %arg0, %eq3A_115 : i32
    %convert_element_type3A_117 = arith.extui %eq3A_116 : i1 to i32
    %cond3A_118 = arith.constant 0 : i32
    %cond3A_119 = arith.cmpi ne, %convert_element_type3A_117, %cond3A_118 : i32
    scf.if %cond3A_119 {
      %broadcast_in_dim3A_126 = arith.constant 0.000000e+00 : f32
      %broadcast_in_dim3A_127 = vector.broadcast %broadcast_in_dim3A_126 : f32 to vector<1x1xf32>
      %swap3A_128 = arith.constant 0 : index
      %swap3A_129 = arith.constant 0 : index
      %swap3A_130 = vector.load %arg10[%swap3A_128, %swap3A_129] : memref<1x1xf32, #tpu.memory_space<vmem>>, vector<1x1xf32>
      tpu.vector_store %arg10[%swap3A_128, %swap3A_129], %broadcast_in_dim3A_127 {strides = array<i32>} : memref<1x1xf32, #tpu.memory_space<vmem>>, vector<1x1xf32>,
    } else {
    }
    %get3A_120 = arith.constant 0 : index
    %get3A_121 = arith.constant 0 : index
    %get3A_122 = vector.load %arg10[%get3A_120, %get3A_121] : memref<1x1xf32, #tpu.memory_space<vmem>>, vector<1x1xf32>
    %add3A_123 = arith.addf %get3A_122, %broadcast_in_dim3A_114 : vector<1x1xf32>
    %swap3A = arith.constant 0 : index
    %swap3A_124 = arith.constant 0 : index
    %swap3A_125 = vector.load %arg10[%swap3A, %swap3A_124] : memref<1x1xf32, #tpu.memory_space<vmem>>, vector<1x1xf32>
    tpu.vector_store %arg10[%swap3A, %swap3A_124], %add3A_123 {strides = array<i32>} : memref<1x1xf32, #tpu.memory_space<vmem>>, vector<1x1xf32>,
    return
  }
  func.func @transform_0(%arg0: i32) -> (i32, i32) {
    %c0_i32 = arith.constant 0 : i32
    %c0_i32_0 = arith.constant 0 : i32
    %c0_i32_1 = arith.constant 0 : i32
    return %c0_i32, %c0_i32_0 : i32, i32
  }
  func.func @transform_1(%arg0: i32) -> (i32, i32) {
    %c0_i32 = arith.constant 0 : i32
    %c0_i32_0 = arith.constant 0 : i32
    return %arg0, %c0_i32 : i32, i32
  }
  func.func @transform_2(%arg0: i32) -> (i32, i32) {
    %c0_i32 = arith.constant 0 : i32
    %c0_i32_0 = arith.constant 0 : i32
    return %arg0, %c0_i32 : i32, i32
  }
  func.func @transform_3(%arg0: i32) -> (i32, i32) {
    %c2_i32 = arith.constant 2 : i32
    %c0_i32 = arith.constant 0 : i32
    %c0_i32_0 = arith.constant 0 : i32
    return %c2_i32, %c0_i32 : i32, i32
  }
  func.func @transform_4(%arg0: i32) -> (i32, i32) {
    %c0_i32 = arith.constant 0 : i32
    %c0_i32_0 = arith.constant 0 : i32
    return %arg0, %c0_i32 : i32, i32
  }
  func.func @transform_5(%arg0: i32) -> (i32, i32) {
    %c0_i32 = arith.constant 0 : i32
    %c0_i32_0 = arith.constant 0 : i32
    %c0_i32_1 = arith.constant 0 : i32
    return %c0_i32, %c0_i32_0 : i32, i32
  }
  func.func @transform_6(%arg0: i32) -> (i32, i32) {
    %c0_i32 = arith.constant 0 : i32
    %c0_i32_0 = arith.constant 0 : i32
    return %arg0, %c0_i32 : i32, i32
  }
  func.func @transform_7(%arg0: i32) -> (i32, i32) {
    %c0_i32 = arith.constant 0 : i32
    %c0_i32_0 = arith.constant 0 : i32
    %c0_i32_1 = arith.constant 0 : i32
    return %c0_i32, %c0_i32_0 : i32, i32
  }
  func.func @transform_8(%arg0: i32) -> (i32, i32) {
    %c0_i32 = arith.constant 0 : i32
    %c0_i32_0 = arith.constant 0 : i32
    return %arg0, %c0_i32 : i32, i32
  }
  func.func @transform_9(%arg0: i32) -> (i32, i32) {
    %c0_i32 = arith.constant 0 : i32
    %c0_i32_0 = arith.constant 0 : i32
    %c0_i32_1 = arith.constant 0 : i32
    return %c0_i32, %c0_i32_0 : i32, i32
  }
}

</mosaic_0001>

<sc_bundles>
// kernel: kernel.5.cloned.1.call-start
scs
__scs_entry_jumppad:
0x0: {  	(pc) =	sbr.rel $0x88, $3  }
0x1: {  	(tag) =	ssettag $0x0;
	lr =	simm.s32 $0x1  }
0x2: {  	[smem:$0x3F9B] =	sst lr;
	_ =	strace $0xD0000000  }
0x3: {  	_ = 	snop  }
0x4: {  	_ = 	snop  }
0x5: {  	_ = 	snop  }
0x6: {  	_ = 	snop  }
0x7: {  	_ = 	snop  }
__scs_overlays_trampoline_lowered:
0x8: {  	[smem:$0x3FAA] =	sst s0  }
0x9: {  	[smem:$0x3FAB] =	sst s1  }
0xa: {  	[smem:$0x3FAC] =	sst s2  }
0xb: {  	[smem:$0x3FAD] =	sst s3  }
0xc: {  	[smem:$0x3FAE] =	sst s4  }
0xd: {  	[smem:$0x3FAF] =	sst s5  }
0xe: {  	[smem:$0x3FB0] =	sst s6  }
0xf: {  	[smem:$0x3FB1] =	sst s7  }
0x10: {  	[smem:$0x3FB2] =	sst s8  }
0x11: {  	[smem:$0x3FB3] =	sst s9;
	s0 =	simm.s32 @!p0 $0x0  }
0x12: {  	s1 =	sld [smem:$0x3F99];
	s0 =	simm.s32 @p0 $0x1  }
0x13: {  	[smem:$0x3FB4] =	sst s0;
	s0 =	simm.s32 @!p1 $0x0  }
0x14: {  	s2 =	sld [smem:$0x3F98];
	s0 =	simm.s32 @p1 $0x1  }
0x15: {  	[smem:$0x3FB5] =	sst s0;
	s0 =	simm.s32 @!p2 $0x0  }
0x16: {  	s3 =	sld [smem:$0x3FDB];
	s0 =	simm.s32 @p2 $0x1  }
0x17: {  	s4 =	simm.s32 $0x1BF5;
	[smem:$0x3FB7] =	sst s0  }
0x18: {  	s0 =	sld [smem:$0x3F9A];
	_ =	swait.ge [sflag:s4], $0x0  }
0x19: {  	s7 =	sld [smem:$0x3F9B]  }
0x1a: {  	s8 =	sadd.s32 $0xFFFFE003, lr  }
0x1b: {  	s9 =	sadd.s32 $0xFFFFFEF7, lr;
	s5 =	simm.s32 $0xFFFFFFFF;
	p2 =	slt.u32 s8, $0xFFFFF086  }
0x1c: {  	p1 =	slt.u32 s9, $0xF7A;
	s5 =	simm.s32 @!p2 $0x0  }
0x1d: {  	s5 =	simm.s32 @p1 $0x1;
	p0 =	seq.s32 s7, s2  }
0x1e: {  	s7 =	smul.u32 @!p0 $0xF7A, s2;
	p2 =	seq.s32 @!p0 s5, $0x0  }
0x1f: {  	s9 =	smul.u32 $0xF7A, s1;
	s8 =	simm.s32 @!p0 $0x1BF5;
	p2 =	por !p2, p0  }
0x20: {  	[sflag:s8] =	ssyncset.s32 @!p0 $0xFFFFF086;
	s6 =	sadd.s32 @!p0 s3, s7;
	s7 =	simm.s32 @!p0 $0x108  }
0x21: {  	s3 =	sadd.s32 s3, s9;
	s6 =	sadd.s32 @!p0 $0x88, s6;
	s7 =	simm.s32 @p2 $0x1082  }
0x22: {  	[simem:s7], [sflag:s8] =	dma.local @!p0 [hbm:s6], $0xF7A  }
0x23: {  	s9 =	sor.u32 $0xD0000000, s2;
	s6 =	simm.s32 $0x108;
	_ =	swait.ge @!p0 [sflag:s8], $0x0  }
0x24: {  	s3 =	sadd.s32 $0x88, s3;
	s6 =	simm.s32 @!p1 $0x1082;
	[sflag:s4] =	ssyncset.s32 $0xFFFFF086  }
0x25: {  	[simem:s6], [sflag:s4] =	dma.local [hbm:s3], $0xF7A  }
0x26: {  	[smem:$0x3F9B] =	sst s1;
	(tag) =	ssettag s2;
	_ =	strace s9  }
0x27: {  	s1 =	sld [smem:$0x3FAB]  }
0x28: {  	s2 =	sld [smem:$0x3FAC]  }
0x29: {  	s4 =	sld [smem:$0x3FAE]  }
0x2a: {  	p0 =	seq.s32 s5, $0x0;
	s5 =	sld [smem:$0x3FAF]  }
0x2b: {  	s6 =	sld [smem:$0x3FB0]  }
0x2c: {  	s7 =	sld [smem:$0x3FB1]  }
0x2d: {  	s3 =	simm.s32 $0x108;
	s8 =	sld [smem:$0x3FB2]  }
0x2e: {  	s3 =	simm.s32 @!p0 $0x1082;
	s9 =	sld [smem:$0x3FB3]  }
0x2f: {  	lr =	sadd.s32 s0, s3;
	s0 =	sld [smem:$0x3FAA]  }
0x30: {  	s3 =	sld [smem:$0x3FAD]  }
0x31: {  	[smem:$0x3FB6] =	sst s10  }
0x32: {  	s10 =	sld [smem:$0x3FB4];
	_ =	sdelay $0x3  }
0x33: {  	p0 =	seq.s32 s10, $0x1;
	s10 =	sld [smem:$0x3FB6];
	_ =	sdelay $0x3  }
0x34: {  	[smem:$0x3FB6] =	sst s10  }
0x35: {  	s10 =	sld [smem:$0x3FB5];
	_ =	sdelay $0x3  }
0x36: {  	p1 =	seq.s32 s10, $0x1;
	s10 =	sld [smem:$0x3FB6];
	_ =	sdelay $0x3  }
0x37: {  	[smem:$0x3FB6] =	sst s10  }
0x38: {  	s10 =	sld [smem:$0x3FB7]  }
0x39: {  	_ = 	snop;
	(pc) =	sbr.ind lr, $3  }
0x3a: {  	_ = 	snop  }
0x3b: {  	_ = 	snop  }
0x3c: {  	p2 =	seq.s32 s10, $0x1;
	s10 =	sld [smem:$0x3FB6]  }
0x3d: {  	_ =	shalt  }
0x3e: {  	_ =	shalt  }
0x3f: {  	_ =	shalt  }
0x40: {  	_ =	shalt  }
0x41: {  	_ =	shalt  }
0x42: {  	_ =	shalt  }
0x43: {  	_ =	shalt  }
0x44: {  	_ =	shalt  }
0x45: {  	_ =	shalt  }
0x46: {  	_ =	shalt  }
0x47: {  	_ =	shalt  }
0x48: {  	_ =	shalt  }
0x49: {  	_ =	shalt  }
0x4a: {  	_ =	shalt  }
0x4b: {  	_ =	shalt  }
0x4c: {  	_ =	shalt  }
0x4d: {  	_ =	shalt  }
0x4e: {  	_ =	shalt  }
0x4f: {  	_ =	shalt  }
0x50: {  	_ =	shalt  }
0x51: {  	_ =	shalt  }
0x52: {  	_ =	shalt  }
0x53: {  	_ =	shalt  }
0x54: {  	_ =	shalt  }
0x55: {  	_ =	shalt  }
0x56: {  	_ =	shalt  }
0x57: {  	_ =	shalt  }
0x58: {  	_ =	shalt  }
0x59: {  	_ =	shalt  }
0x5a: {  	_ =	shalt  }
0x5b: {  	_ =	shalt  }
0x5c: {  	_ =	shalt  }
0x5d: {  	_ =	shalt  }
0x5e: {  	_ =	shalt  }
0x5f: {  	_ =	shalt  }
0x60: {  	_ =	shalt  }
0x61: {  	_ =	shalt  }
0x62: {  	_ =	shalt  }
0x63: {  	_ =	shalt  }
0x64: {  	_ =	shalt  }
0x65: {  	_ =	shalt  }
0x66: {  	_ =	shalt  }
0x67: {  	_ =	shalt  }
0x68: {  	_ =	shalt  }
0x69: {  	_ =	shalt  }
0x6a: {  	_ =	shalt  }
0x6b: {  	_ =	shalt  }
0x6c: {  	_ =	shalt  }
0x6d: {  	_ =	shalt  }
0x6e: {  	_ =	shalt  }
0x6f: {  	_ =	shalt  }
0x70: {  	_ =	shalt  }
0x71: {  	_ =	shalt  }
0x72: {  	_ =	shalt  }
0x73: {  	_ =	shalt  }
0x74: {  	_ =	shalt  }
0x75: {  	_ =	shalt  }
0x76: {  	_ =	shalt  }
0x77: {  	_ =	shalt  }
0x78: {  	_ =	shalt  }
0x79: {  	_ =	shalt  }
0x7a: {  	_ =	shalt  }
0x7b: {  	_ =	shalt  }
0x7c: {  	_ =	shalt  }
0x7d: {  	_ =	shalt  }
0x7e: {  	_ =	shalt  }
0x7f: {  	_ =	shalt  }
0x80: {  	_ =	shalt  }
0x81: {  	_ =	shalt  }
0x82: {  	_ =	shalt  }
0x83: {  	_ =	shalt  }
0x84: {  	_ =	shalt  }
0x85: {  	_ =	shalt  }
0x86: {  	_ =	shalt  }
0x87: {  	_ =	shalt  }
.Lfunc_end0:
.L_simem_size_0:
called_computation_lowered:
.L_overlay_start_0:
0x88: {  	s2 =	sld [smem:$0x3FD9]  }
0x89: {  	s3 =	sld [smem:$0x3FFE];
	_ =	sdelay $0x1  }
0x8a: {  	s1 =	srdreg.scid  }
0x8b: {  	s0 =	sand.u32 $0x1, s1  }
0x8c: {  	s17 =	sshll.u32 s0, $0xA;
	s2 =	sadd.s32 s3, s2  }
0x8d: {  	s2 =	sadd.s32 s2, s17  }
0x8e: {  	[smem:$0x3FC2] =	sst s2  }
0x8f: {  	_ = 	snop  }
0x90: {  	(tm) =	ssettm $0x1  }
0x91: {  	s18 =	sld [smem:$0x3FFB];
	_ =	sdelay $0x3  }
0x92: {  	_ =	strace s18  }
0x93: {  	s2 =	sld [smem:$0x3FFC];
	_ =	sdelay $0x3  }
0x94: {  	_ =	strace s2  }
0x95: {  	s2 =	sld [smem:$0x3FFD];
	_ =	sdelay $0x3  }
0x96: {  	_ =	strace s2  }
0x97: {  	_ =	strace $0x8FFFFFFF  }
0x98: {  	s19 =	sld [smem:$0x3FDB];
	_ =	sdelay $0x1  }
0x99: {  	s20 =	simm.s32 $_scs_section_size  }
0x9a: {  	s4 =	simm.s32 $_size__tile_overlayer_lowered;
	s5 =	simm.s32 $_tile_overlayer_lowered  }
0x9b: {  	s6 =	simm.s32 $0x1BFF;
	s21 =	sshll.u32 s5, $0x1;
	s3 =	sadd.s32 s20, s19  }
0x9c: {  	s22 =	simm.s32 $0x0;
	s4 =	sshll.u32 s4, $0x1;
	s5 =	sadd.s32 s21, s3  }
0x9d: {  	[timem:s22], [sflag:s6] =	dma.local [hbm:s5], s4  }
0x9e: {  	_ =	swait.ge [sflag:s6], s4  }
0x9f: {  	s4 =	ssub.s32 $0x0, s4;
	[sflag:s6] =	ssyncset.done $0x0  }
0xa0: {  	[sflag:s6] =	ssyncadd.s32 s4;
	_ =	sdelay $0x1  }
0xa1: {  	s23 =	simm.s32 $0x1B8B  }
0xa2: {  	_ =	swait.ge [sflag:s23], $0x1  }
0xa3: {  	[sflag:s23] =	ssyncset.done $0x0  }
0xa4: {  	[sflag:s23] =	ssyncadd.s32 $0xFFFFFFFF  }
0xa5: {  	s4 =	sld [smem:$0x0]  }
0xa6: {  	s5 =	sand.u32 $0xFFFFFFFE, s1  }
0xa7: {  	p0 =	sne.s32 s1, s5  }
0xa8: {  	s5 =	sshll.u32 @p0 s5, $0xE  }
0xa9: {  	s5 =	sadd.s32 @p0 $0x11B8D, s5;
	s6 =	sshll.u32 @p0 s4, $0x11  }
0xaa: {  	s5 =	sor.u32 @p0 s6, s5  }
0xab: {  	[sflag:s5] =	ssyncadd.remote.s32 @p0 $0x1;
	_ =	sdelay $0x1  }
0xac: {  	s5 =	simm.s32 @p0 $0x1B8D  }
0xad: {  	_ =	swait.eq @p0 [sflag:s5], $0x1  }
0xae: {  	[sflag:s5] =	ssyncadd.s32 @p0 $0xFFFFFFFF  }
0xaf: {  	s6 =	sshll.u32 @!p0 s1, $0xE  }
0xb0: {  	s6 =	sor.u32 @!p0 $0x4000, s6;
	s5 =	simm.s32 @!p0 $0x1B8D  }
0xb1: {  	s4 =	sshll.u32 @!p0 s4, $0x11;
	s6 =	sadd.s32 @!p0 $0x11B8D, s6;
	_ =	swait.eq @!p0 [sflag:s5], $0x1  }
0xb2: {  	s4 =	sor.u32 @!p0 s4, s6;
	[sflag:s5] =	ssyncadd.s32 @!p0 $0xFFFFFFFF  }
0xb3: {  	s25 =	simm.s32 $0x1B8E;
	s24 =	sld [smem:$0x3FFE];
	[sflag:s4] =	ssyncadd.remote.s32 @!p0 $0x1  }
0xb4: {  	s26 =	simm.s32 $execute0_lowered;
	[smem:$0x3FD2] =	sst s25  }
0xb5: {  	s5 =	sshll.u32 s26, $0x1;
	_ =	strace $0x80000049;
	[dreg:$0x1] =	wrdreg $0xFFFFFFFF  }
0xb6: {  	s28 =	simm.s32 $_size_execute0_lowered;
	s3 =	sadd.s32 s3, s5;
	[dreg:$0x0] =	wrdreg $0x0  }
0xb7: {  	s5 =	sshll.u32 s28, $0x1;
	[dreg:$0x2] =	wrdreg s3  }
0xb8: {  	[dreg:$0x3] =	wrdreg s5  }
0xb9: {  	[dreg:$0x4] =	wrdreg $0xC0  }
0xba: {  	_ =	task [dreg:s22], $0x5FFFF  }
0xbb: {  	[dreg:$0x1] =	wrdreg $0xFFFFFFFF  }
0xbc: {  	[dreg:$0x0] =	wrdreg $0x60  }
0xbd: {  	[dreg:$0x2] =	wrdreg s24  }
0xbe: {  	[dreg:$0x3] =	wrdreg $0x9  }
0xbf: {  	_ =	task.clear_ibuf [dreg:s22], $0x4FFFF;
	_ =	strace $0x90000049  }
0xc0: {  	s29 =	simm.s32 $0x9;
	_ =	strace $0x8000004B  }
0xc1: {  	_ =	swait.ge [sflag:s29], $0x1  }
0xc2: {  	[sflag:s29] =	ssyncadd.s32 $0xFFFFFFFF  }
0xc3: {  	_ =	strace $0x9000004B  }
0xc4: {  	_ =	sfence  }
0xc5: {  	s30 =	sld [smem:$0x0];
	_ =	sdelay $0x2  }
0xc6: {  	s31 =	sshll.u32 s1, $0xD;
	s1 =	sshrl.u32 s1, $0x2  }
0xc7: {  	s4 =	sand.u32 $0x4000, s31;
	s1 =	sadd.s32 s1, s30  }
0xc8: {  	s0 =	sor.u32 s4, s0;
	s1 =	sshll.u32 s1, $0x11  }
0xc9: {  	s0 =	sor.u32 s1, s0  }
0xca: {  	s0 =	sadd.s32 $0x8F2B, s0  }
0xcb: {  	[sflag:s0] =	ssyncadd.remote.s32 $0x1  }
0xcc: {  	_ =	sfence.sel $0xFFFF  }
0xcd: {  	[dreg:$0x0] =	wrdreg $0xFFFFFFFF;
	(pc) =	sbr.abs _section_cstart, $3  }
0xce: {  	[dreg:$0x1] =	wrdreg $0xFFFFFFFF  }
0xcf: {  	_ =	task.clear_ibuf [dreg:s22], $0x2FFFF;
	_ =	strace $0x9FFFFFFF  }
0xd0: {  	(tm) =	ssettm $0x7FFFFFFF  }
0xd1: {  	_ =	shalt  }
tec
execute0_lowered:
.L_overlay_start_1:
0x0: {  	(tag) =	ssettag $0x1  }
0x1: {  	s1 =	srdreg.scid;
	s0 =	stileid.u32  }
0x2: {  	s23 =	sand.u32 $0x1, s1;
	s31 =	sshll.u32 s0, $0x1  }
0x3: {  	s24 =	sor.u32 s23, s31  }
0x4: {  	s22 =	rddreg [dreg:$0x0];
	s3 =	smul.u32 $0x60, s24  }
0x5: {  	s2 =	simm.s32 $0x0;
	s1 =	rddreg [dreg:$0x1]  }
0x6: {  	[smem:$0x7FF] =	sst s2;
	s3 =	sadd.s32 s3, s22  }
0x7: {  	_ =	strace $0x8000004A;
	s4 =	sadd.s32 $0x1600, s3;
	s3 =	simm.s32 $0x2  }
0x8: {  	[tilespmem:s2], [sflag:$0x2] =	stream.linear.gather [hbm4b:s4+s2], $0x300, $0x38;
	[tilespmem:$0x18300] =	vst v63  }
0x9: {  	_ =	swait.ge [sflag:s3], $0x300  }
0xa: {  	s6 =	simm.s32 $0x60;
	[sflag:s3] =	ssyncset.done $0x0  }
0xb: {  	s7 =	simm.s32 $0x300;
	s5 =	sadd.s32 $0xF45A00, s22;
	[sflag:s3] =	ssyncadd.s32 $0xFFFFFD00  }
0xc: {  	[tilespmem:s7], [sflag:$0x1] =	stream.indirect.gather [hbm4b:s5+s6], $0x80, s2, s6, $0xb8;
	[tilespmem:$0x18300] =	vst v63  }
0xd: {  	s8 =	simm.s32 $0x3300  }
0xe: {  	[tilespmem:s8], [sflag:$0x1] =	stream.indirect.gather [hbm4b:s5+s6], $0x80, s6, s6, $0xb8;
	[tilespmem:$0x18300] =	vst v63  }
0xf: {  	s9 =	simm.s32 $0xC0;
	s10 =	simm.s32 $0x6300  }
0x10: {  	[tilespmem:s10], [sflag:$0x1] =	stream.indirect.gather [hbm4b:s5+s6], $0x80, s9, s6, $0xb8;
	[tilespmem:$0x18300] =	vst v63  }
0x11: {  	s11 =	simm.s32 $0x120;
	s12 =	simm.s32 $0x9300  }
0x12: {  	[tilespmem:s12], [sflag:$0x1] =	stream.indirect.gather [hbm4b:s5+s6], $0x80, s11, s6, $0xb8;
	[tilespmem:$0x18300] =	vst v63  }
0x13: {  	s13 =	simm.s32 $0x180;
	s14 =	simm.s32 $0xC300  }
0x14: {  	[tilespmem:s14], [sflag:$0x1] =	stream.indirect.gather [hbm4b:s5+s6], $0x80, s13, s6, $0xb8;
	[tilespmem:$0x18300] =	vst v63  }
0x15: {  	s15 =	simm.s32 $0x1E0;
	s16 =	simm.s32 $0xF300  }
0x16: {  	[tilespmem:s16], [sflag:$0x1] =	stream.indirect.gather [hbm4b:s5+s6], $0x80, s15, s6, $0xb8;
	[tilespmem:$0x18300] =	vst v63  }
0x17: {  	s17 =	simm.s32 $0x240;
	s18 =	simm.s32 $0x12300  }
0x18: {  	[tilespmem:s18], [sflag:$0x1] =	stream.indirect.gather [hbm4b:s5+s6], $0x80, s17, s6, $0xb8;
	[tilespmem:$0x18300] =	vst v63  }
0x19: {  	s19 =	simm.s32 $0x2A0;
	s20 =	simm.s32 $0x15300;
	s21 =	simm.s32 $0x1  }
0x1a: {  	[tilespmem:s20], [sflag:$0x1] =	stream.indirect.gather [hbm4b:s5+s6], $0x80, s19, s6, $0xb8;
	[tilespmem:$0x18300] =	vst v63  }
0x1b: {  	_ =	swait.ge [sflag:s21], $0x3000  }
0x1c: {  	[sflag:s21] =	ssyncset.done $0x0  }
0x1d: {  	[sflag:s21] =	ssyncadd.s32 $0xFFFFD000  }
0x1e: {  	_ =	swait.ge [sflag:s21], $0x3000  }
0x1f: {  	[sflag:s21] =	ssyncset.done $0x0  }
0x20: {  	[sflag:s21] =	ssyncadd.s32 $0xFFFFD000  }
0x21: {  	_ =	swait.ge [sflag:s21], $0x3000  }
0x22: {  	[sflag:s21] =	ssyncset.done $0x0  }
0x23: {  	[sflag:s21] =	ssyncadd.s32 $0xFFFFD000  }
0x24: {  	_ =	swait.ge [sflag:s21], $0x3000  }
0x25: {  	[sflag:s21] =	ssyncset.done $0x0  }
0x26: {  	[sflag:s21] =	ssyncadd.s32 $0xFFFFD000  }
0x27: {  	_ =	swait.ge [sflag:s21], $0x3000  }
0x28: {  	[sflag:s21] =	ssyncset.done $0x0  }
0x29: {  	[sflag:s21] =	ssyncadd.s32 $0xFFFFD000  }
0x2a: {  	_ =	swait.ge [sflag:s21], $0x3000  }
0x2b: {  	[sflag:s21] =	ssyncset.done $0x0  }
0x2c: {  	s23 =	ssub.s32 $0x2, s23;
	[sflag:s21] =	ssyncadd.s32 $0xFFFFD000  }
0x2d: {  	s25 =	sshrl.u32 s23, $0x1;
	_ =	swait.ge [sflag:s21], $0x3000  }
0x2e: {  	s23 =	ssub.s32 s23, s25;
	[sflag:s21] =	ssyncset.done $0x0  }
0x2f: {  	s24 =	smul.u32 $0x3000, s24;
	s23 =	smax.u32 s23, $0x1;
	[sflag:s21] =	ssyncadd.s32 $0xFFFFD000  }
0x30: {  	p0 =	sne.s32 s23, $0x1;
	_ =	swait.ge [sflag:s21], $0x3000  }
.Ltmp0:
0x31: {  	s22 =	sadd.s32 s24, s22;
	[sflag:s21] =	ssyncset.done $0x0;
	(pc) =	sbr.rel @!p0 .LBB2_2-.Ltmp0, $4  }
0x32: {  	s22 =	sadd.s32 $0x3600, s22;
	[sflag:s21] =	ssyncadd.s32 $0xFFFFD000  }
0x33: {  	[hbm4b:s22+s2] =	stream.linear.scatter [tilespmem:s7], [sflag:$0x2], $0x18000, $0x38;
	[tilespmem:$0x18300] =	vst v63  }
0x34: {  	_ =	swait.ge [sflag:s3], $0x18000  }
0x35: {  	s23 =	sadd.s32 $0xFFFFFFFF, s23;
	[sflag:s3] =	ssyncset.done $0x0  }
.LBB2_1:
0x36: {  	p0 =	sne.s32 s23, $0x1;
	s23 =	sadd.s32 $0xFFFFFFFF, s23;
	[sflag:s3] =	ssyncadd.s32 $0xFFFE8000  }
0x37: {  	[tilespmem:s2], [sflag:$0x2] =	stream.linear.gather [hbm4b:s4+s2], $0x300, $0x38;
	[tilespmem:$0x18300] =	vst v63  }
0x38: {  	_ =	swait.ge [sflag:s3], $0x300  }
0x39: {  	[sflag:s3] =	ssyncset.done $0x0  }
0x3a: {  	[sflag:s3] =	ssyncadd.s32 $0xFFFFFD00  }
0x3b: {  	[tilespmem:s7], [sflag:$0x1] =	stream.indirect.gather [hbm4b:s5+s6], $0x80, s2, s6, $0xb8;
	[tilespmem:$0x18300] =	vst v63  }
0x3c: {  	_ = 	snop  }
0x3d: {  	[tilespmem:s8], [sflag:$0x1] =	stream.indirect.gather [hbm4b:s5+s6], $0x80, s6, s6, $0xb8;
	[tilespmem:$0x18300] =	vst v63  }
0x3e: {  	_ = 	snop  }
0x3f: {  	[tilespmem:s10], [sflag:$0x1] =	stream.indirect.gather [hbm4b:s5+s6], $0x80, s9, s6, $0xb8;
	[tilespmem:$0x18300] =	vst v63  }
0x40: {  	_ = 	snop  }
0x41: {  	[tilespmem:s12], [sflag:$0x1] =	stream.indirect.gather [hbm4b:s5+s6], $0x80, s11, s6, $0xb8;
	[tilespmem:$0x18300] =	vst v63  }
0x42: {  	_ = 	snop  }
0x43: {  	[tilespmem:s14], [sflag:$0x1] =	stream.indirect.gather [hbm4b:s5+s6], $0x80, s13, s6, $0xb8;
	[tilespmem:$0x18300] =	vst v63  }
0x44: {  	_ = 	snop  }
0x45: {  	[tilespmem:s16], [sflag:$0x1] =	stream.indirect.gather [hbm4b:s5+s6], $0x80, s15, s6, $0xb8;
	[tilespmem:$0x18300] =	vst v63  }
0x46: {  	_ = 	snop  }
0x47: {  	[tilespmem:s18], [sflag:$0x1] =	stream.indirect.gather [hbm4b:s5+s6], $0x80, s17, s6, $0xb8;
	[tilespmem:$0x18300] =	vst v63  }
0x48: {  	_ = 	snop  }
0x49: {  	[tilespmem:s20], [sflag:$0x1] =	stream.indirect.gather [hbm4b:s5+s6], $0x80, s19, s6, $0xb8;
	[tilespmem:$0x18300] =	vst v63  }
0x4a: {  	_ =	swait.ge [sflag:s21], $0x3000  }
0x4b: {  	[sflag:s21] =	ssyncset.done $0x0  }
0x4c: {  	[sflag:s21] =	ssyncadd.s32 $0xFFFFD000  }
0x4d: {  	_ =	swait.ge [sflag:s21], $0x3000  }
0x4e: {  	[sflag:s21] =	ssyncset.done $0x0  }
0x4f: {  	[sflag:s21] =	ssyncadd.s32 $0xFFFFD000  }
0x50: {  	_ =	swait.ge [sflag:s21], $0x3000  }
0x51: {  	[sflag:s21] =	ssyncset.done $0x0  }
0x52: {  	[sflag:s21] =	ssyncadd.s32 $0xFFFFD000  }
0x53: {  	_ =	swait.ge [sflag:s21], $0x3000  }
0x54: {  	[sflag:s21] =	ssyncset.done $0x0  }
0x55: {  	[sflag:s21] =	ssyncadd.s32 $0xFFFFD000  }
0x56: {  	_ =	swait.ge [sflag:s21], $0x3000  }
0x57: {  	[sflag:s21] =	ssyncset.done $0x0  }
0x58: {  	[sflag:s21] =	ssyncadd.s32 $0xFFFFD000  }
0x59: {  	_ =	swait.ge [sflag:s21], $0x3000  }
0x5a: {  	[sflag:s21] =	ssyncset.done $0x0  }
0x5b: {  	[sflag:s21] =	ssyncadd.s32 $0xFFFFD000  }
0x5c: {  	_ =	swait.ge [sflag:s21], $0x3000  }
0x5d: {  	[sflag:s21] =	ssyncset.done $0x0  }
0x5e: {  	[sflag:s21] =	ssyncadd.s32 $0xFFFFD000  }
0x5f: {  	_ =	swait.ge [sflag:s21], $0x3000  }
.Ltmp1:
0x60: {  	[sflag:s21] =	ssyncset.done $0x0;
	(pc) =	sbr.rel @p0 .LBB2_1-.Ltmp1, $4  }
0x61: {  	[sflag:s21] =	ssyncadd.s32 $0xFFFFD000  }
0x62: {  	[hbm4b:s22+s2] =	stream.linear.scatter [tilespmem:s7], [sflag:$0x2], $0x18000, $0x38;
	[tilespmem:$0x18300] =	vst v63  }
0x63: {  	_ =	swait.ge [sflag:s3], $0x18000  }
0x64: {  	[sflag:s3] =	ssyncset.done $0x0  }
.LBB2_2:
0x65: {  	[sflag:s3] =	ssyncadd.s32 $0xFFFE8000  }
0x66: {  	_ =	sfence.sel $0x180000  }
0x67: {  	[bflag:$0x0] =	sbarrier.arrive $0xFFFF  }
0x68: {  	p0 =	sne.s32 s0, $0x0;
	_ =	strace $0x9000004A  }
0x69: {  	s0 =	sadd.s32 @!p0 $0x100000, s1;
	[bflag:$0x2] =	sbarrier.arrive $0xFFFF  }
0x6a: {  	[sflag:s0] =	ssyncadd.tile.s32 @!p0 $0x1;
	_ =	shalt  }
.Lfunc_end2:
_tile_overlayer_lowered:
.L_overlay_start_2:
0x6b: {  	(tag) =	ssettag $0x2  }
0x6c: {  	s0 =	rddreg [dreg:$0x0];
	s2 =	stileid.u32  }
0x6d: {  	s1 =	rddreg [dreg:$0x1];
	p0 =	sne.s32 s2, $0x0  }
0x6e: {  	s3 =	rddreg [dreg:$0x2];
	[bflag:$0x3] =	sbarrier.arrive $0xFFFF;
	s2 =	simm.s32 @!p0 $0x1C02  }
0x6f: {  	[timem:s3], [sflag:s2] =	dma.local @!p0 [hbm:s0], s1  }
0x70: {  	s0 =	simm.s32 @!p0 $0x2  }
0x71: {  	_ =	swait.ge @!p0 [sflag:s0], s1  }
0x72: {  	s1 =	ssub.s32 @!p0 $0x0, s1;
	[sflag:s0] =	ssyncset.done @!p0 $0x0  }
0x73: {  	[sflag:s0] =	ssyncadd.s32 @!p0 s1  }
0x74: {  	[bflag:$0x3] =	sbarrier.arrive $0xFFFF  }
0x75: {  	_ =	shalt  }

// kernel: kernel.8.cloned.1.call-start
scs
__scs_entry_jumppad:
0x0: {  	(pc) =	sbr.rel $0x88, $3  }
0x1: {  	(tag) =	ssettag $0x0;
	lr =	simm.s32 $0x1  }
0x2: {  	[smem:$0x3F9B] =	sst lr;
	_ =	strace $0xD0000000  }
0x3: {  	_ = 	snop  }
0x4: {  	_ = 	snop  }
0x5: {  	_ = 	snop  }
0x6: {  	_ = 	snop  }
0x7: {  	_ = 	snop  }
__scs_overlays_trampoline_lowered:
0x8: {  	[smem:$0x3FAA] =	sst s0  }
0x9: {  	[smem:$0x3FAB] =	sst s1  }
0xa: {  	[smem:$0x3FAC] =	sst s2  }
0xb: {  	[smem:$0x3FAD] =	sst s3  }
0xc: {  	[smem:$0x3FAE] =	sst s4  }
0xd: {  	[smem:$0x3FAF] =	sst s5  }
0xe: {  	[smem:$0x3FB0] =	sst s6  }
0xf: {  	[smem:$0x3FB1] =	sst s7  }
0x10: {  	[smem:$0x3FB2] =	sst s8  }
0x11: {  	[smem:$0x3FB3] =	sst s9;
	s0 =	simm.s32 @!p0 $0x0  }
0x12: {  	s1 =	sld [smem:$0x3F99];
	s0 =	simm.s32 @p0 $0x1  }
0x13: {  	[smem:$0x3FB4] =	sst s0;
	s0 =	simm.s32 @!p1 $0x0  }
0x14: {  	s2 =	sld [smem:$0x3F98];
	s0 =	simm.s32 @p1 $0x1  }
0x15: {  	[smem:$0x3FB5] =	sst s0;
	s0 =	simm.s32 @!p2 $0x0  }
0x16: {  	s3 =	sld [smem:$0x3FDB];
	s0 =	simm.s32 @p2 $0x1  }
0x17: {  	s4 =	simm.s32 $0x1BF5;
	[smem:$0x3FB7] =	sst s0  }
0x18: {  	s0 =	sld [smem:$0x3F9A];
	_ =	swait.ge [sflag:s4], $0x0  }
0x19: {  	s7 =	sld [smem:$0x3F9B]  }
0x1a: {  	s8 =	sadd.s32 $0xFFFFE003, lr  }
0x1b: {  	s9 =	sadd.s32 $0xFFFFFEF7, lr;
	s5 =	simm.s32 $0xFFFFFFFF;
	p2 =	slt.u32 s8, $0xFFFFF086  }
0x1c: {  	p1 =	slt.u32 s9, $0xF7A;
	s5 =	simm.s32 @!p2 $0x0  }
0x1d: {  	s5 =	simm.s32 @p1 $0x1;
	p0 =	seq.s32 s7, s2  }
0x1e: {  	s7 =	smul.u32 @!p0 $0xF7A, s2;
	p2 =	seq.s32 @!p0 s5, $0x0  }
0x1f: {  	s9 =	smul.u32 $0xF7A, s1;
	s8 =	simm.s32 @!p0 $0x1BF5;
	p2 =	por !p2, p0  }
0x20: {  	[sflag:s8] =	ssyncset.s32 @!p0 $0xFFFFF086;
	s6 =	sadd.s32 @!p0 s3, s7;
	s7 =	simm.s32 @!p0 $0x108  }
0x21: {  	s3 =	sadd.s32 s3, s9;
	s6 =	sadd.s32 @!p0 $0x88, s6;
	s7 =	simm.s32 @p2 $0x1082  }
0x22: {  	[simem:s7], [sflag:s8] =	dma.local @!p0 [hbm:s6], $0xF7A  }
0x23: {  	s9 =	sor.u32 $0xD0000000, s2;
	s6 =	simm.s32 $0x108;
	_ =	swait.ge @!p0 [sflag:s8], $0x0  }
0x24: {  	s3 =	sadd.s32 $0x88, s3;
	s6 =	simm.s32 @!p1 $0x1082;
	[sflag:s4] =	ssyncset.s32 $0xFFFFF086  }
0x25: {  	[simem:s6], [sflag:s4] =	dma.local [hbm:s3], $0xF7A  }
0x26: {  	[smem:$0x3F9B] =	sst s1;
	(tag) =	ssettag s2;
	_ =	strace s9  }
0x27: {  	s1 =	sld [smem:$0x3FAB]  }
0x28: {  	s2 =	sld [smem:$0x3FAC]  }
0x29: {  	s4 =	sld [smem:$0x3FAE]  }
0x2a: {  	p0 =	seq.s32 s5, $0x0;
	s5 =	sld [smem:$0x3FAF]  }
0x2b: {  	s6 =	sld [smem:$0x3FB0]  }
0x2c: {  	s7 =	sld [smem:$0x3FB1]  }
0x2d: {  	s3 =	simm.s32 $0x108;
	s8 =	sld [smem:$0x3FB2]  }
0x2e: {  	s3 =	simm.s32 @!p0 $0x1082;
	s9 =	sld [smem:$0x3FB3]  }
0x2f: {  	lr =	sadd.s32 s0, s3;
	s0 =	sld [smem:$0x3FAA]  }
0x30: {  	s3 =	sld [smem:$0x3FAD]  }
0x31: {  	[smem:$0x3FB6] =	sst s10  }
0x32: {  	s10 =	sld [smem:$0x3FB4];
	_ =	sdelay $0x3  }
0x33: {  	p0 =	seq.s32 s10, $0x1;
	s10 =	sld [smem:$0x3FB6];
	_ =	sdelay $0x3  }
0x34: {  	[smem:$0x3FB6] =	sst s10  }
0x35: {  	s10 =	sld [smem:$0x3FB5];
	_ =	sdelay $0x3  }
0x36: {  	p1 =	seq.s32 s10, $0x1;
	s10 =	sld [smem:$0x3FB6];
	_ =	sdelay $0x3  }
0x37: {  	[smem:$0x3FB6] =	sst s10  }
0x38: {  	s10 =	sld [smem:$0x3FB7]  }
0x39: {  	_ = 	snop;
	(pc) =	sbr.ind lr, $3  }
0x3a: {  	_ = 	snop  }
0x3b: {  	_ = 	snop  }
0x3c: {  	p2 =	seq.s32 s10, $0x1;
	s10 =	sld [smem:$0x3FB6]  }
0x3d: {  	_ =	shalt  }
0x3e: {  	_ =	shalt  }
0x3f: {  	_ =	shalt  }
0x40: {  	_ =	shalt  }
0x41: {  	_ =	shalt  }
0x42: {  	_ =	shalt  }
0x43: {  	_ =	shalt  }
0x44: {  	_ =	shalt  }
0x45: {  	_ =	shalt  }
0x46: {  	_ =	shalt  }
0x47: {  	_ =	shalt  }
0x48: {  	_ =	shalt  }
0x49: {  	_ =	shalt  }
0x4a: {  	_ =	shalt  }
0x4b: {  	_ =	shalt  }
0x4c: {  	_ =	shalt  }
0x4d: {  	_ =	shalt  }
0x4e: {  	_ =	shalt  }
0x4f: {  	_ =	shalt  }
0x50: {  	_ =	shalt  }
0x51: {  	_ =	shalt  }
0x52: {  	_ =	shalt  }
0x53: {  	_ =	shalt  }
0x54: {  	_ =	shalt  }
0x55: {  	_ =	shalt  }
0x56: {  	_ =	shalt  }
0x57: {  	_ =	shalt  }
0x58: {  	_ =	shalt  }
0x59: {  	_ =	shalt  }
0x5a: {  	_ =	shalt  }
0x5b: {  	_ =	shalt  }
0x5c: {  	_ =	shalt  }
0x5d: {  	_ =	shalt  }
0x5e: {  	_ =	shalt  }
0x5f: {  	_ =	shalt  }
0x60: {  	_ =	shalt  }
0x61: {  	_ =	shalt  }
0x62: {  	_ =	shalt  }
0x63: {  	_ =	shalt  }
0x64: {  	_ =	shalt  }
0x65: {  	_ =	shalt  }
0x66: {  	_ =	shalt  }
0x67: {  	_ =	shalt  }
0x68: {  	_ =	shalt  }
0x69: {  	_ =	shalt  }
0x6a: {  	_ =	shalt  }
0x6b: {  	_ =	shalt  }
0x6c: {  	_ =	shalt  }
0x6d: {  	_ =	shalt  }
0x6e: {  	_ =	shalt  }
0x6f: {  	_ =	shalt  }
0x70: {  	_ =	shalt  }
0x71: {  	_ =	shalt  }
0x72: {  	_ =	shalt  }
0x73: {  	_ =	shalt  }
0x74: {  	_ =	shalt  }
0x75: {  	_ =	shalt  }
0x76: {  	_ =	shalt  }
0x77: {  	_ =	shalt  }
0x78: {  	_ =	shalt  }
0x79: {  	_ =	shalt  }
0x7a: {  	_ =	shalt  }
0x7b: {  	_ =	shalt  }
0x7c: {  	_ =	shalt  }
0x7d: {  	_ =	shalt  }
0x7e: {  	_ =	shalt  }
0x7f: {  	_ =	shalt  }
0x80: {  	_ =	shalt  }
0x81: {  	_ =	shalt  }
0x82: {  	_ =	shalt  }
0x83: {  	_ =	shalt  }
0x84: {  	_ =	shalt  }
0x85: {  	_ =	shalt  }
0x86: {  	_ =	shalt  }
0x87: {  	_ =	shalt  }
.Lfunc_end0:
.L_simem_size_0:
called_computation.1_lowered:
.L_overlay_start_0:
0x88: {  	s2 =	sld [smem:$0x3FD9]  }
0x89: {  	s3 =	sld [smem:$0x3FFE];
	_ =	sdelay $0x1  }
0x8a: {  	s1 =	srdreg.scid  }
0x8b: {  	s0 =	sand.u32 $0x1, s1  }
0x8c: {  	s17 =	sshll.u32 s0, $0xA;
	s2 =	sadd.s32 s3, s2  }
0x8d: {  	s2 =	sadd.s32 s2, s17  }
0x8e: {  	[smem:$0x3FC2] =	sst s2  }
0x8f: {  	_ = 	snop  }
0x90: {  	s2 =	sld [smem:$0x3FC7];
	(tm) =	ssettm $0x1  }
0x91: {  	s18 =	sld [smem:$0x3FFB];
	_ =	sdelay $0x3  }
0x92: {  	_ =	strace s18  }
0x93: {  	s3 =	sld [smem:$0x3FFC];
	_ =	sdelay $0x3  }
0x94: {  	_ =	strace s3  }
0x95: {  	s3 =	sld [smem:$0x3FFD];
	_ =	sdelay $0x3  }
0x96: {  	_ =	strace s3  }
0x97: {  	_ =	strace $0x8FFFFFFF  }
0x98: {  	s19 =	sld [smem:$0x3FDB];
	_ =	sdelay $0x1  }
0x99: {  	s4 =	simm.s32 $_scs_section_size  }
0x9a: {  	s5 =	simm.s32 $_size__tile_overlayer_lowered;
	s6 =	simm.s32 $_tile_overlayer_lowered  }
0x9b: {  	s22 =	simm.s32 $0x1BFF;
	s21 =	sshll.u32 s6, $0x1;
	s3 =	sadd.s32 s4, s19  }
0x9c: {  	s7 =	simm.s32 $0x0;
	s20 =	sshll.u32 s5, $0x1;
	s5 =	sadd.s32 s21, s3  }
0x9d: {  	[timem:s7], [sflag:s22] =	dma.local [hbm:s5], s20  }
0x9e: {  	_ =	swait.ge [sflag:s22], s20  }
0x9f: {  	s4 =	ssub.s32 $0x0, s20;
	[sflag:s22] =	ssyncset.done $0x0  }
0xa0: {  	[sflag:s22] =	ssyncadd.s32 s4;
	_ =	sdelay $0x1  }
0xa1: {  	s23 =	simm.s32 $0x1B8B  }
0xa2: {  	_ =	swait.ge [sflag:s23], $0x1  }
0xa3: {  	[sflag:s23] =	ssyncset.done $0x0  }
0xa4: {  	s25 =	simm.s32 $0x1B8E;
	s24 =	sld [smem:$0x3FFE];
	[sflag:s23] =	ssyncadd.s32 $0xFFFFFFFF  }
0xa5: {  	s26 =	simm.s32 $execute0_lowered;
	[smem:$0x3FD2] =	sst s25  }
0xa6: {  	s5 =	sshll.u32 s26, $0x1;
	_ =	strace $0x80000046;
	[dreg:$0x1] =	wrdreg $0xFFFFFFFF  }
0xa7: {  	s28 =	simm.s32 $_size_execute0_lowered;
	s3 =	sadd.s32 s3, s5;
	[dreg:$0x0] =	wrdreg $0x0  }
0xa8: {  	s5 =	sshll.u32 s28, $0x1;
	[dreg:$0x2] =	wrdreg s3  }
0xa9: {  	[dreg:$0x3] =	wrdreg s5  }
0xaa: {  	[dreg:$0x4] =	wrdreg $0xC0  }
0xab: {  	_ =	task [dreg:s7], $0x5FFFF  }
0xac: {  	[dreg:$0x1] =	wrdreg $0xFFFFFFFF  }
0xad: {  	[dreg:$0x0] =	wrdreg $0x60  }
0xae: {  	[dreg:$0x2] =	wrdreg s2  }
0xaf: {  	[dreg:$0x3] =	wrdreg s24  }
0xb0: {  	[dreg:$0x4] =	wrdreg $0x1BA80  }
0xb1: {  	[dreg:$0x5] =	wrdreg $0xA  }
0xb2: {  	_ =	task.clear_ibuf [dreg:s7], $0x6FFFF;
	_ =	strace $0x90000046  }
0xb3: {  	s29 =	simm.s32 $0xA;
	_ =	strace $0x80000048  }
0xb4: {  	_ =	swait.ge [sflag:s29], $0x1  }
0xb5: {  	[sflag:s29] =	ssyncadd.s32 $0xFFFFFFFF  }
0xb6: {  	_ =	strace $0x90000048  }
0xb7: {  	_ =	sfence  }
0xb8: {  	s30 =	sld [smem:$0x0];
	_ =	sdelay $0x2  }
0xb9: {  	s31 =	sshll.u32 s1, $0xD;
	s1 =	sshrl.u32 s1, $0x2  }
0xba: {  	s3 =	sand.u32 $0x4000, s31;
	s1 =	sadd.s32 s1, s30  }
0xbb: {  	s0 =	sor.u32 s3, s0;
	s1 =	sshll.u32 s1, $0x11  }
0xbc: {  	s0 =	sor.u32 s1, s0  }
0xbd: {  	s0 =	sadd.s32 $0x8F2B, s0  }
0xbe: {  	[sflag:s0] =	ssyncadd.remote.s32 $0x1  }
0xbf: {  	_ =	sfence.sel $0xFFFF  }
0xc0: {  	[dreg:$0x0] =	wrdreg $0xFFFFFFFF;
	(pc) =	sbr.abs _section_cstart, $3  }
0xc1: {  	[dreg:$0x1] =	wrdreg $0xFFFFFFFF  }
0xc2: {  	_ =	task.clear_ibuf [dreg:s7], $0x2FFFF;
	_ =	strace $0x9FFFFFFF  }
0xc3: {  	(tm) =	ssettm $0x7FFFFFFF  }
tec
execute0_lowered:
.L_overlay_start_1:
0x0: {  	(tag) =	ssettag $0x1  }
0x1: {  	s1 =	rddreg [dreg:$0x0]  }
0x2: {  	s2 =	srdreg.scid;
	s5 =	rddreg [dreg:$0x1]  }
0x3: {  	s0 =	stileid.u32;
	s3 =	rddreg [dreg:$0x2]  }
0x4: {  	s12 =	simm.s32 $0x120;
	s13 =	simm.s32 $0x420;
	s14 =	simm.s32 $0x180  }
0x5: {  	s15 =	simm.s32 $0x480;
	s16 =	simm.s32 $0x1E0;
	s17 =	simm.s32 $0x4E0  }
0x6: {  	s18 =	simm.s32 $0x240;
	s19 =	simm.s32 $0x540;
	s20 =	simm.s32 $0x2A0  }
0x7: {  	s21 =	simm.s32 $0x5A0;
	s28 =	simm.s32 $0x600;
	s29 =	simm.s32 $0xE00  }
0x8: {  	s30 =	simm.s32 $0x1000;
	s31 =	simm.s32 $0x1200;
	s2 =	sand.u32 $0x1, s2  }
0x9: {  	s4 =	sshll.u32 s0, $0x1;
	s8 =	smul.u32 $0x1EA0, s0;
	s9 =	sadd.s32 $0x1600, s5  }
0xa: {  	s11 =	sshll.u32 s0, $0x6;
	s6 =	sor.u32 s2, s4;
	s4 =	simm.s32 $0x0  }
0xb: {  	s23 =	sadd.s32 s11, s9;
	s2 =	ssub.s32 $0x2, s2;
	s11 =	simm.s32 $0x3C0  }
0xc: {  	s7 =	smul.u32 $0x60, s6;
	[smem:$0x7FF] =	sst s4;
	s8 =	sshrl.u32 s8, $0x2  }
0xd: {  	s6 =	sshll.u32 s6, $0x6;
	s24 =	sadd.s32 $0x800, s23;
	s25 =	sshrl.u32 s2, $0x1  }
0xe: {  	s23 =	simm.s32 $0x800;
	_ =	strace $0x80000047;
	s22 =	sadd.s32 s8, s3  }
0xf: {  	[dreg:$0x6] =	wrdreg s24;
	s2 =	ssub.s32 s2, s25;
	s8 =	simm.s32 $0x300  }
0x10: {  	s24 =	simm.s32 $0x200;
	s25 =	simm.s32 $0xA00;
	s10 =	sadd.s32 s7, s5  }
0x11: {  	s7 =	sadd.s32 s9, s7;
	[dreg:$0x5] =	wrdreg s22;
	s5 =	sadd.s32 s6, s5  }
0x12: {  	s6 =	sadd.s32 s9, s6;
	s9 =	simm.s32 $0x360;
	[dreg:$0x4] =	wrdreg s7  }
0x13: {  	s22 =	simm.s32 $0x1400;
	[dreg:$0x7] =	wrdreg s6;
	s5 =	sadd.s32 $0x2E00, s5  }
0x14: {  	s26 =	sadd.s32 $0x2200, s10;
	s6 =	simm.s32 $0x2;
	[dreg:$0x8] =	wrdreg s5  }
0x15: {  	s7 =	simm.s32 $0x60;
	s10 =	simm.s32 $0xC0;
	[dreg:$0x9] =	wrdreg s26  }
0x16: {  	v0 =	vimm.s32 $0x0;
	v1 =	vimm.s32 $0x1;
	s5 =	smax.u32 s2, $0x1;
	s26 =	simm.s32 $0xC00;
	s2 =	simm.s32 $0x1  }
.LBB2_1:
0x17: {  	s0 =	rddreg [dreg:$0x4]  }
0x18: {  	[tilespmem:s4], [sflag:$0x2] =	stream.linear.gather [hbm4b:s0+s4], $0x300, $0x38;
	[tilespmem:$0x2350] =	vst v63  }
0x19: {  	_ =	swait.ge [sflag:s6], $0x300  }
0x1a: {  	[sflag:s6] =	ssyncset.done $0x0  }
0x1b: {  	[sflag:s6] =	ssyncadd.s32 $0xFFFFFD00  }
0x1c: {  	[tilespmem:s8], [sflag:$0x1] =	stream.indirect.gather [hbm4b:s1+s7], $0x1, s4, s7, $0xb8;
	[tilespmem:$0x2350] =	vst v63  }
0x1d: {  	_ = 	snop  }
0x1e: {  	[tilespmem:s9], [sflag:$0x1] =	stream.indirect.gather [hbm4b:s1+s7], $0x1, s7, s7, $0xb8;
	[tilespmem:$0x2350] =	vst v63  }
0x1f: {  	_ = 	snop  }
0x20: {  	[tilespmem:s11], [sflag:$0x1] =	stream.indirect.gather [hbm4b:s1+s7], $0x1, s10, s7, $0xb8;
	[tilespmem:$0x2350] =	vst v63  }
0x21: {  	_ = 	snop  }
0x22: {  	[tilespmem:s13], [sflag:$0x1] =	stream.indirect.gather [hbm4b:s1+s7], $0x1, s12, s7, $0xb8;
	[tilespmem:$0x2350] =	vst v63  }
0x23: {  	_ = 	snop  }
0x24: {  	[tilespmem:s15], [sflag:$0x1] =	stream.indirect.gather [hbm4b:s1+s7], $0x1, s14, s7, $0xb8;
	[tilespmem:$0x2350] =	vst v63  }
0x25: {  	_ = 	snop  }
0x26: {  	[tilespmem:s17], [sflag:$0x1] =	stream.indirect.gather [hbm4b:s1+s7], $0x1, s16, s7, $0xb8;
	[tilespmem:$0x2350] =	vst v63  }
0x27: {  	_ = 	snop  }
0x28: {  	[tilespmem:s19], [sflag:$0x1] =	stream.indirect.gather [hbm4b:s1+s7], $0x1, s18, s7, $0xb8;
	[tilespmem:$0x2350] =	vst v63  }
0x29: {  	_ = 	snop  }
0x2a: {  	[tilespmem:s21], [sflag:$0x1] =	stream.indirect.gather [hbm4b:s1+s7], $0x1, s20, s7, $0xb8;
	[tilespmem:$0x2350] =	vst v63  }
0x2b: {  	[tilespmem:$0x1400] =	vst v0  }
0x2c: {  	[tilespmem:$0x1410] =	vst v0  }
0x2d: {  	[tilespmem:$0x1420] =	vst v0  }
0x2e: {  	[tilespmem:$0x1430] =	vst v0  }
0x2f: {  	[tilespmem:$0x1440] =	vst v0  }
0x30: {  	[tilespmem:$0x1450] =	vst v0  }
0x31: {  	[tilespmem:$0x1460] =	vst v0  }
0x32: {  	[tilespmem:$0x1470] =	vst v0  }
0x33: {  	[tilespmem:$0x1480] =	vst v0  }
0x34: {  	[tilespmem:$0x1490] =	vst v0  }
0x35: {  	[tilespmem:$0x14A0] =	vst v0  }
0x36: {  	[tilespmem:$0x14B0] =	vst v0  }
0x37: {  	[tilespmem:$0x14C0] =	vst v0  }
0x38: {  	[tilespmem:$0x14D0] =	vst v0  }
0x39: {  	[tilespmem:$0x14E0] =	vst v0  }
0x3a: {  	[tilespmem:$0x14F0] =	vst v0  }
0x3b: {  	[tilespmem:$0x1500] =	vst v0  }
0x3c: {  	[tilespmem:$0x1510] =	vst v0  }
0x3d: {  	[tilespmem:$0x1520] =	vst v0  }
0x3e: {  	[tilespmem:$0x1530] =	vst v0  }
0x3f: {  	[tilespmem:$0x1540] =	vst v0  }
0x40: {  	[tilespmem:$0x1550] =	vst v0  }
0x41: {  	[tilespmem:$0x1560] =	vst v0  }
0x42: {  	[tilespmem:$0x1570] =	vst v0  }
0x43: {  	[tilespmem:$0x1580] =	vst v0  }
0x44: {  	[tilespmem:$0x1590] =	vst v0  }
0x45: {  	[tilespmem:$0x15A0] =	vst v0  }
0x46: {  	[tilespmem:$0x15B0] =	vst v0  }
0x47: {  	[tilespmem:$0x15C0] =	vst v0  }
0x48: {  	[tilespmem:$0x15D0] =	vst v0  }
0x49: {  	[tilespmem:$0x15E0] =	vst v0  }
0x4a: {  	[tilespmem:$0x15F0] =	vst v0  }
0x4b: {  	[tilespmem:$0x1600] =	vst v0  }
0x4c: {  	[tilespmem:$0x1610] =	vst v0  }
0x4d: {  	[tilespmem:$0x1620] =	vst v0  }
0x4e: {  	[tilespmem:$0x1630] =	vst v0  }
0x4f: {  	[tilespmem:$0x1640] =	vst v0  }
0x50: {  	[tilespmem:$0x1650] =	vst v0  }
0x51: {  	[tilespmem:$0x1660] =	vst v0  }
0x52: {  	[tilespmem:$0x1670] =	vst v0  }
0x53: {  	[tilespmem:$0x1680] =	vst v0  }
0x54: {  	[tilespmem:$0x1690] =	vst v0  }
0x55: {  	[tilespmem:$0x16A0] =	vst v0  }
0x56: {  	[tilespmem:$0x16B0] =	vst v0  }
0x57: {  	[tilespmem:$0x16C0] =	vst v0  }
0x58: {  	[tilespmem:$0x16D0] =	vst v0  }
0x59: {  	[tilespmem:$0x16E0] =	vst v0  }
0x5a: {  	[tilespmem:$0x16F0] =	vst v0  }
0x5b: {  	[tilespmem:$0x1700] =	vst v0  }
0x5c: {  	[tilespmem:$0x1710] =	vst v0  }
0x5d: {  	[tilespmem:$0x1720] =	vst v0  }
0x5e: {  	[tilespmem:$0x1730] =	vst v0  }
0x5f: {  	[tilespmem:$0x1740] =	vst v0  }
0x60: {  	[tilespmem:$0x1750] =	vst v0  }
0x61: {  	[tilespmem:$0x1760] =	vst v0  }
0x62: {  	[tilespmem:$0x1770] =	vst v0  }
0x63: {  	[tilespmem:$0x1780] =	vst v0  }
0x64: {  	[tilespmem:$0x1790] =	vst v0  }
0x65: {  	[tilespmem:$0x17A0] =	vst v0  }
0x66: {  	[tilespmem:$0x17B0] =	vst v0  }
0x67: {  	[tilespmem:$0x17C0] =	vst v0  }
0x68: {  	[tilespmem:$0x17D0] =	vst v0  }
0x69: {  	[tilespmem:$0x17E0] =	vst v0  }
0x6a: {  	[tilespmem:$0x17F0] =	vst v0  }
0x6b: {  	[tilespmem:$0x1800] =	vst v0  }
0x6c: {  	[tilespmem:$0x1810] =	vst v0  }
0x6d: {  	[tilespmem:$0x1820] =	vst v0  }
0x6e: {  	[tilespmem:$0x1830] =	vst v0  }
0x6f: {  	[tilespmem:$0x1840] =	vst v0  }
0x70: {  	[tilespmem:$0x1850] =	vst v0  }
0x71: {  	[tilespmem:$0x1860] =	vst v0  }
0x72: {  	[tilespmem:$0x1870] =	vst v0  }
0x73: {  	[tilespmem:$0x1880] =	vst v0  }
0x74: {  	[tilespmem:$0x1890] =	vst v0  }
0x75: {  	[tilespmem:$0x18A0] =	vst v0  }
0x76: {  	[tilespmem:$0x18B0] =	vst v0  }
0x77: {  	[tilespmem:$0x18C0] =	vst v0  }
0x78: {  	[tilespmem:$0x18D0] =	vst v0  }
0x79: {  	[tilespmem:$0x18E0] =	vst v0  }
0x7a: {  	[tilespmem:$0x18F0] =	vst v0  }
0x7b: {  	[tilespmem:$0x1900] =	vst v0  }
0x7c: {  	[tilespmem:$0x1910] =	vst v0  }
0x7d: {  	[tilespmem:$0x1920] =	vst v0  }
0x7e: {  	[tilespmem:$0x1930] =	vst v0  }
0x7f: {  	[tilespmem:$0x1940] =	vst v0  }
0x80: {  	[tilespmem:$0x1950] =	vst v0  }
0x81: {  	[tilespmem:$0x1960] =	vst v0  }
0x82: {  	[tilespmem:$0x1970] =	vst v0  }
0x83: {  	[tilespmem:$0x1980] =	vst v0  }
0x84: {  	[tilespmem:$0x1990] =	vst v0  }
0x85: {  	[tilespmem:$0x19A0] =	vst v0  }
0x86: {  	[tilespmem:$0x19B0] =	vst v0  }
0x87: {  	[tilespmem:$0x19C0] =	vst v0  }
0x88: {  	[tilespmem:$0x19D0] =	vst v0  }
0x89: {  	[tilespmem:$0x19E0] =	vst v0  }
0x8a: {  	[tilespmem:$0x19F0] =	vst v0  }
0x8b: {  	[tilespmem:$0x1A00] =	vst v0  }
0x8c: {  	[tilespmem:$0x1A10] =	vst v0  }
0x8d: {  	[tilespmem:$0x1A20] =	vst v0  }
0x8e: {  	[tilespmem:$0x1A30] =	vst v0  }
0x8f: {  	[tilespmem:$0x1A40] =	vst v0  }
0x90: {  	[tilespmem:$0x1A50] =	vst v0  }
0x91: {  	[tilespmem:$0x1A60] =	vst v0  }
0x92: {  	[tilespmem:$0x1A70] =	vst v0  }
0x93: {  	[tilespmem:$0x1A80] =	vst v0  }
0x94: {  	[tilespmem:$0x1A90] =	vst v0  }
0x95: {  	[tilespmem:$0x1AA0] =	vst v0  }
0x96: {  	[tilespmem:$0x1AB0] =	vst v0  }
0x97: {  	[tilespmem:$0x1AC0] =	vst v0  }
0x98: {  	[tilespmem:$0x1AD0] =	vst v0  }
0x99: {  	[tilespmem:$0x1AE0] =	vst v0  }
0x9a: {  	[tilespmem:$0x1AF0] =	vst v0  }
0x9b: {  	[tilespmem:$0x1B00] =	vst v0  }
0x9c: {  	[tilespmem:$0x1B10] =	vst v0  }
0x9d: {  	[tilespmem:$0x1B20] =	vst v0  }
0x9e: {  	[tilespmem:$0x1B30] =	vst v0  }
0x9f: {  	[tilespmem:$0x1B40] =	vst v0  }
0xa0: {  	[tilespmem:$0x1B50] =	vst v0  }
0xa1: {  	[tilespmem:$0x1B60] =	vst v0  }
0xa2: {  	[tilespmem:$0x1B70] =	vst v0  }
0xa3: {  	[tilespmem:$0x1B80] =	vst v0  }
0xa4: {  	s0 =	rddreg [dreg:$0x5];
	[tilespmem:$0x1B90] =	vst v0  }
0xa5: {  	[spmem:s0] =	stream.linear.scatter [tilespmem:s22], [sflag:$0x2], $0x7A8, $0x38;
	[tilespmem:$0x2350] =	vst v63  }
0xa6: {  	_ =	swait.ge [sflag:s6], $0x7A8  }
0xa7: {  	[sflag:s6] =	ssyncset.done $0x0  }
0xa8: {  	[sflag:s6] =	ssyncadd.s32 $0xFFFFF858  }
0xa9: {  	[bflag:$0x0] =	sbarrier.arrive $0xFFFF  }
0xaa: {  	s0 =	rddreg [dreg:$0x6]  }
0xab: {  	[tilespmem:s23], [sflag:$0x2] =	stream.linear.gather [hbm4b:s0+s4], $0x200, $0x38;
	[tilespmem:$0x2350] =	vst v63  }
0xac: {  	_ =	swait.ge [sflag:s6], $0x200  }
0xad: {  	[sflag:s6] =	ssyncset.done $0x0  }
0xae: {  	[sflag:s6] =	ssyncadd.s32 $0xFFFFFE00  }
0xaf: {  	v2 =	vld [tilespmem:$0x800];
	_ =	sdelay $0x1  }
0xb0: {  	v3 =	vld [tilespmem:$0x810];
	_ =	sdelay $0x1  }
0xb1: {  	v4 =	vld [tilespmem:$0x820]  }
0xb2: {  	v5 =	vshrl.u32 v2, $0x5;
	v2 =	vand.u32 $0x1F, v2  }
0xb3: {  	v58 =	vld [tilespmem:$0x830];
	[tilespmem:$0xA00] =	vst v5;
	v2 =	vshll.u32 v1, v2  }
0xb4: {  	[tilespmem:$0xC00] =	vst v2;
	v2 =	vshrl.u32 v3, $0x5;
	v3 =	vand.u32 $0x1F, v3  }
0xb5: {  	[tilespmem:$0xA10] =	vst v2;
	v2 =	vshll.u32 v1, v3;
	v3 =	vld [tilespmem:$0x840]  }
0xb6: {  	[tilespmem:$0xC10] =	vst v2;
	v2 =	vshrl.u32 v4, $0x5;
	v4 =	vand.u32 $0x1F, v4  }
0xb7: {  	v59 =	vld [tilespmem:$0x850];
	[tilespmem:$0xA20] =	vst v2;
	v2 =	vshll.u32 v1, v4  }
0xb8: {  	v5 =	vand.u32 $0x1F, v58;
	[tilespmem:$0xC20] =	vst v2;
	v2 =	vshrl.u32 v58, $0x5  }
0xb9: {  	v60 =	vld [tilespmem:$0x860];
	[tilespmem:$0xA30] =	vst v2;
	v2 =	vshll.u32 v1, v5  }
0xba: {  	[tilespmem:$0xC30] =	vst v2;
	v2 =	vshrl.u32 v3, $0x5;
	v3 =	vand.u32 $0x1F, v3  }
0xbb: {  	[tilespmem:$0xA40] =	vst v2;
	v2 =	vshll.u32 v1, v3;
	v3 =	vld [tilespmem:$0x870]  }
0xbc: {  	v4 =	vand.u32 $0x1F, v59;
	[tilespmem:$0xC40] =	vst v2;
	v2 =	vshrl.u32 v59, $0x5  }
0xbd: {  	v61 =	vld [tilespmem:$0x880];
	[tilespmem:$0xA50] =	vst v2;
	v2 =	vshll.u32 v1, v4  }
0xbe: {  	v5 =	vand.u32 $0x1F, v60;
	[tilespmem:$0xC50] =	vst v2;
	v2 =	vshrl.u32 v60, $0x5  }
0xbf: {  	v62 =	vld [tilespmem:$0x890];
	[tilespmem:$0xA60] =	vst v2;
	v2 =	vshll.u32 v1, v5  }
0xc0: {  	[tilespmem:$0xC60] =	vst v2;
	v2 =	vshrl.u32 v3, $0x5;
	v3 =	vand.u32 $0x1F, v3  }
0xc1: {  	[tilespmem:$0xA70] =	vst v2;
	v2 =	vshll.u32 v1, v3;
	v3 =	vld [tilespmem:$0x8A0]  }
0xc2: {  	v4 =	vand.u32 $0x1F, v61;
	[tilespmem:$0xC70] =	vst v2;
	v2 =	vshrl.u32 v61, $0x5  }
0xc3: {  	v63 =	vld [tilespmem:$0x8B0];
	[tilespmem:$0xA80] =	vst v2;
	v2 =	vshll.u32 v1, v4  }
0xc4: {  	v5 =	vand.u32 $0x1F, v62;
	[tilespmem:$0xC80] =	vst v2;
	v2 =	vshrl.u32 v62, $0x5  }
0xc5: {  	v8 =	vld [tilespmem:$0x8C0];
	[tilespmem:$0xA90] =	vst v2;
	v2 =	vshll.u32 v1, v5  }
0xc6: {  	[tilespmem:$0xC90] =	vst v2;
	v2 =	vshrl.u32 v3, $0x5;
	v3 =	vand.u32 $0x1F, v3  }
0xc7: {  	[tilespmem:$0xAA0] =	vst v2;
	v2 =	vshll.u32 v1, v3;
	v3 =	vld [tilespmem:$0x8D0]  }
0xc8: {  	v4 =	vand.u32 $0x1F, v63;
	[tilespmem:$0xCA0] =	vst v2;
	v2 =	vshrl.u32 v63, $0x5  }
0xc9: {  	v9 =	vld [tilespmem:$0x8E0];
	[tilespmem:$0xAB0] =	vst v2;
	v2 =	vshll.u32 v1, v4  }
0xca: {  	v5 =	vand.u32 $0x1F, v8;
	[tilespmem:$0xCB0] =	vst v2;
	v2 =	vshrl.u32 v8, $0x5  }
0xcb: {  	v10 =	vld [tilespmem:$0x8F0];
	[tilespmem:$0xAC0] =	vst v2;
	v2 =	vshll.u32 v1, v5  }
0xcc: {  	[tilespmem:$0xCC0] =	vst v2;
	v2 =	vshrl.u32 v3, $0x5;
	v3 =	vand.u32 $0x1F, v3  }
0xcd: {  	[tilespmem:$0xAD0] =	vst v2;
	v2 =	vshll.u32 v1, v3;
	v3 =	vld [tilespmem:$0x900]  }
0xce: {  	v4 =	vand.u32 $0x1F, v9;
	[tilespmem:$0xCD0] =	vst v2;
	v2 =	vshrl.u32 v9, $0x5  }
0xcf: {  	v11 =	vld [tilespmem:$0x910];
	[tilespmem:$0xAE0] =	vst v2;
	v2 =	vshll.u32 v1, v4  }
0xd0: {  	v5 =	vand.u32 $0x1F, v10;
	[tilespmem:$0xCE0] =	vst v2;
	v2 =	vshrl.u32 v10, $0x5  }
0xd1: {  	v12 =	vld [tilespmem:$0x920];
	[tilespmem:$0xAF0] =	vst v2;
	v2 =	vshll.u32 v1, v5  }
0xd2: {  	[tilespmem:$0xCF0] =	vst v2;
	v2 =	vshrl.u32 v3, $0x5;
	v3 =	vand.u32 $0x1F, v3  }
0xd3: {  	[tilespmem:$0xB00] =	vst v2;
	v2 =	vshll.u32 v1, v3;
	v3 =	vld [tilespmem:$0x930]  }
0xd4: {  	v4 =	vand.u32 $0x1F, v11;
	[tilespmem:$0xD00] =	vst v2;
	v2 =	vshrl.u32 v11, $0x5  }
0xd5: {  	v13 =	vld [tilespmem:$0x940];
	[tilespmem:$0xB10] =	vst v2;
	v2 =	vshll.u32 v1, v4  }
0xd6: {  	v5 =	vand.u32 $0x1F, v12;
	[tilespmem:$0xD10] =	vst v2;
	v2 =	vshrl.u32 v12, $0x5  }
0xd7: {  	v14 =	vld [tilespmem:$0x950];
	[tilespmem:$0xB20] =	vst v2;
	v2 =	vshll.u32 v1, v5  }
0xd8: {  	[tilespmem:$0xD20] =	vst v2;
	v2 =	vshrl.u32 v3, $0x5;
	v3 =	vand.u32 $0x1F, v3  }
0xd9: {  	[tilespmem:$0xB30] =	vst v2;
	v2 =	vshll.u32 v1, v3;
	v3 =	vld [tilespmem:$0x960]  }
0xda: {  	v4 =	vand.u32 $0x1F, v13;
	[tilespmem:$0xD30] =	vst v2;
	v2 =	vshrl.u32 v13, $0x5  }
0xdb: {  	v15 =	vld [tilespmem:$0x970];
	[tilespmem:$0xB40] =	vst v2;
	v2 =	vshll.u32 v1, v4  }
0xdc: {  	v5 =	vand.u32 $0x1F, v14;
	[tilespmem:$0xD40] =	vst v2;
	v2 =	vshrl.u32 v14, $0x5  }
0xdd: {  	v16 =	vld [tilespmem:$0x980];
	[tilespmem:$0xB50] =	vst v2;
	v2 =	vshll.u32 v1, v5  }
0xde: {  	[tilespmem:$0xD50] =	vst v2;
	v2 =	vshrl.u32 v3, $0x5;
	v3 =	vand.u32 $0x1F, v3  }
0xdf: {  	[tilespmem:$0xB60] =	vst v2;
	v2 =	vshll.u32 v1, v3;
	v3 =	vld [tilespmem:$0x990]  }
0xe0: {  	v4 =	vand.u32 $0x1F, v15;
	[tilespmem:$0xD60] =	vst v2;
	v2 =	vshrl.u32 v15, $0x5  }
0xe1: {  	v17 =	vld [tilespmem:$0x9A0];
	[tilespmem:$0xB70] =	vst v2;
	v2 =	vshll.u32 v1, v4  }
0xe2: {  	v5 =	vand.u32 $0x1F, v16;
	[tilespmem:$0xD70] =	vst v2;
	v2 =	vshrl.u32 v16, $0x5  }
0xe3: {  	v18 =	vld [tilespmem:$0x9B0];
	[tilespmem:$0xB80] =	vst v2;
	v2 =	vshll.u32 v1, v5  }
0xe4: {  	[tilespmem:$0xD80] =	vst v2;
	v2 =	vshrl.u32 v3, $0x5;
	v3 =	vand.u32 $0x1F, v3  }
0xe5: {  	[tilespmem:$0xB90] =	vst v2;
	v2 =	vshll.u32 v1, v3;
	v3 =	vld [tilespmem:$0x9C0]  }
0xe6: {  	v4 =	vand.u32 $0x1F, v17;
	[tilespmem:$0xD90] =	vst v2;
	v2 =	vshrl.u32 v17, $0x5  }
0xe7: {  	v19 =	vld [tilespmem:$0x9D0];
	[tilespmem:$0xBA0] =	vst v2;
	v2 =	vshll.u32 v1, v4  }
0xe8: {  	v5 =	vand.u32 $0x1F, v18;
	[tilespmem:$0xDA0] =	vst v2;
	v2 =	vshrl.u32 v18, $0x5  }
0xe9: {  	v20 =	vld [tilespmem:$0x9E0];
	[tilespmem:$0xBB0] =	vst v2;
	v2 =	vshll.u32 v1, v5  }
0xea: {  	[tilespmem:$0xDB0] =	vst v2;
	v2 =	vshrl.u32 v3, $0x5;
	v3 =	vand.u32 $0x1F, v3  }
0xeb: {  	[tilespmem:$0xBC0] =	vst v2;
	v2 =	vshll.u32 v1, v3;
	v3 =	vld [tilespmem:$0x9F0]  }
0xec: {  	v4 =	vand.u32 $0x1F, v19;
	[tilespmem:$0xDC0] =	vst v2;
	v2 =	vshrl.u32 v19, $0x5  }
0xed: {  	[tilespmem:$0xBD0] =	vst v2;
	v2 =	vshll.u32 v1, v4  }
0xee: {  	v21 =	vand.u32 $0x1F, v20;
	[tilespmem:$0xDD0] =	vst v2;
	v2 =	vshrl.u32 v20, $0x5  }
0xef: {  	[tilespmem:$0xBE0] =	vst v2;
	v2 =	vshll.u32 v1, v21  }
0xf0: {  	[tilespmem:$0xDE0] =	vst v2;
	v2 =	vshrl.u32 v3, $0x5;
	v3 =	vand.u32 $0x1F, v3  }
0xf1: {  	[tilespmem:$0xBF0] =	vst v2;
	v2 =	vshll.u32 v1, v3  }
0xf2: {  	[tilespmem:$0xDF0] =	vst v2  }
0xf3: {  	[spmem:s3] =	stream.indirect.scatter.add.s32 [tilespmem:s26], [sflag:$0x2], $0x1, s25, s24, $0xb8;
	[tilespmem:$0x2350] =	vst v63  }
0xf4: {  	_ =	swait.ge [sflag:s6], $0x200  }
0xf5: {  	[sflag:s6] =	ssyncset.done $0x0  }
0xf6: {  	[sflag:s6] =	ssyncadd.s32 $0xFFFFFE00  }
0xf7: {  	[bflag:$0x0] =	sbarrier.arrive $0xFFFF  }
0xf8: {  	s0 =	rddreg [dreg:$0x7]  }
0xf9: {  	[tilespmem:s28], [sflag:$0x2] =	stream.linear.gather [hbm4b:s0+s4], $0x200, $0x38;
	[tilespmem:$0x2350] =	vst v63  }
0xfa: {  	_ =	swait.ge [sflag:s6], $0x200  }
0xfb: {  	[sflag:s6] =	ssyncset.done $0x0  }
0xfc: {  	[sflag:s6] =	ssyncadd.s32 $0xFFFFFE00  }
0xfd: {  	v2 =	vld [tilespmem:$0x600]  }
0xfe: {  	v3 =	vld [tilespmem:$0x610]  }
0xff: {  	v22 =	vld [tilespmem:$0x620]  }
0x100: {  	v23 =	vld [tilespmem:$0x630]  }
0x101: {  	v6 =	vld [tilespmem:$0x640]  }
0x102: {  	v7 =	vld [tilespmem:$0x650];
	v2 =	vshrl.u32 v2, $0x5  }
0x103: {  	[tilespmem:$0xE00] =	vst v2;
	v2 =	vshrl.u32 v3, $0x5;
	v3 =	vld [tilespmem:$0x660]  }
0x104: {  	v24 =	vld [tilespmem:$0x670];
	[tilespmem:$0xE10] =	vst v2;
	v2 =	vshrl.u32 v22, $0x5  }
0x105: {  	v25 =	vld [tilespmem:$0x680];
	[tilespmem:$0xE20] =	vst v2;
	v2 =	vshrl.u32 v23, $0x5  }
0x106: {  	v26 =	vld [tilespmem:$0x690];
	[tilespmem:$0xE30] =	vst v2;
	v2 =	vshrl.u32 v6, $0x5  }
0x107: {  	v27 =	vld [tilespmem:$0x6A0];
	[tilespmem:$0xE40] =	vst v2;
	v2 =	vshrl.u32 v7, $0x5  }
0x108: {  	[tilespmem:$0xE50] =	vst v2;
	v2 =	vshrl.u32 v3, $0x5;
	v3 =	vld [tilespmem:$0x6B0]  }
0x109: {  	v28 =	vld [tilespmem:$0x6C0];
	[tilespmem:$0xE60] =	vst v2;
	v2 =	vshrl.u32 v24, $0x5  }
0x10a: {  	v29 =	vld [tilespmem:$0x6D0];
	[tilespmem:$0xE70] =	vst v2;
	v2 =	vshrl.u32 v25, $0x5  }
0x10b: {  	v30 =	vld [tilespmem:$0x6E0];
	[tilespmem:$0xE80] =	vst v2;
	v2 =	vshrl.u32 v26, $0x5  }
0x10c: {  	v31 =	vld [tilespmem:$0x6F0];
	[tilespmem:$0xE90] =	vst v2;
	v2 =	vshrl.u32 v27, $0x5  }
0x10d: {  	[tilespmem:$0xEA0] =	vst v2;
	v2 =	vshrl.u32 v3, $0x5;
	v3 =	vld [tilespmem:$0x700]  }
0x10e: {  	v32 =	vld [tilespmem:$0x710];
	[tilespmem:$0xEB0] =	vst v2;
	v2 =	vshrl.u32 v28, $0x5  }
0x10f: {  	v33 =	vld [tilespmem:$0x720];
	[tilespmem:$0xEC0] =	vst v2;
	v2 =	vshrl.u32 v29, $0x5  }
0x110: {  	v34 =	vld [tilespmem:$0x730];
	[tilespmem:$0xED0] =	vst v2;
	v2 =	vshrl.u32 v30, $0x5  }
0x111: {  	v35 =	vld [tilespmem:$0x740];
	[tilespmem:$0xEE0] =	vst v2;
	v2 =	vshrl.u32 v31, $0x5  }
0x112: {  	[tilespmem:$0xEF0] =	vst v2;
	v2 =	vshrl.u32 v3, $0x5;
	v3 =	vld [tilespmem:$0x750]  }
0x113: {  	v36 =	vld [tilespmem:$0x760];
	[tilespmem:$0xF00] =	vst v2;
	v2 =	vshrl.u32 v32, $0x5  }
0x114: {  	v37 =	vld [tilespmem:$0x770];
	[tilespmem:$0xF10] =	vst v2;
	v2 =	vshrl.u32 v33, $0x5  }
0x115: {  	v38 =	vld [tilespmem:$0x780];
	[tilespmem:$0xF20] =	vst v2;
	v2 =	vshrl.u32 v34, $0x5  }
0x116: {  	v39 =	vld [tilespmem:$0x790];
	[tilespmem:$0xF30] =	vst v2;
	v2 =	vshrl.u32 v35, $0x5  }
0x117: {  	[tilespmem:$0xF40] =	vst v2;
	v2 =	vshrl.u32 v3, $0x5;
	v3 =	vld [tilespmem:$0x7A0]  }
0x118: {  	v40 =	vld [tilespmem:$0x7B0];
	[tilespmem:$0xF50] =	vst v2;
	v2 =	vshrl.u32 v36, $0x5  }
0x119: {  	v41 =	vld [tilespmem:$0x7C0];
	[tilespmem:$0xF60] =	vst v2;
	v2 =	vshrl.u32 v37, $0x5  }
0x11a: {  	v42 =	vld [tilespmem:$0x7D0];
	[tilespmem:$0xF70] =	vst v2;
	v2 =	vshrl.u32 v38, $0x5  }
0x11b: {  	v43 =	vld [tilespmem:$0x7E0];
	[tilespmem:$0xF80] =	vst v2;
	v2 =	vshrl.u32 v39, $0x5  }
0x11c: {  	[tilespmem:$0xF90] =	vst v2;
	v2 =	vshrl.u32 v3, $0x5;
	v3 =	vld [tilespmem:$0x7F0]  }
0x11d: {  	[tilespmem:$0xFA0] =	vst v2;
	v2 =	vshrl.u32 v40, $0x5  }
0x11e: {  	[tilespmem:$0xFB0] =	vst v2;
	v2 =	vshrl.u32 v41, $0x5  }
0x11f: {  	[tilespmem:$0xFC0] =	vst v2;
	v2 =	vshrl.u32 v42, $0x5  }
0x120: {  	[tilespmem:$0xFD0] =	vst v2;
	v2 =	vshrl.u32 v43, $0x5  }
0x121: {  	[tilespmem:$0xFE0] =	vst v2;
	v2 =	vshrl.u32 v3, $0x5  }
0x122: {  	[tilespmem:$0xFF0] =	vst v2  }
0x123: {  	[tilespmem:s30], [sflag:$0x2] =	stream.indirect.gather [spmem:s3], $0x1, s29, s24, $0xb8;
	[tilespmem:$0x2350] =	vst v63  }
0x124: {  	_ =	swait.ge [sflag:s6], $0x200  }
0x125: {  	[sflag:s6] =	ssyncset.done $0x0  }
0x126: {  	[sflag:s6] =	ssyncadd.s32 $0xFFFFFE00  }
0x127: {  	v2 =	vld [tilespmem:$0x600]  }
0x128: {  	v3 =	vld [tilespmem:$0x1000]  }
0x129: {  	v44 =	vld [tilespmem:$0x610]  }
0x12a: {  	v46 =	vld [tilespmem:$0x620]  }
0x12b: {  	v47 =	vld [tilespmem:$0x1020]  }
0x12c: {  	v8 =	vld [tilespmem:$0x630]  }
0x12d: {  	v9 =	vld [tilespmem:$0x1030]  }
0x12e: {  	v10 =	vld [tilespmem:$0x640]  }
0x12f: {  	v11 =	vld [tilespmem:$0x1040]  }
0x130: {  	v12 =	vld [tilespmem:$0x650]  }
0x131: {  	v13 =	vld [tilespmem:$0x1050]  }
0x132: {  	v14 =	vld [tilespmem:$0x660]  }
0x133: {  	v15 =	vld [tilespmem:$0x1060]  }
0x134: {  	v16 =	vld [tilespmem:$0x670]  }
0x135: {  	v17 =	vld [tilespmem:$0x1070]  }
0x136: {  	v18 =	vld [tilespmem:$0x680]  }
0x137: {  	v19 =	vld [tilespmem:$0x1080]  }
0x138: {  	v20 =	vld [tilespmem:$0x690]  }
0x139: {  	v21 =	vld [tilespmem:$0x1090]  }
0x13a: {  	v22 =	vld [tilespmem:$0x6A0]  }
0x13b: {  	v23 =	vld [tilespmem:$0x10A0]  }
0x13c: {  	v24 =	vld [tilespmem:$0x6B0]  }
0x13d: {  	v26 =	vld [tilespmem:$0x6C0]  }
0x13e: {  	v28 =	vld [tilespmem:$0x6D0]  }
0x13f: {  	v49 =	vld [tilespmem:$0x6E0]  }
0x140: {  	v51 =	vld [tilespmem:$0x6F0]  }
0x141: {  	v56 =	vld [tilespmem:$0x710]  }
0x142: {  	v38 =	vld [tilespmem:$0x750];
	v2 =	vand.u32 $0x1F, v2;
	v6 =	vand.u32 $0x1F, v46  }
0x143: {  	v25 =	vld [tilespmem:$0x10B0];
	v50 =	vand.u32 $0x1F, v8;
	v52 =	vand.u32 $0x1F, v10;
	v12 =	vand.u32 $0x1F, v12  }
0x144: {  	v27 =	vld [tilespmem:$0x10C0];
	v55 =	vand.u32 $0x1F, v14;
	v57 =	vand.u32 $0x1F, v16;
	v18 =	vand.u32 $0x1F, v18  }
0x145: {  	v48 =	vld [tilespmem:$0x10D0];
	v60 =	vand.u32 $0x1F, v20;
	v62 =	vand.u32 $0x1F, v22;
	v34 =	vand.u32 $0x1F, v24  }
0x146: {  	v29 =	vld [tilespmem:$0x10E0];
	v37 =	vand.u32 $0x1F, v26;
	v41 =	vand.u32 $0x1F, v28;
	v5 =	vand.u32 $0x1F, v49  }
0x147: {  	v53 =	vld [tilespmem:$0x10F0];
	v8 =	vand.u32 $0x1F, v51;
	v14 =	vand.u32 $0x1F, v56;
	v28 =	vand.u32 $0x1F, v38  }
0x148: {  	v54 =	vld [tilespmem:$0x700];
	v2 =	vshrl.u32 v3, v2;
	v3 =	vand.u32 $0x1F, v44;
	v6 =	vshrl.u32 v47, v6  }
0x149: {  	v58 =	vld [tilespmem:$0x1110];
	v7 =	vshrl.u32 v9, v50;
	v9 =	vshrl.u32 v11, v52;
	v12 =	vshrl.u32 v13, v12  }
0x14a: {  	v59 =	vld [tilespmem:$0x720];
	v13 =	vshrl.u32 v15, v55;
	v15 =	vshrl.u32 v17, v57;
	v18 =	vshrl.u32 v19, v18  }
0x14b: {  	v61 =	vld [tilespmem:$0x730];
	v19 =	vshrl.u32 v21, v60;
	v21 =	vshrl.u32 v23, v62;
	v36 =	vshrl.u32 v25, v34  }
0x14c: {  	v32 =	vld [tilespmem:$0x740];
	v40 =	vshrl.u32 v27, v37;
	v4 =	vshrl.u32 v48, v41;
	v5 =	vshrl.u32 v29, v5  }
0x14d: {  	v45 =	vld [tilespmem:$0x1010];
	v8 =	vshrl.u32 v53, v8;
	v47 =	vand.u32 $0x1F, v54;
	v2 =	vand.u32 $0x1, v2  }
0x14e: {  	v30 =	vld [tilespmem:$0x1100];
	v51 =	vshrl.u32 v58, v14;
	v6 =	vand.u32 $0x1, v6;
	v2 =	vcvt.s32.f32 v2  }
0x14f: {  	v31 =	vld [tilespmem:$0x1120];
	v52 =	vand.u32 $0x1F, v59;
	v7 =	vand.u32 $0x1, v7;
	v6 =	vcvt.s32.f32 v6  }
0x150: {  	v63 =	vld [tilespmem:$0x1130];
	v55 =	vand.u32 $0x1F, v61;
	v9 =	vand.u32 $0x1, v9;
	v7 =	vcvt.s32.f32 v7;
	[tilespmem:$0x1200] =	vst v2  }
0x151: {  	v35 =	vld [tilespmem:$0x1140];
	v61 =	vand.u32 $0x1F, v32;
	v12 =	vand.u32 $0x1, v12;
	v9 =	vcvt.s32.f32 v9;
	[tilespmem:$0x1220] =	vst v6  }
0x152: {  	v42 =	vld [tilespmem:$0x1150];
	v3 =	vshrl.u32 v45, v3;
	v13 =	vand.u32 $0x1, v13;
	v12 =	vcvt.s32.f32 v12;
	[tilespmem:$0x1230] =	vst v7  }
0x153: {  	v46 =	vld [tilespmem:$0x770];
	v15 =	vand.u32 $0x1, v15;
	v18 =	vand.u32 $0x1, v18;
	v13 =	vcvt.s32.f32 v13;
	[tilespmem:$0x1240] =	vst v9  }
0x154: {  	v49 =	vld [tilespmem:$0x780];
	v19 =	vand.u32 $0x1, v19;
	v33 =	vand.u32 $0x1, v21;
	v15 =	vcvt.s32.f32 v15;
	[tilespmem:$0x1250] =	vst v12  }
0x155: {  	v44 =	vld [tilespmem:$0x760];
	v39 =	vand.u32 $0x1, v36;
	v4 =	vand.u32 $0x1, v4;
	v18 =	vcvt.s32.f32 v18;
	[tilespmem:$0x1260] =	vst v13  }
0x156: {  	v48 =	vld [tilespmem:$0x1170];
	v43 =	vand.u32 $0x1, v40;
	v5 =	vand.u32 $0x1, v5;
	v4 =	vcvt.s32.f32 v4;
	[tilespmem:$0x1270] =	vst v15  }
0x157: {  	v50 =	vld [tilespmem:$0x1180];
	v8 =	vand.u32 $0x1, v8;
	v10 =	vshrl.u32 v30, v47;
	v5 =	vcvt.s32.f32 v5;
	[tilespmem:$0x1280] =	vst v18  }
0x158: {  	v53 =	vld [tilespmem:$0x790];
	v58 =	vshrl.u32 v63, v55;
	v3 =	vand.u32 $0x1, v3;
	v8 =	vcvt.s32.f32 v8;
	[tilespmem:$0x12D0] =	vst v4  }
0x159: {  	v59 =	vld [tilespmem:$0x7A0];
	v54 =	vshrl.u32 v31, v52;
	v60 =	vand.u32 $0x1, v58;
	v3 =	vcvt.s32.f32 v3;
	[tilespmem:$0x12E0] =	vst v5  }
0x15a: {  	v29 =	vld [tilespmem:$0x7B0];
	v27 =	vshrl.u32 v35, v61;
	v31 =	vshrl.u32 v42, v28;
	v63 =	vcvt.s32.f32 v60;
	[tilespmem:$0x12F0] =	vst v8  }
0x15b: {  	v41 =	vld [tilespmem:$0x7D0];
	v10 =	vand.u32 $0x1, v10;
	v57 =	vand.u32 $0x1, v54;
	v2 =	vcvt.s32.f32 v19;
	[tilespmem:$0x1210] =	vst v3  }
0x15c: {  	v56 =	vld [tilespmem:$0x1190];
	v30 =	vand.u32 $0x1, v27;
	v6 =	vcvt.s32.f32 v39;
	v7 =	vcvt.s32.f32 v43;
	[tilespmem:$0x1330] =	vst v63  }
0x15d: {  	v45 =	vld [tilespmem:$0x1160];
	v5 =	vcvt.s32.f32 v30;
	v37 =	vand.u32 $0x1F, v46;
	v40 =	vand.u32 $0x1F, v49;
	[tilespmem:$0x1290] =	vst v2  }
0x15e: {  	v38 =	vld [tilespmem:$0x11C0];
	v3 =	vcvt.s32.f32 v33;
	v32 =	vand.u32 $0x1F, v44;
	v39 =	vshrl.u32 v48, v37;
	[tilespmem:$0x12B0] =	vst v6  }
0x15f: {  	v35 =	vld [tilespmem:$0x7C0];
	v43 =	vshrl.u32 v50, v40;
	v44 =	vand.u32 $0x1F, v53;
	v48 =	vand.u32 $0x1F, v59;
	[tilespmem:$0x12C0] =	vst v7  }
0x160: {  	v62 =	vld [tilespmem:$0x11A0];
	v52 =	vand.u32 $0x1F, v29;
	v58 =	vand.u32 $0x1F, v41;
	v2 =	vcvt.s32.f32 v10;
	[tilespmem:$0x1340] =	vst v5  }
0x161: {  	v49 =	vld [tilespmem:$0x7E0];
	v6 =	vcvt.s32.f32 v57;
	v7 =	vand.u32 $0x1, v31;
	[tilespmem:$0x12A0] =	vst v3;
	v3 =	vand.u32 $0x1, v51  }
0x162: {  	v33 =	vld [tilespmem:$0x11B0];
	v34 =	vshrl.u32 v45, v32;
	v42 =	vand.u32 $0x1, v39;
	v3 =	vcvt.s32.f32 v3;
	[tilespmem:$0x1300] =	vst v2  }
0x163: {  	v45 =	vld [tilespmem:$0x11D0];
	v47 =	vshrl.u32 v56, v44;
	v36 =	vand.u32 $0x1, v34;
	v2 =	vcvt.s32.f32 v7;
	[tilespmem:$0x1320] =	vst v6  }
0x164: {  	v50 =	vand.u32 $0x1, v43;
	v55 =	vand.u32 $0x1F, v35;
	v56 =	vld [tilespmem:$0x7F0];
	[tilespmem:$0x1310] =	vst v3;
	v3 =	vcvt.s32.f32 v36  }
0x165: {  	v53 =	vld [tilespmem:$0x11E0];
	v51 =	vshrl.u32 v62, v48;
	v57 =	vshrl.u32 v38, v55;
	[tilespmem:$0x1350] =	vst v2;
	v2 =	vcvt.s32.f32 v50  }
0x166: {  	v59 =	vld [tilespmem:$0x11F0];
	v46 =	vcvt.s32.f32 v42;
	v7 =	vand.u32 $0x1, v51;
	v6 =	vand.u32 $0x1, v57;
	[tilespmem:$0x1360] =	vst v3  }
0x167: {  	v54 =	vshrl.u32 v33, v52;
	v3 =	vand.u32 $0x1, v47;
	[tilespmem:$0x1380] =	vst v2;
	v2 =	vcvt.s32.f32 v7  }
0x168: {  	[tilespmem:$0x1370] =	vst v46;
	v61 =	vand.u32 $0x1F, v49;
	v5 =	vand.u32 $0x1, v54;
	v3 =	vcvt.s32.f32 v3  }
0x169: {  	v60 =	vshrl.u32 v45, v58;
	v62 =	vand.u32 $0x1F, v56;
	v5 =	vcvt.s32.f32 v5;
	[tilespmem:$0x13A0] =	vst v2  }
0x16a: {  	v4 =	vand.u32 $0x1, v60;
	v2 =	vcvt.s32.f32 v6;
	[tilespmem:$0x1390] =	vst v3;
	v3 =	vshrl.u32 v53, v61  }
0x16b: {  	v63 =	vshrl.u32 v59, v62;
	v4 =	vcvt.s32.f32 v4;
	[tilespmem:$0x13B0] =	vst v5;
	v3 =	vand.u32 $0x1, v3  }
0x16c: {  	[tilespmem:$0x13C0] =	vst v2;
	v2 =	vcvt.s32.f32 v3;
	v3 =	vand.u32 $0x1, v63  }
0x16d: {  	[tilespmem:$0x13D0] =	vst v4;
	v3 =	vcvt.s32.f32 v3  }
0x16e: {  	[tilespmem:$0x13E0] =	vst v2  }
0x16f: {  	s0 =	rddreg [dreg:$0x8];
	[tilespmem:$0x13F0] =	vst v3  }
0x170: {  	[hbm4b:s0+s4] =	stream.linear.scatter [tilespmem:s31], [sflag:$0x2], $0x200, $0x38;
	[tilespmem:$0x2350] =	vst v63  }
0x171: {  	_ =	swait.ge [sflag:s6], $0x200  }
0x172: {  	[sflag:s6] =	ssyncset.done $0x0  }
0x173: {  	[sflag:s6] =	ssyncadd.s32 $0xFFFFFE00  }
0x174: {  	_ =	swait.ge [sflag:s2], $0x60  }
0x175: {  	[sflag:s2] =	ssyncset.done $0x0  }
0x176: {  	[sflag:s2] =	ssyncadd.s32 $0xFFFFFFA0  }
0x177: {  	_ =	swait.ge [sflag:s2], $0x60  }
0x178: {  	[sflag:s2] =	ssyncset.done $0x0  }
0x179: {  	[sflag:s2] =	ssyncadd.s32 $0xFFFFFFA0  }
0x17a: {  	_ =	swait.ge [sflag:s2], $0x60  }
0x17b: {  	[sflag:s2] =	ssyncset.done $0x0  }
0x17c: {  	[sflag:s2] =	ssyncadd.s32 $0xFFFFFFA0  }
0x17d: {  	_ =	swait.ge [sflag:s2], $0x60  }
0x17e: {  	[sflag:s2] =	ssyncset.done $0x0  }
0x17f: {  	[sflag:s2] =	ssyncadd.s32 $0xFFFFFFA0  }
0x180: {  	_ =	swait.ge [sflag:s2], $0x60  }
0x181: {  	[sflag:s2] =	ssyncset.done $0x0  }
0x182: {  	[sflag:s2] =	ssyncadd.s32 $0xFFFFFFA0  }
0x183: {  	_ =	swait.ge [sflag:s2], $0x60  }
0x184: {  	[sflag:s2] =	ssyncset.done $0x0  }
0x185: {  	[sflag:s2] =	ssyncadd.s32 $0xFFFFFFA0  }
0x186: {  	_ =	swait.ge [sflag:s2], $0x60  }
0x187: {  	[sflag:s2] =	ssyncset.done $0x0  }
0x188: {  	[sflag:s2] =	ssyncadd.s32 $0xFFFFFFA0  }
0x189: {  	_ =	swait.ge [sflag:s2], $0x60  }
0x18a: {  	p0 =	sne.s32 s5, $0x1;
	[sflag:s2] =	ssyncset.done $0x0  }
.Ltmp0:
0x18b: {  	s0 =	rddreg [dreg:$0x9];
	[sflag:s2] =	ssyncadd.s32 $0xFFFFFFA0;
	(pc) =	sbr.rel @p0 .LBB2_1-.Ltmp0, $4  }
0x18c: {  	[hbm4b:s0+s4] =	stream.linear.scatter [tilespmem:s8], [sflag:$0x2], $0x300, $0x38;
	[tilespmem:$0x2350] =	vst v63  }
0x18d: {  	_ =	swait.ge [sflag:s6], $0x300  }
0x18e: {  	[sflag:s6] =	ssyncset.done $0x0  }
0x18f: {  	s5 =	sadd.s32 $0xFFFFFFFF, s5;
	[sflag:s6] =	ssyncadd.s32 $0xFFFFFD00  }
0x190: {  	_ =	sfence.sel $0x180000  }
0x191: {  	[bflag:$0x0] =	sbarrier.arrive $0xFFFF  }
0x192: {  	_ =	strace $0x90000047  }
0x193: {  	s0 =	stileid.u32;
	[bflag:$0x2] =	sbarrier.arrive $0xFFFF  }
0x194: {  	p0 =	sne.s32 s0, $0x0;
	s0 =	rddreg [dreg:$0x3]  }
0x195: {  	s0 =	sadd.s32 @!p0 $0x100000, s0  }
0x196: {  	[sflag:s0] =	ssyncadd.tile.s32 @!p0 $0x1;
	_ =	shalt  }
.Lfunc_end2:
_tile_overlayer_lowered:
.L_overlay_start_2:
0x197: {  	(tag) =	ssettag $0x2  }
0x198: {  	s0 =	rddreg [dreg:$0x0];
	s2 =	stileid.u32  }
0x199: {  	s1 =	rddreg [dreg:$0x1];
	p0 =	sne.s32 s2, $0x0  }
0x19a: {  	s3 =	rddreg [dreg:$0x2];
	[bflag:$0x3] =	sbarrier.arrive $0xFFFF;
	s2 =	simm.s32 @!p0 $0x1C02  }
0x19b: {  	[timem:s3], [sflag:s2] =	dma.local @!p0 [hbm:s0], s1  }
0x19c: {  	s0 =	simm.s32 @!p0 $0x2  }
0x19d: {  	_ =	swait.ge @!p0 [sflag:s0], s1  }
0x19e: {  	s1 =	ssub.s32 @!p0 $0x0, s1;
	[sflag:s0] =	ssyncset.done @!p0 $0x0  }
0x19f: {  	[sflag:s0] =	ssyncadd.s32 @!p0 s1  }
0x1a0: {  	[bflag:$0x3] =	sbarrier.arrive $0xFFFF  }
0x1a1: {  	_ =	shalt  }

</sc_bundles>
